<compile_context>
chip_gen: v7x
topology: tpu7x:2x2x1
jax: 0.10.2.dev20260603
libtpu: 0.0.44.dev20260713+nightly
codegen_flags: <defaults>
</compile_context>

<pallas_src>
import functools

import jax
import jax.numpy as jnp
from jax import lax
from jax.experimental import pallas as pl
from jax.experimental.pallas import tpu as pltpu
from jax.experimental.pallas import tpu_sc as plsc

N = 10000
E = 320000
D = 128
NB = 79
NP = NB * 128
NPAD = NP - N
NC, NS = 2, 16
NW = NC * NS
CH = 128
NCH = 79
LCH = 51
EPT = NCH * CH

_MESH = plsc.VectorSubcoreMesh(
    core_axis_name="c", subcore_axis_name="s", num_cores=NC, num_subcores=NS)


@functools.partial(
    pl.kernel,
    out_type=(
        jax.ShapeDtypeStruct((NP, D), jnp.float32),
        jax.ShapeDtypeStruct((NW, NB, 128), jnp.float32),
    ),
    mesh=_MESH,
    scratch_types=[
        pltpu.VMEM((3, 128), jnp.int32),
        pltpu.VMEM((128, D), jnp.float32),
        pltpu.VMEM((128, D), jnp.float32),
        pltpu.VMEM((EPT,), jnp.int32),
        pltpu.VMEM((NB, 128), jnp.float32),
        pltpu.SemaphoreType.DMA,
        pltpu.SemaphoreType.DMA,
        pltpu.SemaphoreType.DMA,
        pltpu.SemaphoreType.DMA,
    ],
    compiler_params=pltpu.CompilerParams(needs_layout_passes=False),
)
def _stage0(table_hbm, ent_hbm, dst_hbm, zcol_hbm,
            xg_hbm, degp_hbm,
            idx_v, rows_a, rows_b, ddst_v, deg_v,
            sem_a, sem_b, sem_sa, sem_d):
    cid = lax.axis_index("c")
    sid = lax.axis_index("s")
    wid = sid * NC + cid

    nedge = jnp.where(wid == NW - 1, LCH * CH, EPT)

    @pl.when(wid < NW - 1)
    def _():
        pltpu.async_copy(dst_hbm.at[pl.ds(wid * EPT, EPT)], ddst_v, sem_d)

    @pl.when(wid == NW - 1)
    def _():
        pltpu.async_copy(dst_hbm.at[pl.ds(wid * EPT, LCH * CH)],
                         ddst_v.at[pl.ds(0, LCH * CH)], sem_d)

    b0, b1, b2 = wid, wid + NW, wid + 2 * NW
    c2 = b2 < NB
    pltpu.sync_copy(ent_hbm.at[pl.ds(b0 * 128, 128)], idx_v.at[0])
    pltpu.sync_copy(ent_hbm.at[pl.ds(b1 * 128, 128)], idx_v.at[1])

    @pl.when(c2)
    def _():
        pltpu.sync_copy(ent_hbm.at[pl.ds(b2 * 128, 128)], idx_v.at[2])

    pltpu.async_copy(table_hbm.at[idx_v.at[0]], rows_a, sem_a)
    pltpu.async_copy(table_hbm.at[idx_v.at[1]], rows_b, sem_b)
    pltpu.sync_copy(zcol_hbm, deg_v)
    pltpu.make_async_copy(table_hbm.at[idx_v.at[0]], rows_a, sem_a).wait()
    pltpu.async_copy(rows_a, xg_hbm.at[pl.ds(b0 * 128, 128), :], sem_sa)
    pltpu.make_async_copy(table_hbm.at[idx_v.at[1]], rows_b, sem_b).wait()
    pltpu.sync_copy(rows_b, xg_hbm.at[pl.ds(b1 * 128, 128), :])
    pltpu.make_async_copy(
        rows_a, xg_hbm.at[pl.ds(b0 * 128, 128), :], sem_sa).wait()

    @pl.when(c2)
    def _():
        pltpu.async_copy(table_hbm.at[idx_v.at[2]], rows_a, sem_a).wait()
        pltpu.sync_copy(rows_a, xg_hbm.at[pl.ds(b2 * 128, 128), :])

    @pl.when(wid < NW - 1)
    def _():
        pltpu.make_async_copy(
            dst_hbm.at[pl.ds(wid * EPT, EPT)], ddst_v, sem_d).wait()

    @pl.when(wid == NW - 1)
    def _():
        pltpu.make_async_copy(dst_hbm.at[pl.ds(wid * EPT, LCH * CH)],
                              ddst_v.at[pl.ds(0, LCH * CH)], sem_d).wait()

    ones16 = jnp.full((16,), 1.0, jnp.float32)

    def body(i, carry):
        v = ddst_v[pl.ds(i * 16, 16)]
        plsc.addupdate_scatter(
            deg_v, [lax.shift_right_logical(v, 7), lax.bitwise_and(v, 127)],
            ones16)
        return carry

    lax.fori_loop(0, nedge // 16, body, 0)
    pltpu.sync_copy(deg_v, degp_hbm.at[wid])


@functools.partial(
    pl.kernel,
    out_type=jax.ShapeDtypeStruct((NC, NP, D), jnp.float32),
    mesh=_MESH,
    scratch_types=[
        pltpu.VMEM_SHARED((NP, D), jnp.float32),
        pltpu.VMEM((CH,), jnp.int32),
        pltpu.VMEM((CH,), jnp.int32),
        pltpu.VMEM((CH,), jnp.int32),
        pltpu.VMEM((CH,), jnp.int32),
        pltpu.VMEM((CH,), jnp.int32),
        pltpu.VMEM((CH,), jnp.int32),
        pltpu.VMEM((CH, D), jnp.float32),
        pltpu.VMEM((CH, D), jnp.float32),
        pltpu.VMEM((CH, D), jnp.float32),
        pltpu.SemaphoreType.DMA,
        pltpu.SemaphoreType.DMA,
        pltpu.SemaphoreType.DMA,
        pltpu.SemaphoreType.DMA,
        pltpu.SemaphoreType.DMA,
        pltpu.SemaphoreType.DMA,
        pltpu.SemaphoreType.DMA,
        pltpu.SemaphoreType.DMA,
        pltpu.SemaphoreType.DMA,
    ],
)
def _msgpass(hs_hbm, src_hbm, dst_hbm, zeros_hbm,
             aggp_hbm,
             acc_sh, s0, s1, s2, d0, d1, d2, r0, r1, r2,
             ss0, ss1, ss2, sd0, sd1, sd2, sg0, sg1, sg2):
    cid = lax.axis_index("c")
    sid = lax.axis_index("s")
    wid = sid * NC + cid
    sbuf, dbuf, rbuf = (s0, s1, s2), (d0, d1, d2), (r0, r1, r2)
    ssem, dsem, gsem = (ss0, ss1, ss2), (sd0, sd1, sd2), (sg0, sg1, sg2)

    nch = jnp.where(wid == NW - 1, LCH, NCH)
    ebase = wid * EPT

    @pl.when(sid == 0)
    def _():
        pltpu.sync_copy(zeros_hbm, acc_sh)

    def ssl(k):
        return src_hbm.at[pl.ds(ebase + k * CH, CH)]

    def dsl(k):
        return dst_hbm.at[pl.ds(ebase + k * CH, CH)]

    plsc.subcore_barrier()

    for e in range(3):
        pltpu.async_copy(ssl(e), sbuf[e], ssem[e])
        pltpu.async_copy(dsl(e), dbuf[e], dsem[e])
    for e in range(2):
        pltpu.make_async_copy(ssl(e), sbuf[e], ssem[e]).wait()
        pltpu.async_copy(hs_hbm.at[sbuf[e]], rbuf[e], gsem[e])

    def body(t, carry):
        for e in range(3):
            k = 3 * t + e
            pltpu.make_async_copy(dsl(k), dbuf[e], dsem[e]).wait()
            pltpu.make_async_copy(
                hs_hbm.at[sbuf[e]], rbuf[e], gsem[e]).wait()
            pltpu.sync_copy(rbuf[e], acc_sh.at[dbuf[e]], add=True)

            @pl.when(k + 3 < nch)
            def _():
                pltpu.async_copy(ssl(k + 3), sbuf[e], ssem[e])
                pltpu.async_copy(dsl(k + 3), dbuf[e], dsem[e])

            e2 = (e + 2) % 3

            @pl.when(k + 2 < nch)
            def _():
                pltpu.make_async_copy(
                    ssl(k + 2), sbuf[e2], ssem[e2]).wait()
                pltpu.async_copy(hs_hbm.at[sbuf[e2]], rbuf[e2], gsem[e2])

        return carry

    lax.fori_loop(0, nch // 3, body, 0)
    last = nch - 1

    @pl.when(nch % 3 == 1)
    def _():
        pltpu.make_async_copy(dsl(last), dbuf[0], dsem[0]).wait()
        pltpu.make_async_copy(hs_hbm.at[sbuf[0]], rbuf[0], gsem[0]).wait()
        pltpu.sync_copy(rbuf[0], acc_sh.at[dbuf[0]], add=True)

    plsc.subcore_barrier()

    for k in range(5):
        b = sid + k * NS

        @pl.when(b < NB)
        def _():
            pltpu.sync_copy(acc_sh.at[pl.ds(b * 128, 128)],
                            aggp_hbm.at[cid, pl.ds(b * 128, 128)])


def _col(lane2d):
    return lax.transpose(lane2d.reshape(NB, 1, 128), (0, 2, 1)).reshape(NP, 1)


def _tc_a_body(xg_ref, nt_ref, te_ref, degp_ref, w1_ref, hs_ref, dinv_ref):
    nt = _col(nt_ref[...])
    te = te_ref[...]
    x = xg_ref[...] + jnp.where(nt == 0, te[0:1],
                                jnp.where(nt == 1, te[1:2], te[2:3]))
    dinv_l = lax.rsqrt(jnp.sum(degp_ref[...], axis=0) + 1.0)
    dinv = _col(dinv_l)
    h = lax.dot_general(x, w1_ref[...], (((1,), (0,)), ((), ())),
                        precision=lax.Precision.HIGHEST)
    hs_ref[...] = dinv * h
    dinv_ref[...] = dinv_l


def _tc_c_body(aggp_ref, hs_ref, dinv_ref, b1_ref, w2_ref, out_ref):
    dinv = _col(dinv_ref[...])
    a = aggp_ref[0] + aggp_ref[1] + hs_ref[...]
    z = jnp.maximum(dinv * a + b1_ref[...], 0.0)
    h2 = lax.dot_general(z, w2_ref[...], (((1,), (0,)), ((), ())),
                         precision=lax.Precision.HIGHEST)
    out_ref[...] = dinv * h2


def _tc_e_body(aggp_ref, hs_ref, dinv_ref, b2_ref, wc_ref, bc_ref, out_ref):
    a = aggp_ref[0] + aggp_ref[1] + hs_ref[...]
    z = _col(dinv_ref[...]) * a + b2_ref[...]
    logits = lax.dot_general(z, wc_ref[...], (((1,), (0,)), ((), ())),
                             precision=lax.Precision.HIGHEST) + bc_ref[...]
    out_ref[...] = logits[:N, :3]


_tc_a = pl.pallas_call(
    _tc_a_body,
    out_shape=[
        jax.ShapeDtypeStruct((NP, D), jnp.float32),
        jax.ShapeDtypeStruct((NB, 128), jnp.float32),
    ],
)

_tc_c = pl.pallas_call(
    _tc_c_body,
    out_shape=jax.ShapeDtypeStruct((NP, D), jnp.float32),
)

_tc_e = pl.pallas_call(
    _tc_e_body,
    out_shape=jax.ShapeDtypeStruct((N, 3), jnp.float32),
)


def kernel(entity, node_type, edge_index, entity_emb, type_emb,
           W1, b1, W2, b2, Wc, bc):
    i32 = jnp.int32
    ent_p = jnp.concatenate(
        [entity.astype(i32), jnp.zeros((NPAD,), i32)])
    nt_lane = jnp.concatenate(
        [node_type.astype(i32), jnp.zeros((NPAD,), i32)]).reshape(NB, 128)
    src_f = edge_index[0].astype(i32)
    dst_f = edge_index[1].astype(i32)

    te_p = jnp.zeros((8, D), jnp.float32).at[:3].set(type_emb)
    wc_p = jnp.zeros((D, D), jnp.float32).at[:, :3].set(Wc)
    bc_p = jnp.zeros((1, D), jnp.float32).at[0, :3].set(bc)
    zcol = jnp.zeros((NB, 128), jnp.float32)
    zbig = jnp.zeros((NP, D), jnp.float32)

    xg, degp = _stage0(entity_emb, ent_p, dst_f, zcol)
    hs1, dinv = _tc_a(xg, nt_lane, te_p, degp, W1)
    agg1 = _msgpass(hs1, src_f, dst_f, zbig)
    hs2 = _tc_c(agg1, hs1, dinv, b1.reshape(1, D), W2)
    agg2 = _msgpass(hs2, src_f, dst_f, zbig)
    return _tc_e(agg2, hs2, dinv, b2.reshape(1, D), wc_p, bc_p)

# --- scband reference (transcript-rebuilt; emitter-appended) ---
"""Pipeline reference for scband-proof-gnn-21199958573549 (READ-ONLY COPY).

The authoritative reference and input builder live on the scoring server;
editing this copy changes nothing except your own understanding.
"""

import jax, jax.numpy as jnp
import numpy as np

N_NODES = 10000
N_EDGES = 320000
NUM_ENTITIES = 1000000
NUM_NODE_TYPES = 3
EMBED_DIM = 128
HIDDEN_DIM = 128


def setup_inputs(seed: int = 0) -> dict:
    key = jax.random.key(seed)
    ks = jax.random.split(key, 12)
    entity = jax.random.randint(ks[0], (N_NODES,), 0, NUM_ENTITIES, dtype=jnp.int64 if jax.config.jax_enable_x64 else jnp.int32)
    node_type = jax.random.randint(ks[1], (N_NODES,), 0, NUM_NODE_TYPES)
    edge_index = jax.random.randint(ks[2], (2, N_EDGES), 0, N_NODES)
    entity_emb = jax.random.normal(ks[3], (NUM_ENTITIES, EMBED_DIM), jnp.float32) * 0.02
    type_emb = jax.random.normal(ks[4], (NUM_NODE_TYPES, EMBED_DIM), jnp.float32) * 0.02
    s1 = 1.0 / np.sqrt(EMBED_DIM)
    s2 = 1.0 / np.sqrt(HIDDEN_DIM)
    W1 = jax.random.normal(ks[5], (EMBED_DIM, HIDDEN_DIM), jnp.float32) * s1
    b1 = jnp.zeros((HIDDEN_DIM,), jnp.float32)
    W2 = jax.random.normal(ks[6], (HIDDEN_DIM, HIDDEN_DIM), jnp.float32) * s2
    b2 = jnp.zeros((HIDDEN_DIM,), jnp.float32)
    Wc = jax.random.normal(ks[7], (HIDDEN_DIM, NUM_NODE_TYPES), jnp.float32) * s2
    bc = jnp.zeros((NUM_NODE_TYPES,), jnp.float32)
    return {"entity": entity, "node_type": node_type, "edge_index": edge_index,
            "entity_emb": entity_emb, "type_emb": type_emb,
            "W1": W1, "b1": b1, "W2": W2, "b2": b2, "Wc": Wc, "bc": bc}


def gcn_conv(x, edge_index, W, b):
    # Faithful PyG GCNConv: add self-loops, symmetric normalization, linear, scatter-add, bias.
    n = x.shape[0]
    loop = jnp.arange(n, dtype=edge_index.dtype)
    src = jnp.concatenate([edge_index[0], loop])
    dst = jnp.concatenate([edge_index[1], loop])
    deg = jnp.zeros((n,), jnp.float32).at[dst].add(1.0)
    dinv = jnp.where(deg > 0, 1.0 / jnp.sqrt(deg), 0.0)
    norm = dinv[src] * dinv[dst]
    h = x @ W
    msg = h[src] * norm[:, None]
    out = jnp.zeros((n, W.shape[1]), jnp.float32).at[dst].add(msg)
    return out + b


def reference(entity, node_type, edge_index, entity_emb, type_emb, W1, b1, W2, b2, Wc, bc):
    x = entity_emb[entity] + type_emb[node_type]
    x = jax.nn.relu(gcn_conv(x, edge_index, W1, b1))
    x = gcn_conv(x, edge_index, W2, b2)
    logits = x @ Wc + bc
    return logits

if __name__ == "__main__":
    import jax
    _d = setup_inputs()
    print(jax.jit(kernel)(*tuple(_d.values())))

</pallas_src>

<mosaic_0001>
#map = affine_map<(d0, d1) -> (0, 0)>
#map1 = affine_map<(d0, d1) -> (0)>
#map2 = affine_map<(d0, d1) -> (0, 0, 0)>
module attributes {stable_mosaic.version = 14 : i64} {
  func.func @_stage0(%arg0: i32, %arg1: i32, %arg2: memref<1000000x128xf32, #tpu.memory_space<hbm>>, %arg3: memref<10112xi32, #tpu.memory_space<hbm>>, %arg4: memref<320000xi32, #tpu.memory_space<hbm>>, %arg5: memref<79x128xf32, #tpu.memory_space<hbm>>, %arg6: memref<10112x128xf32, #tpu.memory_space<hbm>>, %arg7: memref<32x79x128xf32, #tpu.memory_space<hbm>>, %arg8: memref<3x128xi32, #tpu.memory_space<vmem>>, %arg9: memref<128x128xf32, #tpu.memory_space<vmem>>, %arg10: memref<128x128xf32, #tpu.memory_space<vmem>>, %arg11: memref<10112xi32, #tpu.memory_space<vmem>>, %arg12: memref<79x128xf32, #tpu.memory_space<vmem>>, %arg13: memref<!tpu.dma_semaphore, #tpu.memory_space<semaphore_mem>>, %arg14: memref<!tpu.dma_semaphore, #tpu.memory_space<semaphore_mem>>, %arg15: memref<!tpu.dma_semaphore, #tpu.memory_space<semaphore_mem>>, %arg16: memref<!tpu.dma_semaphore, #tpu.memory_space<semaphore_mem>>) attributes {dimension_semantics = [#tpu.dimension_semantics<core_parallel>, #tpu.dimension_semantics<subcore_parallel>], iteration_bounds = array<i64: 2, 16>, scalar_prefetch = 0 : i64, scratch_operands = 9 : i64, tpu.core_type = #tpu.core_type<sc_vector_subcore>, window_params = [{transform_indices = #map}, {transform_indices = #map1}, {transform_indices = #map1}, {transform_indices = #map}, {transform_indices = #map}, {transform_indices = #map2}]} {
    %mul3A = arith.constant 2 : i32
    %mul3A_0 = arith.muli %arg1, %mul3A : i32
    %add3A = arith.addi %mul3A_0, %arg0 : i32
    %eq3A = arith.constant 31 : i32
    %eq3A_1 = arith.cmpi eq, %add3A, %eq3A : i32
    %jit3A = arith.constant 6528 : i32
    %jit3A_2 = arith.constant 10112 : i32
    %select_n3A = arith.select %eq3A_1, %jit3A, %jit3A_2 : i32
    %lt3A = arith.constant 31 : i32
    %lt3A_3 = arith.cmpi slt, %add3A, %lt3A : i32
    %convert_element_type3A = arith.extui %lt3A_3 : i1 to i32
    %cond3A = arith.constant 0 : i32
    %cond3A_4 = arith.cmpi ne, %convert_element_type3A, %cond3A : i32
    scf.if %cond3A_4 {
      %mul3A_105 = arith.constant 10112 : i32
      %mul3A_106 = arith.muli %add3A, %mul3A_105 : i32
      %dma_start3A_107 = tpu.memref_slice %arg4[%mul3A_106] : memref<320000xi32, #tpu.memory_space<hbm>> -> memref<10112xi32, #tpu.memory_space<hbm>>
      %dma_start3A_108 = tpu.memref_slice %arg4[%mul3A_106] : memref<320000xi32, #tpu.memory_space<hbm>> -> memref<10112xi32, #tpu.memory_space<hbm>>
      tpu.enqueue_dma source(%dma_start3A_108 : memref<10112xi32, #tpu.memory_space<hbm>>) target(%arg11 : memref<10112xi32, #tpu.memory_space<vmem>>) target_semaphore(%arg16 : memref<!tpu.dma_semaphore, #tpu.memory_space<semaphore_mem>>)
    } else {
    }
    %eq3A_5 = arith.constant 31 : i32
    %eq3A_6 = arith.cmpi eq, %add3A, %eq3A_5 : i32
    %convert_element_type3A_7 = arith.extui %eq3A_6 : i1 to i32
    %cond3A_8 = arith.constant 0 : i32
    %cond3A_9 = arith.cmpi ne, %convert_element_type3A_7, %cond3A_8 : i32
    scf.if %cond3A_9 {
      %mul3A_105 = arith.constant 10112 : i32
      %mul3A_106 = arith.muli %add3A, %mul3A_105 : i32
      %dma_start3A_107 = arith.constant 0 : i32
      %dma_start3A_108 = tpu.memref_slice %arg11[%dma_start3A_107] : memref<10112xi32, #tpu.memory_space<vmem>> -> memref<6528xi32, #tpu.memory_space<vmem>>
      %dma_start3A_109 = tpu.memref_slice %arg4[%mul3A_106] : memref<320000xi32, #tpu.memory_space<hbm>> -> memref<6528xi32, #tpu.memory_space<hbm>>
      %dma_start3A_110 = arith.constant 0 : i32
      %dma_start3A_111 = tpu.memref_slice %arg11[%dma_start3A_110] : memref<10112xi32, #tpu.memory_space<vmem>> -> memref<6528xi32, #tpu.memory_space<vmem>>
      %dma_start3A_112 = tpu.memref_slice %arg4[%mul3A_106] : memref<320000xi32, #tpu.memory_space<hbm>> -> memref<6528xi32, #tpu.memory_space<hbm>>
      tpu.enqueue_dma source(%dma_start3A_112 : memref<6528xi32, #tpu.memory_space<hbm>>) target(%dma_start3A_111 : memref<6528xi32, #tpu.memory_space<vmem>>) target_semaphore(%arg16 : memref<!tpu.dma_semaphore, #tpu.memory_space<semaphore_mem>>)
    } else {
    }
    %add3A_10 = arith.constant 32 : i32
    %add3A_11 = arith.addi %add3A, %add3A_10 : i32
    %add3A_12 = arith.constant 64 : i32
    %add3A_13 = arith.addi %add3A, %add3A_12 : i32
    %lt3A_14 = arith.constant 79 : i32
    %lt3A_15 = arith.cmpi slt, %add3A_13, %lt3A_14 : i32
    %mul3A_16 = arith.constant 128 : i32
    %mul3A_17 = arith.muli %add3A, %mul3A_16 : i32
    %run_scoped3A = arith.constant 0 : i32
    "tpu.region"() ({
      %run_scoped3A_105 = tpu.sem_alloc : memref<!tpu.dma_semaphore, #tpu.memory_space<semaphore_mem>>
      %dma_start3A_106 = arith.constant 0 : i32
      %dma_start3A_107 = tpu.memref_slice %arg8[%run_scoped3A, %dma_start3A_106] : memref<3x128xi32, #tpu.memory_space<vmem>> -> memref<1x128xi32, #tpu.memory_space<vmem>>
      %dma_start3A_108 = tpu.memref_squeeze %dma_start3A_107 : memref<1x128xi32, #tpu.memory_space<vmem>> -> memref<128xi32, #tpu.memory_space<vmem>>
      %dma_start3A_109 = tpu.memref_slice %arg3[%mul3A_17] : memref<10112xi32, #tpu.memory_space<hbm>> -> memref<128xi32, #tpu.memory_space<hbm>>
      %dma_start3A_110 = arith.constant 0 : i32
      %dma_start3A_111 = tpu.memref_slice %arg8[%run_scoped3A, %dma_start3A_110] : memref<3x128xi32, #tpu.memory_space<vmem>> -> memref<1x128xi32, #tpu.memory_space<vmem>>
      %dma_start3A_112 = tpu.memref_squeeze %dma_start3A_111 : memref<1x128xi32, #tpu.memory_space<vmem>> -> memref<128xi32, #tpu.memory_space<vmem>>
      %dma_start3A_113 = tpu.memref_slice %arg3[%mul3A_17] : memref<10112xi32, #tpu.memory_space<hbm>> -> memref<128xi32, #tpu.memory_space<hbm>>
      tpu.enqueue_dma source(%dma_start3A_113 : memref<128xi32, #tpu.memory_space<hbm>>) target(%dma_start3A_112 : memref<128xi32, #tpu.memory_space<vmem>>) target_semaphore(%run_scoped3A_105 : memref<!tpu.dma_semaphore, #tpu.memory_space<semaphore_mem>>)
      %dma_wait3A_114 = arith.constant 0 : i32
      %dma_wait3A_115 = tpu.memref_slice %arg8[%run_scoped3A, %dma_wait3A_114] : memref<3x128xi32, #tpu.memory_space<vmem>> -> memref<1x128xi32, #tpu.memory_space<vmem>>
      %dma_wait3A_116 = tpu.memref_squeeze %dma_wait3A_115 : memref<1x128xi32, #tpu.memory_space<vmem>> -> memref<128xi32, #tpu.memory_space<vmem>>
      %dma_wait3A_117 = tpu.memref_slice %arg3[%mul3A_17] : memref<10112xi32, #tpu.memory_space<hbm>> -> memref<128xi32, #tpu.memory_space<hbm>>
      %dma_wait3A_118 = arith.constant 0 : i32
      %dma_wait3A_119 = tpu.memref_slice %arg8[%run_scoped3A, %dma_wait3A_118] : memref<3x128xi32, #tpu.memory_space<vmem>> -> memref<1x128xi32, #tpu.memory_space<vmem>>
      %dma_wait3A_120 = tpu.memref_squeeze %dma_wait3A_119 : memref<1x128xi32, #tpu.memory_space<vmem>> -> memref<128xi32, #tpu.memory_space<vmem>>
      %dma_wait3A_121 = tpu.memref_slice %arg3[%mul3A_17] : memref<10112xi32, #tpu.memory_space<hbm>> -> memref<128xi32, #tpu.memory_space<hbm>>
      tpu.wait_dma2 semaphore(%run_scoped3A_105 : memref<!tpu.dma_semaphore, #tpu.memory_space<semaphore_mem>>) src(%dma_wait3A_121 : memref<128xi32, #tpu.memory_space<hbm>>) dst(%dma_wait3A_120 : memref<128xi32, #tpu.memory_space<vmem>>)
      tpu.yield
    }) : () -> ()
    %mul3A_18 = arith.constant 128 : i32
    %mul3A_19 = arith.muli %add3A_11, %mul3A_18 : i32
    %run_scoped3A_20 = arith.constant 1 : i32
    "tpu.region"() ({
      %run_scoped3A_105 = tpu.sem_alloc : memref<!tpu.dma_semaphore, #tpu.memory_space<semaphore_mem>>
      %dma_start3A_106 = arith.constant 0 : i32
      %dma_start3A_107 = tpu.memref_slice %arg8[%run_scoped3A_20, %dma_start3A_106] : memref<3x128xi32, #tpu.memory_space<vmem>> -> memref<1x128xi32, #tpu.memory_space<vmem>>
      %dma_start3A_108 = tpu.memref_squeeze %dma_start3A_107 : memref<1x128xi32, #tpu.memory_space<vmem>> -> memref<128xi32, #tpu.memory_space<vmem>>
      %dma_start3A_109 = tpu.memref_slice %arg3[%mul3A_19] : memref<10112xi32, #tpu.memory_space<hbm>> -> memref<128xi32, #tpu.memory_space<hbm>>
      %dma_start3A_110 = arith.constant 0 : i32
      %dma_start3A_111 = tpu.memref_slice %arg8[%run_scoped3A_20, %dma_start3A_110] : memref<3x128xi32, #tpu.memory_space<vmem>> -> memref<1x128xi32, #tpu.memory_space<vmem>>
      %dma_start3A_112 = tpu.memref_squeeze %dma_start3A_111 : memref<1x128xi32, #tpu.memory_space<vmem>> -> memref<128xi32, #tpu.memory_space<vmem>>
      %dma_start3A_113 = tpu.memref_slice %arg3[%mul3A_19] : memref<10112xi32, #tpu.memory_space<hbm>> -> memref<128xi32, #tpu.memory_space<hbm>>
      tpu.enqueue_dma source(%dma_start3A_113 : memref<128xi32, #tpu.memory_space<hbm>>) target(%dma_start3A_112 : memref<128xi32, #tpu.memory_space<vmem>>) target_semaphore(%run_scoped3A_105 : memref<!tpu.dma_semaphore, #tpu.memory_space<semaphore_mem>>)
      %dma_wait3A_114 = arith.constant 0 : i32
      %dma_wait3A_115 = tpu.memref_slice %arg8[%run_scoped3A_20, %dma_wait3A_114] : memref<3x128xi32, #tpu.memory_space<vmem>> -> memref<1x128xi32, #tpu.memory_space<vmem>>
      %dma_wait3A_116 = tpu.memref_squeeze %dma_wait3A_115 : memref<1x128xi32, #tpu.memory_space<vmem>> -> memref<128xi32, #tpu.memory_space<vmem>>
      %dma_wait3A_117 = tpu.memref_slice %arg3[%mul3A_19] : memref<10112xi32, #tpu.memory_space<hbm>> -> memref<128xi32, #tpu.memory_space<hbm>>
      %dma_wait3A_118 = arith.constant 0 : i32
      %dma_wait3A_119 = tpu.memref_slice %arg8[%run_scoped3A_20, %dma_wait3A_118] : memref<3x128xi32, #tpu.memory_space<vmem>> -> memref<1x128xi32, #tpu.memory_space<vmem>>
      %dma_wait3A_120 = tpu.memref_squeeze %dma_wait3A_119 : memref<1x128xi32, #tpu.memory_space<vmem>> -> memref<128xi32, #tpu.memory_space<vmem>>
      %dma_wait3A_121 = tpu.memref_slice %arg3[%mul3A_19] : memref<10112xi32, #tpu.memory_space<hbm>> -> memref<128xi32, #tpu.memory_space<hbm>>
      tpu.wait_dma2 semaphore(%run_scoped3A_105 : memref<!tpu.dma_semaphore, #tpu.memory_space<semaphore_mem>>) src(%dma_wait3A_121 : memref<128xi32, #tpu.memory_space<hbm>>) dst(%dma_wait3A_120 : memref<128xi32, #tpu.memory_space<vmem>>)
      tpu.yield
    }) : () -> ()
    %convert_element_type3A_21 = arith.extui %lt3A_15 : i1 to i32
    %cond3A_22 = arith.constant 0 : i32
    %cond3A_23 = arith.cmpi ne, %convert_element_type3A_21, %cond3A_22 : i32
    scf.if %cond3A_23 {
      %mul3A_105 = arith.constant 128 : i32
      %mul3A_106 = arith.muli %add3A_13, %mul3A_105 : i32
      %run_scoped3A_107 = arith.constant 2 : i32
      "tpu.region"() ({
        %run_scoped3A_108 = tpu.sem_alloc : memref<!tpu.dma_semaphore, #tpu.memory_space<semaphore_mem>>
        %dma_start3A_109 = arith.constant 0 : i32
        %dma_start3A_110 = tpu.memref_slice %arg8[%run_scoped3A_107, %dma_start3A_109] : memref<3x128xi32, #tpu.memory_space<vmem>> -> memref<1x128xi32, #tpu.memory_space<vmem>>
        %dma_start3A_111 = tpu.memref_squeeze %dma_start3A_110 : memref<1x128xi32, #tpu.memory_space<vmem>> -> memref<128xi32, #tpu.memory_space<vmem>>
        %dma_start3A_112 = tpu.memref_slice %arg3[%mul3A_106] : memref<10112xi32, #tpu.memory_space<hbm>> -> memref<128xi32, #tpu.memory_space<hbm>>
        %dma_start3A_113 = arith.constant 0 : i32
        %dma_start3A_114 = tpu.memref_slice %arg8[%run_scoped3A_107, %dma_start3A_113] : memref<3x128xi32, #tpu.memory_space<vmem>> -> memref<1x128xi32, #tpu.memory_space<vmem>>
        %dma_start3A_115 = tpu.memref_squeeze %dma_start3A_114 : memref<1x128xi32, #tpu.memory_space<vmem>> -> memref<128xi32, #tpu.memory_space<vmem>>
        %dma_start3A_116 = tpu.memref_slice %arg3[%mul3A_106] : memref<10112xi32, #tpu.memory_space<hbm>> -> memref<128xi32, #tpu.memory_space<hbm>>
        tpu.enqueue_dma source(%dma_start3A_116 : memref<128xi32, #tpu.memory_space<hbm>>) target(%dma_start3A_115 : memref<128xi32, #tpu.memory_space<vmem>>) target_semaphore(%run_scoped3A_108 : memref<!tpu.dma_semaphore, #tpu.memory_space<semaphore_mem>>)
        %dma_wait3A_117 = arith.constant 0 : i32
        %dma_wait3A_118 = tpu.memref_slice %arg8[%run_scoped3A_107, %dma_wait3A_117] : memref<3x128xi32, #tpu.memory_space<vmem>> -> memref<1x128xi32, #tpu.memory_space<vmem>>
        %dma_wait3A_119 = tpu.memref_squeeze %dma_wait3A_118 : memref<1x128xi32, #tpu.memory_space<vmem>> -> memref<128xi32, #tpu.memory_space<vmem>>
        %dma_wait3A_120 = tpu.memref_slice %arg3[%mul3A_106] : memref<10112xi32, #tpu.memory_space<hbm>> -> memref<128xi32, #tpu.memory_space<hbm>>
        %dma_wait3A_121 = arith.constant 0 : i32
        %dma_wait3A_122 = tpu.memref_slice %arg8[%run_scoped3A_107, %dma_wait3A_121] : memref<3x128xi32, #tpu.memory_space<vmem>> -> memref<1x128xi32, #tpu.memory_space<vmem>>
        %dma_wait3A_123 = tpu.memref_squeeze %dma_wait3A_122 : memref<1x128xi32, #tpu.memory_space<vmem>> -> memref<128xi32, #tpu.memory_space<vmem>>
        %dma_wait3A_124 = tpu.memref_slice %arg3[%mul3A_106] : memref<10112xi32, #tpu.memory_space<hbm>> -> memref<128xi32, #tpu.memory_space<hbm>>
        tpu.wait_dma2 semaphore(%run_scoped3A_108 : memref<!tpu.dma_semaphore, #tpu.memory_space<semaphore_mem>>) src(%dma_wait3A_124 : memref<128xi32, #tpu.memory_space<hbm>>) dst(%dma_wait3A_123 : memref<128xi32, #tpu.memory_space<vmem>>)
        tpu.yield
      }) : () -> ()
    } else {
    }
    %dma_start3A = arith.constant 0 : i32
    %dma_start3A_24 = arith.constant 0 : i32
    %dma_start3A_25 = tpu.memref_slice %arg8[%dma_start3A, %dma_start3A_24] : memref<3x128xi32, #tpu.memory_space<vmem>> -> memref<1x128xi32, #tpu.memory_space<vmem>>
    %dma_start3A_26 = tpu.memref_squeeze %dma_start3A_25 : memref<1x128xi32, #tpu.memory_space<vmem>> -> memref<128xi32, #tpu.memory_space<vmem>>
    %dma_start3A_27 = arith.constant 0 : i32
    %dma_start3A_28 = arith.constant 0 : i32
    %dma_start3A_29 = tpu.memref_slice %arg2[%dma_start3A_27, %dma_start3A_28] : memref<1000000x128xf32, #tpu.memory_space<hbm>> -> memref<1000000x128xf32, #tpu.memory_space<hbm>>
    tpu.enqueue_indirect_dma source(%dma_start3A_29 : memref<1000000x128xf32, #tpu.memory_space<hbm>>) target(%arg9 : memref<128x128xf32, #tpu.memory_space<vmem>>) offsets(%dma_start3A_26 : memref<128xi32, #tpu.memory_space<vmem>>) semaphore(%arg13 : memref<!tpu.dma_semaphore, #tpu.memory_space<semaphore_mem>>)
    %dma_start3A_30 = arith.constant 1 : i32
    %dma_start3A_31 = arith.constant 0 : i32
    %dma_start3A_32 = tpu.memref_slice %arg8[%dma_start3A_30, %dma_start3A_31] : memref<3x128xi32, #tpu.memory_space<vmem>> -> memref<1x128xi32, #tpu.memory_space<vmem>>
    %dma_start3A_33 = tpu.memref_squeeze %dma_start3A_32 : memref<1x128xi32, #tpu.memory_space<vmem>> -> memref<128xi32, #tpu.memory_space<vmem>>
    %dma_start3A_34 = arith.constant 0 : i32
    %dma_start3A_35 = arith.constant 0 : i32
    %dma_start3A_36 = tpu.memref_slice %arg2[%dma_start3A_34, %dma_start3A_35] : memref<1000000x128xf32, #tpu.memory_space<hbm>> -> memref<1000000x128xf32, #tpu.memory_space<hbm>>
    tpu.enqueue_indirect_dma source(%dma_start3A_36 : memref<1000000x128xf32, #tpu.memory_space<hbm>>) target(%arg10 : memref<128x128xf32, #tpu.memory_space<vmem>>) offsets(%dma_start3A_33 : memref<128xi32, #tpu.memory_space<vmem>>) semaphore(%arg14 : memref<!tpu.dma_semaphore, #tpu.memory_space<semaphore_mem>>)
    "tpu.region"() ({
      %run_scoped3A_105 = tpu.sem_alloc : memref<!tpu.dma_semaphore, #tpu.memory_space<semaphore_mem>>
      tpu.enqueue_dma source(%arg5 : memref<79x128xf32, #tpu.memory_space<hbm>>) target(%arg12 : memref<79x128xf32, #tpu.memory_space<vmem>>) target_semaphore(%run_scoped3A_105 : memref<!tpu.dma_semaphore, #tpu.memory_space<semaphore_mem>>)
      tpu.wait_dma2 semaphore(%run_scoped3A_105 : memref<!tpu.dma_semaphore, #tpu.memory_space<semaphore_mem>>) src(%arg5 : memref<79x128xf32, #tpu.memory_space<hbm>>) dst(%arg12 : memref<79x128xf32, #tpu.memory_space<vmem>>)
      tpu.yield
    }) : () -> ()
    %dma_wait3A = arith.constant 0 : i32
    %dma_wait3A_37 = arith.constant 0 : i32
    %dma_wait3A_38 = tpu.memref_slice %arg8[%dma_wait3A, %dma_wait3A_37] : memref<3x128xi32, #tpu.memory_space<vmem>> -> memref<1x128xi32, #tpu.memory_space<vmem>>
    %dma_wait3A_39 = tpu.memref_squeeze %dma_wait3A_38 : memref<1x128xi32, #tpu.memory_space<vmem>> -> memref<128xi32, #tpu.memory_space<vmem>>
    %dma_wait3A_40 = arith.constant 0 : i32
    %dma_wait3A_41 = arith.constant 0 : i32
    %dma_wait3A_42 = tpu.memref_slice %arg2[%dma_wait3A_40, %dma_wait3A_41] : memref<1000000x128xf32, #tpu.memory_space<hbm>> -> memref<1000000x128xf32, #tpu.memory_space<hbm>>
    tpu.wait_indirect_dma semaphore(%arg13 : memref<!tpu.dma_semaphore, #tpu.memory_space<semaphore_mem>>) src(%dma_wait3A_42 : memref<1000000x128xf32, #tpu.memory_space<hbm>>) dst(%arg9 : memref<128x128xf32, #tpu.memory_space<vmem>>)
    %mul3A_43 = arith.constant 128 : i32
    %mul3A_44 = arith.muli %add3A, %mul3A_43 : i32
    %dma_start3A_45 = arith.constant 0 : i32
    %dma_start3A_46 = tpu.memref_slice %arg6[%mul3A_44, %dma_start3A_45] : memref<10112x128xf32, #tpu.memory_space<hbm>> -> memref<128x128xf32, #tpu.memory_space<hbm>>
    %dma_start3A_47 = arith.constant 0 : i32
    %dma_start3A_48 = tpu.memref_slice %arg6[%mul3A_44, %dma_start3A_47] : memref<10112x128xf32, #tpu.memory_space<hbm>> -> memref<128x128xf32, #tpu.memory_space<hbm>>
    tpu.enqueue_dma source(%arg9 : memref<128x128xf32, #tpu.memory_space<vmem>>) target(%dma_start3A_48 : memref<128x128xf32, #tpu.memory_space<hbm>>) target_semaphore(%arg15 : memref<!tpu.dma_semaphore, #tpu.memory_space<semaphore_mem>>)
    %dma_wait3A_49 = arith.constant 1 : i32
    %dma_wait3A_50 = arith.constant 0 : i32
    %dma_wait3A_51 = tpu.memref_slice %arg8[%dma_wait3A_49, %dma_wait3A_50] : memref<3x128xi32, #tpu.memory_space<vmem>> -> memref<1x128xi32, #tpu.memory_space<vmem>>
    %dma_wait3A_52 = tpu.memref_squeeze %dma_wait3A_51 : memref<1x128xi32, #tpu.memory_space<vmem>> -> memref<128xi32, #tpu.memory_space<vmem>>
    %dma_wait3A_53 = arith.constant 0 : i32
    %dma_wait3A_54 = arith.constant 0 : i32
    %dma_wait3A_55 = tpu.memref_slice %arg2[%dma_wait3A_53, %dma_wait3A_54] : memref<1000000x128xf32, #tpu.memory_space<hbm>> -> memref<1000000x128xf32, #tpu.memory_space<hbm>>
    tpu.wait_indirect_dma semaphore(%arg14 : memref<!tpu.dma_semaphore, #tpu.memory_space<semaphore_mem>>) src(%dma_wait3A_55 : memref<1000000x128xf32, #tpu.memory_space<hbm>>) dst(%arg10 : memref<128x128xf32, #tpu.memory_space<vmem>>)
    %mul3A_56 = arith.constant 128 : i32
    %mul3A_57 = arith.muli %add3A_11, %mul3A_56 : i32
    "tpu.region"() ({
      %run_scoped3A_105 = tpu.sem_alloc : memref<!tpu.dma_semaphore, #tpu.memory_space<semaphore_mem>>
      %dma_start3A_106 = arith.constant 0 : i32
      %dma_start3A_107 = tpu.memref_slice %arg6[%mul3A_57, %dma_start3A_106] : memref<10112x128xf32, #tpu.memory_space<hbm>> -> memref<128x128xf32, #tpu.memory_space<hbm>>
      %dma_start3A_108 = arith.constant 0 : i32
      %dma_start3A_109 = tpu.memref_slice %arg6[%mul3A_57, %dma_start3A_108] : memref<10112x128xf32, #tpu.memory_space<hbm>> -> memref<128x128xf32, #tpu.memory_space<hbm>>
      tpu.enqueue_dma source(%arg10 : memref<128x128xf32, #tpu.memory_space<vmem>>) target(%dma_start3A_109 : memref<128x128xf32, #tpu.memory_space<hbm>>) target_semaphore(%run_scoped3A_105 : memref<!tpu.dma_semaphore, #tpu.memory_space<semaphore_mem>>)
      %dma_wait3A_110 = arith.constant 0 : i32
      %dma_wait3A_111 = tpu.memref_slice %arg6[%mul3A_57, %dma_wait3A_110] : memref<10112x128xf32, #tpu.memory_space<hbm>> -> memref<128x128xf32, #tpu.memory_space<hbm>>
      %dma_wait3A_112 = arith.constant 0 : i32
      %dma_wait3A_113 = tpu.memref_slice %arg6[%mul3A_57, %dma_wait3A_112] : memref<10112x128xf32, #tpu.memory_space<hbm>> -> memref<128x128xf32, #tpu.memory_space<hbm>>
      tpu.wait_dma2 semaphore(%run_scoped3A_105 : memref<!tpu.dma_semaphore, #tpu.memory_space<semaphore_mem>>) src(%arg10 : memref<128x128xf32, #tpu.memory_space<vmem>>) dst(%dma_wait3A_113 : memref<128x128xf32, #tpu.memory_space<hbm>>)
      tpu.yield
    }) : () -> ()
    %mul3A_58 = arith.constant 128 : i32
    %mul3A_59 = arith.muli %add3A, %mul3A_58 : i32
    %dma_wait3A_60 = arith.constant 0 : i32
    %dma_wait3A_61 = tpu.memref_slice %arg6[%mul3A_59, %dma_wait3A_60] : memref<10112x128xf32, #tpu.memory_space<hbm>> -> memref<128x128xf32, #tpu.memory_space<hbm>>
    %dma_wait3A_62 = arith.constant 0 : i32
    %dma_wait3A_63 = tpu.memref_slice %arg6[%mul3A_59, %dma_wait3A_62] : memref<10112x128xf32, #tpu.memory_space<hbm>> -> memref<128x128xf32, #tpu.memory_space<hbm>>
    tpu.wait_dma2 semaphore(%arg15 : memref<!tpu.dma_semaphore, #tpu.memory_space<semaphore_mem>>) src(%arg9 : memref<128x128xf32, #tpu.memory_space<vmem>>) dst(%dma_wait3A_63 : memref<128x128xf32, #tpu.memory_space<hbm>>)
    %convert_element_type3A_64 = arith.extui %lt3A_15 : i1 to i32
    %cond3A_65 = arith.constant 0 : i32
    %cond3A_66 = arith.cmpi ne, %convert_element_type3A_64, %cond3A_65 : i32
    scf.if %cond3A_66 {
      %dma_start3A_105 = arith.constant 2 : i32
      %dma_start3A_106 = arith.constant 0 : i32
      %dma_start3A_107 = tpu.memref_slice %arg8[%dma_start3A_105, %dma_start3A_106] : memref<3x128xi32, #tpu.memory_space<vmem>> -> memref<1x128xi32, #tpu.memory_space<vmem>>
      %dma_start3A_108 = tpu.memref_squeeze %dma_start3A_107 : memref<1x128xi32, #tpu.memory_space<vmem>> -> memref<128xi32, #tpu.memory_space<vmem>>
      %dma_start3A_109 = arith.constant 0 : i32
      %dma_start3A_110 = arith.constant 0 : i32
      %dma_start3A_111 = tpu.memref_slice %arg2[%dma_start3A_109, %dma_start3A_110] : memref<1000000x128xf32, #tpu.memory_space<hbm>> -> memref<1000000x128xf32, #tpu.memory_space<hbm>>
      tpu.enqueue_indirect_dma source(%dma_start3A_111 : memref<1000000x128xf32, #tpu.memory_space<hbm>>) target(%arg9 : memref<128x128xf32, #tpu.memory_space<vmem>>) offsets(%dma_start3A_108 : memref<128xi32, #tpu.memory_space<vmem>>) semaphore(%arg13 : memref<!tpu.dma_semaphore, #tpu.memory_space<semaphore_mem>>)
      %dma_wait3A_112 = arith.constant 2 : i32
      %dma_wait3A_113 = arith.constant 0 : i32
      %dma_wait3A_114 = tpu.memref_slice %arg8[%dma_wait3A_112, %dma_wait3A_113] : memref<3x128xi32, #tpu.memory_space<vmem>> -> memref<1x128xi32, #tpu.memory_space<vmem>>
      %dma_wait3A_115 = tpu.memref_squeeze %dma_wait3A_114 : memref<1x128xi32, #tpu.memory_space<vmem>> -> memref<128xi32, #tpu.memory_space<vmem>>
      %dma_wait3A_116 = arith.constant 0 : i32
      %dma_wait3A_117 = arith.constant 0 : i32
      %dma_wait3A_118 = tpu.memref_slice %arg2[%dma_wait3A_116, %dma_wait3A_117] : memref<1000000x128xf32, #tpu.memory_space<hbm>> -> memref<1000000x128xf32, #tpu.memory_space<hbm>>
      tpu.wait_indirect_dma semaphore(%arg13 : memref<!tpu.dma_semaphore, #tpu.memory_space<semaphore_mem>>) src(%dma_wait3A_118 : memref<1000000x128xf32, #tpu.memory_space<hbm>>) dst(%arg9 : memref<128x128xf32, #tpu.memory_space<vmem>>)
      %mul3A_119 = arith.constant 128 : i32
      %mul3A_120 = arith.muli %add3A_13, %mul3A_119 : i32
      "tpu.region"() ({
        %run_scoped3A_121 = tpu.sem_alloc : memref<!tpu.dma_semaphore, #tpu.memory_space<semaphore_mem>>
        %dma_start3A_122 = arith.constant 0 : i32
        %dma_start3A_123 = tpu.memref_slice %arg6[%mul3A_120, %dma_start3A_122] : memref<10112x128xf32, #tpu.memory_space<hbm>> -> memref<128x128xf32, #tpu.memory_space<hbm>>
        %dma_start3A_124 = arith.constant 0 : i32
        %dma_start3A_125 = tpu.memref_slice %arg6[%mul3A_120, %dma_start3A_124] : memref<10112x128xf32, #tpu.memory_space<hbm>> -> memref<128x128xf32, #tpu.memory_space<hbm>>
        tpu.enqueue_dma source(%arg9 : memref<128x128xf32, #tpu.memory_space<vmem>>) target(%dma_start3A_125 : memref<128x128xf32, #tpu.memory_space<hbm>>) target_semaphore(%run_scoped3A_121 : memref<!tpu.dma_semaphore, #tpu.memory_space<semaphore_mem>>)
        %dma_wait3A_126 = arith.constant 0 : i32
        %dma_wait3A_127 = tpu.memref_slice %arg6[%mul3A_120, %dma_wait3A_126] : memref<10112x128xf32, #tpu.memory_space<hbm>> -> memref<128x128xf32, #tpu.memory_space<hbm>>
        %dma_wait3A_128 = arith.constant 0 : i32
        %dma_wait3A_129 = tpu.memref_slice %arg6[%mul3A_120, %dma_wait3A_128] : memref<10112x128xf32, #tpu.memory_space<hbm>> -> memref<128x128xf32, #tpu.memory_space<hbm>>
        tpu.wait_dma2 semaphore(%run_scoped3A_121 : memref<!tpu.dma_semaphore, #tpu.memory_space<semaphore_mem>>) src(%arg9 : memref<128x128xf32, #tpu.memory_space<vmem>>) dst(%dma_wait3A_129 : memref<128x128xf32, #tpu.memory_space<hbm>>)
        tpu.yield
      }) : () -> ()
    } else {
    }
    %lt3A_67 = arith.constant 31 : i32
    %lt3A_68 = arith.cmpi slt, %add3A, %lt3A_67 : i32
    %convert_element_type3A_69 = arith.extui %lt3A_68 : i1 to i32
    %cond3A_70 = arith.constant 0 : i32
    %cond3A_71 = arith.cmpi ne, %convert_element_type3A_69, %cond3A_70 : i32
    scf.if %cond3A_71 {
      %mul3A_105 = arith.constant 10112 : i32
      %mul3A_106 = arith.muli %add3A, %mul3A_105 : i32
      %dma_wait3A_107 = tpu.memref_slice %arg4[%mul3A_106] : memref<320000xi32, #tpu.memory_space<hbm>> -> memref<10112xi32, #tpu.memory_space<hbm>>
      %dma_wait3A_108 = tpu.memref_slice %arg4[%mul3A_106] : memref<320000xi32, #tpu.memory_space<hbm>> -> memref<10112xi32, #tpu.memory_space<hbm>>
      tpu.wait_dma2 semaphore(%arg16 : memref<!tpu.dma_semaphore, #tpu.memory_space<semaphore_mem>>) src(%dma_wait3A_108 : memref<10112xi32, #tpu.memory_space<hbm>>) dst(%arg11 : memref<10112xi32, #tpu.memory_space<vmem>>)
    } else {
    }
    %eq3A_72 = arith.constant 31 : i32
    %eq3A_73 = arith.cmpi eq, %add3A, %eq3A_72 : i32
    %convert_element_type3A_74 = arith.extui %eq3A_73 : i1 to i32
    %cond3A_75 = arith.constant 0 : i32
    %cond3A_76 = arith.cmpi ne, %convert_element_type3A_74, %cond3A_75 : i32
    scf.if %cond3A_76 {
      %mul3A_105 = arith.constant 10112 : i32
      %mul3A_106 = arith.muli %add3A, %mul3A_105 : i32
      %dma_wait3A_107 = arith.constant 0 : i32
      %dma_wait3A_108 = tpu.memref_slice %arg11[%dma_wait3A_107] : memref<10112xi32, #tpu.memory_space<vmem>> -> memref<6528xi32, #tpu.memory_space<vmem>>
      %dma_wait3A_109 = tpu.memref_slice %arg4[%mul3A_106] : memref<320000xi32, #tpu.memory_space<hbm>> -> memref<6528xi32, #tpu.memory_space<hbm>>
      %dma_wait3A_110 = arith.constant 0 : i32
      %dma_wait3A_111 = tpu.memref_slice %arg11[%dma_wait3A_110] : memref<10112xi32, #tpu.memory_space<vmem>> -> memref<6528xi32, #tpu.memory_space<vmem>>
      %dma_wait3A_112 = tpu.memref_slice %arg4[%mul3A_106] : memref<320000xi32, #tpu.memory_space<hbm>> -> memref<6528xi32, #tpu.memory_space<hbm>>
      tpu.wait_dma2 semaphore(%arg16 : memref<!tpu.dma_semaphore, #tpu.memory_space<semaphore_mem>>) src(%dma_wait3A_112 : memref<6528xi32, #tpu.memory_space<hbm>>) dst(%dma_wait3A_111 : memref<6528xi32, #tpu.memory_space<vmem>>)
    } else {
    }
    %broadcast_in_dim3A = arith.constant 1.000000e+00 : f32
    %broadcast_in_dim3A_77 = vector.broadcast %broadcast_in_dim3A : f32 to vector<16xf32>
    %jit3A_78 = arith.constant 16 : i32
    %div3A = arith.divsi %select_n3A, %jit3A_78 : i32
    %sign3A = arith.constant 0 : i32
    %sign3A_79 = arith.cmpi sgt, %select_n3A, %sign3A : i32
    %sign3A_80 = arith.extui %sign3A_79 : i1 to i32
    %sign3A_81 = arith.constant 0 : i32
    %sign3A_82 = arith.cmpi slt, %select_n3A, %sign3A_81 : i32
    %sign3A_83 = arith.extui %sign3A_82 : i1 to i32
    %sign3A_84 = arith.subi %sign3A_80, %sign3A_83 : i32
    %sign3A_85 = arith.constant 0 : i32
    %sign3A_86 = arith.cmpi sgt, %jit3A_78, %sign3A_85 : i32
    %sign3A_87 = arith.extui %sign3A_86 : i1 to i32
    %sign3A_88 = arith.constant 0 : i32
    %sign3A_89 = arith.cmpi slt, %jit3A_78, %sign3A_88 : i32
    %sign3A_90 = arith.extui %sign3A_89 : i1 to i32
    %sign3A_91 = arith.subi %sign3A_87, %sign3A_90 : i32
    %ne3A = arith.cmpi ne, %sign3A_84, %sign3A_91 : i32
    %rem3A = arith.remsi %select_n3A, %jit3A_78 : i32
    %ne3A_92 = arith.constant 0 : i32
    %ne3A_93 = arith.cmpi ne, %rem3A, %ne3A_92 : i32
    %and3A = arith.andi %ne3A, %ne3A_93 : i1
    %sub3A = arith.constant 1 : i32
    %sub3A_94 = arith.subi %div3A, %sub3A : i32
    %select_n3A_95 = arith.select %and3A, %sub3A_94, %div3A : i32
    %while3A = arith.constant 0 : i32
    %while3A_96 = arith.constant 0 : i32
    %while3A_97 = arith.subi %select_n3A_95, %while3A_96 : i32
    %while3A_98 = arith.addi %while3A_96, %while3A_97 : i32
    %while3A_99 = arith.constant 1 : i32
    %while3A_100 = arith.divsi %while3A_97, %while3A_99 : i32
    %while3A_101 = arith.muli %while3A_100, %while3A_99 : i32
    %while3A_102 = arith.addi %while3A_96, %while3A_101 : i32
    %while3A_103 = arith.constant 1 : i32
    scf.for %while3A_105 = %while3A_96 to %while3A_102 step %while3A_103  : i32 {
      %mul3A_106 = arith.constant 16 : i32
      %mul3A_107 = arith.muli %while3A_105, %mul3A_106 : i32
      %get3A = arith.index_cast %mul3A_107 : i32 to index
      %get3A_108 = tpu.vector_load %arg11[%get3A] {strides = array<i32>} : memref<10112xi32, #tpu.memory_space<vmem>>, vector<16xi32>,
      %shift_right_logical3A = arith.constant 7 : i32
      %shift_right_logical3A_109 = vector.broadcast %shift_right_logical3A : i32 to vector<16xi32>
      %shift_right_logical3A_110 = arith.shrui %get3A_108, %shift_right_logical3A_109 : vector<16xi32>
      %and3A_111 = arith.constant 127 : i32
      %and3A_112 = vector.broadcast %and3A_111 : i32 to vector<16xi32>
      %and3A_113 = arith.andi %get3A_108, %and3A_112 : vector<16xi32>
      tpu.vector_store_idx %arg12[%shift_right_logical3A_110, %and3A_113], %broadcast_in_dim3A_77 {add = true} : memref<79x128xf32, #tpu.memory_space<vmem>>[vector<16xi32>, vector<16xi32>], vector<16xf32>,
    }
    %while3A_104 = arith.constant 1 : i32
    scf.for %while3A_105 = %while3A_102 to %while3A_98 step %while3A_104  : i32 {
      %mul3A_106 = arith.constant 16 : i32
      %mul3A_107 = arith.muli %while3A_105, %mul3A_106 : i32
      %get3A = arith.index_cast %mul3A_107 : i32 to index
      %get3A_108 = tpu.vector_load %arg11[%get3A] {strides = array<i32>} : memref<10112xi32, #tpu.memory_space<vmem>>, vector<16xi32>,
      %shift_right_logical3A = arith.constant 7 : i32
      %shift_right_logical3A_109 = vector.broadcast %shift_right_logical3A : i32 to vector<16xi32>
      %shift_right_logical3A_110 = arith.shrui %get3A_108, %shift_right_logical3A_109 : vector<16xi32>
      %and3A_111 = arith.constant 127 : i32
      %and3A_112 = vector.broadcast %and3A_111 : i32 to vector<16xi32>
      %and3A_113 = arith.andi %get3A_108, %and3A_112 : vector<16xi32>
      tpu.vector_store_idx %arg12[%shift_right_logical3A_110, %and3A_113], %broadcast_in_dim3A_77 {add = true} : memref<79x128xf32, #tpu.memory_space<vmem>>[vector<16xi32>, vector<16xi32>], vector<16xf32>,
    }
    "tpu.region"() ({
      %run_scoped3A_105 = tpu.sem_alloc : memref<!tpu.dma_semaphore, #tpu.memory_space<semaphore_mem>>
      %dma_start3A_106 = arith.constant 0 : i32
      %dma_start3A_107 = arith.constant 0 : i32
      %dma_start3A_108 = tpu.memref_slice %arg7[%add3A, %dma_start3A_106, %dma_start3A_107] : memref<32x79x128xf32, #tpu.memory_space<hbm>> -> memref<1x79x128xf32, #tpu.memory_space<hbm>>
      %dma_start3A_109 = tpu.memref_squeeze %dma_start3A_108 : memref<1x79x128xf32, #tpu.memory_space<hbm>> -> memref<79x128xf32, #tpu.memory_space<hbm>>
      %dma_start3A_110 = arith.constant 0 : i32
      %dma_start3A_111 = arith.constant 0 : i32
      %dma_start3A_112 = tpu.memref_slice %arg7[%add3A, %dma_start3A_110, %dma_start3A_111] : memref<32x79x128xf32, #tpu.memory_space<hbm>> -> memref<1x79x128xf32, #tpu.memory_space<hbm>>
      %dma_start3A_113 = tpu.memref_squeeze %dma_start3A_112 : memref<1x79x128xf32, #tpu.memory_space<hbm>> -> memref<79x128xf32, #tpu.memory_space<hbm>>
      tpu.enqueue_dma source(%arg12 : memref<79x128xf32, #tpu.memory_space<vmem>>) target(%dma_start3A_113 : memref<79x128xf32, #tpu.memory_space<hbm>>) target_semaphore(%run_scoped3A_105 : memref<!tpu.dma_semaphore, #tpu.memory_space<semaphore_mem>>)
      %dma_wait3A_114 = arith.constant 0 : i32
      %dma_wait3A_115 = arith.constant 0 : i32
      %dma_wait3A_116 = tpu.memref_slice %arg7[%add3A, %dma_wait3A_114, %dma_wait3A_115] : memref<32x79x128xf32, #tpu.memory_space<hbm>> -> memref<1x79x128xf32, #tpu.memory_space<hbm>>
      %dma_wait3A_117 = tpu.memref_squeeze %dma_wait3A_116 : memref<1x79x128xf32, #tpu.memory_space<hbm>> -> memref<79x128xf32, #tpu.memory_space<hbm>>
      %dma_wait3A_118 = arith.constant 0 : i32
      %dma_wait3A_119 = arith.constant 0 : i32
      %dma_wait3A_120 = tpu.memref_slice %arg7[%add3A, %dma_wait3A_118, %dma_wait3A_119] : memref<32x79x128xf32, #tpu.memory_space<hbm>> -> memref<1x79x128xf32, #tpu.memory_space<hbm>>
      %dma_wait3A_121 = tpu.memref_squeeze %dma_wait3A_120 : memref<1x79x128xf32, #tpu.memory_space<hbm>> -> memref<79x128xf32, #tpu.memory_space<hbm>>
      tpu.wait_dma2 semaphore(%run_scoped3A_105 : memref<!tpu.dma_semaphore, #tpu.memory_space<semaphore_mem>>) src(%arg12 : memref<79x128xf32, #tpu.memory_space<vmem>>) dst(%dma_wait3A_121 : memref<79x128xf32, #tpu.memory_space<hbm>>)
      tpu.yield
    }) : () -> ()
    return
  }
}

#map = affine_map<(d0, d1) -> (0, 0)>
#map1 = affine_map<(d0, d1) -> (0)>
#map2 = affine_map<(d0, d1) -> (0, 0, 0)>
module attributes {stable_mosaic.version = 14 : i64} {
  func.func @_msgpass(%arg0: i32, %arg1: i32, %arg2: memref<10112x128xf32, #tpu.memory_space<hbm>>, %arg3: memref<320000xi32, #tpu.memory_space<hbm>>, %arg4: memref<320000xi32, #tpu.memory_space<hbm>>, %arg5: memref<10112x128xf32, #tpu.memory_space<hbm>>, %arg6: memref<2x10112x128xf32, #tpu.memory_space<hbm>>, %arg7: memref<10112x128xf32, #tpu.memory_space<vmem_shared>>, %arg8: memref<128xi32, #tpu.memory_space<vmem>>, %arg9: memref<128xi32, #tpu.memory_space<vmem>>, %arg10: memref<128xi32, #tpu.memory_space<vmem>>, %arg11: memref<128xi32, #tpu.memory_space<vmem>>, %arg12: memref<128xi32, #tpu.memory_space<vmem>>, %arg13: memref<128xi32, #tpu.memory_space<vmem>>, %arg14: memref<128x128xf32, #tpu.memory_space<vmem>>, %arg15: memref<128x128xf32, #tpu.memory_space<vmem>>, %arg16: memref<128x128xf32, #tpu.memory_space<vmem>>, %arg17: memref<!tpu.dma_semaphore, #tpu.memory_space<semaphore_mem>>, %arg18: memref<!tpu.dma_semaphore, #tpu.memory_space<semaphore_mem>>, %arg19: memref<!tpu.dma_semaphore, #tpu.memory_space<semaphore_mem>>, %arg20: memref<!tpu.dma_semaphore, #tpu.memory_space<semaphore_mem>>, %arg21: memref<!tpu.dma_semaphore, #tpu.memory_space<semaphore_mem>>, %arg22: memref<!tpu.dma_semaphore, #tpu.memory_space<semaphore_mem>>, %arg23: memref<!tpu.dma_semaphore, #tpu.memory_space<semaphore_mem>>, %arg24: memref<!tpu.dma_semaphore, #tpu.memory_space<semaphore_mem>>, %arg25: memref<!tpu.dma_semaphore, #tpu.memory_space<semaphore_mem>>) attributes {dimension_semantics = [#tpu.dimension_semantics<core_parallel>, #tpu.dimension_semantics<subcore_parallel>], iteration_bounds = array<i64: 2, 16>, scalar_prefetch = 0 : i64, scratch_operands = 19 : i64, tpu.core_type = #tpu.core_type<sc_vector_subcore>, window_params = [{transform_indices = #map}, {transform_indices = #map1}, {transform_indices = #map1}, {transform_indices = #map}, {transform_indices = #map2}]} {
    %mul3A = arith.constant 2 : i32
    %mul3A_0 = arith.muli %arg1, %mul3A : i32
    %add3A = arith.addi %mul3A_0, %arg0 : i32
    %eq3A = arith.constant 31 : i32
    %eq3A_1 = arith.cmpi eq, %add3A, %eq3A : i32
    %jit3A = arith.constant 51 : i32
    %jit3A_2 = arith.constant 79 : i32
    %select_n3A = arith.select %eq3A_1, %jit3A, %jit3A_2 : i32
    %mul3A_3 = arith.constant 10112 : i32
    %mul3A_4 = arith.muli %add3A, %mul3A_3 : i32
    %eq3A_5 = arith.constant 0 : i32
    %eq3A_6 = arith.cmpi eq, %arg1, %eq3A_5 : i32
    %convert_element_type3A = arith.extui %eq3A_6 : i1 to i32
    %cond3A = arith.constant 0 : i32
    %cond3A_7 = arith.cmpi ne, %convert_element_type3A, %cond3A : i32
    scf.if %cond3A_7 {
      "tpu.region"() ({
        %run_scoped3A = tpu.sem_alloc : memref<!tpu.dma_semaphore, #tpu.memory_space<semaphore_mem>>
        tpu.enqueue_dma source(%arg5 : memref<10112x128xf32, #tpu.memory_space<hbm>>) target(%arg7 : memref<10112x128xf32, #tpu.memory_space<vmem_shared>>) target_semaphore(%run_scoped3A : memref<!tpu.dma_semaphore, #tpu.memory_space<semaphore_mem>>)
        tpu.wait_dma2 semaphore(%run_scoped3A : memref<!tpu.dma_semaphore, #tpu.memory_space<semaphore_mem>>) src(%arg5 : memref<10112x128xf32, #tpu.memory_space<hbm>>) dst(%arg7 : memref<10112x128xf32, #tpu.memory_space<vmem_shared>>)
        tpu.yield
      }) : () -> ()
    } else {
    }
    %barrier3A = arith.constant 0 : index
    tpu.barrier barrier_id(%barrier3A)
    %add3A_8 = arith.constant 0 : i32
    %add3A_9 = arith.addi %mul3A_4, %add3A_8 : i32
    %dma_start3A = tpu.memref_slice %arg3[%add3A_9] : memref<320000xi32, #tpu.memory_space<hbm>> -> memref<128xi32, #tpu.memory_space<hbm>>
    %dma_start3A_10 = tpu.memref_slice %arg3[%add3A_9] : memref<320000xi32, #tpu.memory_space<hbm>> -> memref<128xi32, #tpu.memory_space<hbm>>
    tpu.enqueue_dma source(%dma_start3A_10 : memref<128xi32, #tpu.memory_space<hbm>>) target(%arg8 : memref<128xi32, #tpu.memory_space<vmem>>) target_semaphore(%arg17 : memref<!tpu.dma_semaphore, #tpu.memory_space<semaphore_mem>>)
    %add3A_11 = arith.constant 0 : i32
    %add3A_12 = arith.addi %mul3A_4, %add3A_11 : i32
    %dma_start3A_13 = tpu.memref_slice %arg4[%add3A_12] : memref<320000xi32, #tpu.memory_space<hbm>> -> memref<128xi32, #tpu.memory_space<hbm>>
    %dma_start3A_14 = tpu.memref_slice %arg4[%add3A_12] : memref<320000xi32, #tpu.memory_space<hbm>> -> memref<128xi32, #tpu.memory_space<hbm>>
    tpu.enqueue_dma source(%dma_start3A_14 : memref<128xi32, #tpu.memory_space<hbm>>) target(%arg11 : memref<128xi32, #tpu.memory_space<vmem>>) target_semaphore(%arg20 : memref<!tpu.dma_semaphore, #tpu.memory_space<semaphore_mem>>)
    %add3A_15 = arith.constant 128 : i32
    %add3A_16 = arith.addi %mul3A_4, %add3A_15 : i32
    %dma_start3A_17 = tpu.memref_slice %arg3[%add3A_16] : memref<320000xi32, #tpu.memory_space<hbm>> -> memref<128xi32, #tpu.memory_space<hbm>>
    %dma_start3A_18 = tpu.memref_slice %arg3[%add3A_16] : memref<320000xi32, #tpu.memory_space<hbm>> -> memref<128xi32, #tpu.memory_space<hbm>>
    tpu.enqueue_dma source(%dma_start3A_18 : memref<128xi32, #tpu.memory_space<hbm>>) target(%arg9 : memref<128xi32, #tpu.memory_space<vmem>>) target_semaphore(%arg18 : memref<!tpu.dma_semaphore, #tpu.memory_space<semaphore_mem>>)
    %add3A_19 = arith.constant 128 : i32
    %add3A_20 = arith.addi %mul3A_4, %add3A_19 : i32
    %dma_start3A_21 = tpu.memref_slice %arg4[%add3A_20] : memref<320000xi32, #tpu.memory_space<hbm>> -> memref<128xi32, #tpu.memory_space<hbm>>
    %dma_start3A_22 = tpu.memref_slice %arg4[%add3A_20] : memref<320000xi32, #tpu.memory_space<hbm>> -> memref<128xi32, #tpu.memory_space<hbm>>
    tpu.enqueue_dma source(%dma_start3A_22 : memref<128xi32, #tpu.memory_space<hbm>>) target(%arg12 : memref<128xi32, #tpu.memory_space<vmem>>) target_semaphore(%arg21 : memref<!tpu.dma_semaphore, #tpu.memory_space<semaphore_mem>>)
    %add3A_23 = arith.constant 256 : i32
    %add3A_24 = arith.addi %mul3A_4, %add3A_23 : i32
    %dma_start3A_25 = tpu.memref_slice %arg3[%add3A_24] : memref<320000xi32, #tpu.memory_space<hbm>> -> memref<128xi32, #tpu.memory_space<hbm>>
    %dma_start3A_26 = tpu.memref_slice %arg3[%add3A_24] : memref<320000xi32, #tpu.memory_space<hbm>> -> memref<128xi32, #tpu.memory_space<hbm>>
    tpu.enqueue_dma source(%dma_start3A_26 : memref<128xi32, #tpu.memory_space<hbm>>) target(%arg10 : memref<128xi32, #tpu.memory_space<vmem>>) target_semaphore(%arg19 : memref<!tpu.dma_semaphore, #tpu.memory_space<semaphore_mem>>)
    %add3A_27 = arith.constant 256 : i32
    %add3A_28 = arith.addi %mul3A_4, %add3A_27 : i32
    %dma_start3A_29 = tpu.memref_slice %arg4[%add3A_28] : memref<320000xi32, #tpu.memory_space<hbm>> -> memref<128xi32, #tpu.memory_space<hbm>>
    %dma_start3A_30 = tpu.memref_slice %arg4[%add3A_28] : memref<320000xi32, #tpu.memory_space<hbm>> -> memref<128xi32, #tpu.memory_space<hbm>>
    tpu.enqueue_dma source(%dma_start3A_30 : memref<128xi32, #tpu.memory_space<hbm>>) target(%arg13 : memref<128xi32, #tpu.memory_space<vmem>>) target_semaphore(%arg22 : memref<!tpu.dma_semaphore, #tpu.memory_space<semaphore_mem>>)
    %add3A_31 = arith.constant 0 : i32
    %add3A_32 = arith.addi %mul3A_4, %add3A_31 : i32
    %dma_wait3A = tpu.memref_slice %arg3[%add3A_32] : memref<320000xi32, #tpu.memory_space<hbm>> -> memref<128xi32, #tpu.memory_space<hbm>>
    %dma_wait3A_33 = tpu.memref_slice %arg3[%add3A_32] : memref<320000xi32, #tpu.memory_space<hbm>> -> memref<128xi32, #tpu.memory_space<hbm>>
    tpu.wait_dma2 semaphore(%arg17 : memref<!tpu.dma_semaphore, #tpu.memory_space<semaphore_mem>>) src(%dma_wait3A_33 : memref<128xi32, #tpu.memory_space<hbm>>) dst(%arg8 : memref<128xi32, #tpu.memory_space<vmem>>)
    %dma_start3A_34 = arith.constant 0 : i32
    %dma_start3A_35 = arith.constant 0 : i32
    %dma_start3A_36 = tpu.memref_slice %arg2[%dma_start3A_34, %dma_start3A_35] : memref<10112x128xf32, #tpu.memory_space<hbm>> -> memref<10112x128xf32, #tpu.memory_space<hbm>>
    tpu.enqueue_indirect_dma source(%dma_start3A_36 : memref<10112x128xf32, #tpu.memory_space<hbm>>) target(%arg14 : memref<128x128xf32, #tpu.memory_space<vmem>>) offsets(%arg8 : memref<128xi32, #tpu.memory_space<vmem>>) semaphore(%arg23 : memref<!tpu.dma_semaphore, #tpu.memory_space<semaphore_mem>>)
    %add3A_37 = arith.constant 128 : i32
    %add3A_38 = arith.addi %mul3A_4, %add3A_37 : i32
    %dma_wait3A_39 = tpu.memref_slice %arg3[%add3A_38] : memref<320000xi32, #tpu.memory_space<hbm>> -> memref<128xi32, #tpu.memory_space<hbm>>
    %dma_wait3A_40 = tpu.memref_slice %arg3[%add3A_38] : memref<320000xi32, #tpu.memory_space<hbm>> -> memref<128xi32, #tpu.memory_space<hbm>>
    tpu.wait_dma2 semaphore(%arg18 : memref<!tpu.dma_semaphore, #tpu.memory_space<semaphore_mem>>) src(%dma_wait3A_40 : memref<128xi32, #tpu.memory_space<hbm>>) dst(%arg9 : memref<128xi32, #tpu.memory_space<vmem>>)
    %dma_start3A_41 = arith.constant 0 : i32
    %dma_start3A_42 = arith.constant 0 : i32
    %dma_start3A_43 = tpu.memref_slice %arg2[%dma_start3A_41, %dma_start3A_42] : memref<10112x128xf32, #tpu.memory_space<hbm>> -> memref<10112x128xf32, #tpu.memory_space<hbm>>
    tpu.enqueue_indirect_dma source(%dma_start3A_43 : memref<10112x128xf32, #tpu.memory_space<hbm>>) target(%arg15 : memref<128x128xf32, #tpu.memory_space<vmem>>) offsets(%arg9 : memref<128xi32, #tpu.memory_space<vmem>>) semaphore(%arg24 : memref<!tpu.dma_semaphore, #tpu.memory_space<semaphore_mem>>)
    %jit3A_44 = arith.constant 3 : i32
    %div3A = arith.divsi %select_n3A, %jit3A_44 : i32
    %sign3A = arith.constant 0 : i32
    %sign3A_45 = arith.cmpi sgt, %select_n3A, %sign3A : i32
    %sign3A_46 = arith.extui %sign3A_45 : i1 to i32
    %sign3A_47 = arith.constant 0 : i32
    %sign3A_48 = arith.cmpi slt, %select_n3A, %sign3A_47 : i32
    %sign3A_49 = arith.extui %sign3A_48 : i1 to i32
    %sign3A_50 = arith.subi %sign3A_46, %sign3A_49 : i32
    %sign3A_51 = arith.constant 0 : i32
    %sign3A_52 = arith.cmpi sgt, %jit3A_44, %sign3A_51 : i32
    %sign3A_53 = arith.extui %sign3A_52 : i1 to i32
    %sign3A_54 = arith.constant 0 : i32
    %sign3A_55 = arith.cmpi slt, %jit3A_44, %sign3A_54 : i32
    %sign3A_56 = arith.extui %sign3A_55 : i1 to i32
    %sign3A_57 = arith.subi %sign3A_53, %sign3A_56 : i32
    %ne3A = arith.cmpi ne, %sign3A_50, %sign3A_57 : i32
    %rem3A = arith.remsi %select_n3A, %jit3A_44 : i32
    %ne3A_58 = arith.constant 0 : i32
    %ne3A_59 = arith.cmpi ne, %rem3A, %ne3A_58 : i32
    %and3A = arith.andi %ne3A, %ne3A_59 : i1
    %sub3A = arith.constant 1 : i32
    %sub3A_60 = arith.subi %div3A, %sub3A : i32
    %select_n3A_61 = arith.select %and3A, %sub3A_60, %div3A : i32
    %while3A = arith.constant 0 : i32
    %while3A_62 = arith.constant 0 : i32
    %while3A_63 = arith.subi %select_n3A_61, %while3A_62 : i32
    %while3A_64 = arith.addi %while3A_62, %while3A_63 : i32
    %while3A_65 = arith.constant 1 : i32
    %while3A_66 = arith.divsi %while3A_63, %while3A_65 : i32
    %while3A_67 = arith.muli %while3A_66, %while3A_65 : i32
    %while3A_68 = arith.addi %while3A_62, %while3A_67 : i32
    %while3A_69 = arith.constant 1 : i32
    scf.for %while3A_129 = %while3A_62 to %while3A_68 step %while3A_69  : i32 {
      %mul3A_130 = arith.constant 3 : i32
      %mul3A_131 = arith.muli %mul3A_130, %while3A_129 : i32
      %add3A_132 = arith.constant 0 : i32
      %add3A_133 = arith.addi %mul3A_131, %add3A_132 : i32
      %mul3A_134 = arith.constant 128 : i32
      %mul3A_135 = arith.muli %add3A_133, %mul3A_134 : i32
      %add3A_136 = arith.addi %mul3A_4, %mul3A_135 : i32
      %dma_wait3A_137 = tpu.memref_slice %arg4[%add3A_136] : memref<320000xi32, #tpu.memory_space<hbm>> -> memref<128xi32, #tpu.memory_space<hbm>>
      %dma_wait3A_138 = tpu.memref_slice %arg4[%add3A_136] : memref<320000xi32, #tpu.memory_space<hbm>> -> memref<128xi32, #tpu.memory_space<hbm>>
      tpu.wait_dma2 semaphore(%arg20 : memref<!tpu.dma_semaphore, #tpu.memory_space<semaphore_mem>>) src(%dma_wait3A_138 : memref<128xi32, #tpu.memory_space<hbm>>) dst(%arg11 : memref<128xi32, #tpu.memory_space<vmem>>)
      %dma_wait3A_139 = arith.constant 0 : i32
      %dma_wait3A_140 = arith.constant 0 : i32
      %dma_wait3A_141 = tpu.memref_slice %arg2[%dma_wait3A_139, %dma_wait3A_140] : memref<10112x128xf32, #tpu.memory_space<hbm>> -> memref<10112x128xf32, #tpu.memory_space<hbm>>
      tpu.wait_indirect_dma semaphore(%arg23 : memref<!tpu.dma_semaphore, #tpu.memory_space<semaphore_mem>>) src(%dma_wait3A_141 : memref<10112x128xf32, #tpu.memory_space<hbm>>) dst(%arg14 : memref<128x128xf32, #tpu.memory_space<vmem>>)
      "tpu.region"() ({
        %run_scoped3A = tpu.sem_alloc : memref<!tpu.dma_semaphore, #tpu.memory_space<semaphore_mem>>
        %dma_start3A_202 = arith.constant 0 : i32
        %dma_start3A_203 = arith.constant 0 : i32
        %dma_start3A_204 = tpu.memref_slice %arg7[%dma_start3A_202, %dma_start3A_203] : memref<10112x128xf32, #tpu.memory_space<vmem_shared>> -> memref<10112x128xf32, #tpu.memory_space<vmem_shared>>
        tpu.enqueue_indirect_dma source(%arg14 : memref<128x128xf32, #tpu.memory_space<vmem>>) target(%dma_start3A_204 : memref<10112x128xf32, #tpu.memory_space<vmem_shared>>) offsets(%arg11 : memref<128xi32, #tpu.memory_space<vmem>>) semaphore(%run_scoped3A : memref<!tpu.dma_semaphore, #tpu.memory_space<semaphore_mem>>) {add = true}
        %dma_wait3A_205 = arith.constant 0 : i32
        %dma_wait3A_206 = arith.constant 0 : i32
        %dma_wait3A_207 = tpu.memref_slice %arg7[%dma_wait3A_205, %dma_wait3A_206] : memref<10112x128xf32, #tpu.memory_space<vmem_shared>> -> memref<10112x128xf32, #tpu.memory_space<vmem_shared>>
        tpu.wait_indirect_dma semaphore(%run_scoped3A : memref<!tpu.dma_semaphore, #tpu.memory_space<semaphore_mem>>) src(%arg14 : memref<128x128xf32, #tpu.memory_space<vmem>>) dst(%dma_wait3A_207 : memref<10112x128xf32, #tpu.memory_space<vmem_shared>>)
        tpu.yield
      }) : () -> ()
      %add3A_142 = arith.constant 3 : i32
      %add3A_143 = arith.addi %add3A_133, %add3A_142 : i32
      %lt3A_144 = arith.cmpi slt, %add3A_143, %select_n3A : i32
      %convert_element_type3A_145 = arith.extui %lt3A_144 : i1 to i32
      %cond3A_146 = arith.constant 0 : i32
      %cond3A_147 = arith.cmpi ne, %convert_element_type3A_145, %cond3A_146 : i32
      scf.if %cond3A_147 {
        %add3A_202 = arith.constant 3 : i32
        %add3A_203 = arith.addi %add3A_133, %add3A_202 : i32
        %mul3A_204 = arith.constant 128 : i32
        %mul3A_205 = arith.muli %add3A_203, %mul3A_204 : i32
        %add3A_206 = arith.addi %mul3A_4, %mul3A_205 : i32
        %dma_start3A_207 = tpu.memref_slice %arg3[%add3A_206] : memref<320000xi32, #tpu.memory_space<hbm>> -> memref<128xi32, #tpu.memory_space<hbm>>
        %dma_start3A_208 = tpu.memref_slice %arg3[%add3A_206] : memref<320000xi32, #tpu.memory_space<hbm>> -> memref<128xi32, #tpu.memory_space<hbm>>
        tpu.enqueue_dma source(%dma_start3A_208 : memref<128xi32, #tpu.memory_space<hbm>>) target(%arg8 : memref<128xi32, #tpu.memory_space<vmem>>) target_semaphore(%arg17 : memref<!tpu.dma_semaphore, #tpu.memory_space<semaphore_mem>>)
        %add3A_209 = arith.constant 3 : i32
        %add3A_210 = arith.addi %add3A_133, %add3A_209 : i32
        %mul3A_211 = arith.constant 128 : i32
        %mul3A_212 = arith.muli %add3A_210, %mul3A_211 : i32
        %add3A_213 = arith.addi %mul3A_4, %mul3A_212 : i32
        %dma_start3A_214 = tpu.memref_slice %arg4[%add3A_213] : memref<320000xi32, #tpu.memory_space<hbm>> -> memref<128xi32, #tpu.memory_space<hbm>>
        %dma_start3A_215 = tpu.memref_slice %arg4[%add3A_213] : memref<320000xi32, #tpu.memory_space<hbm>> -> memref<128xi32, #tpu.memory_space<hbm>>
        tpu.enqueue_dma source(%dma_start3A_215 : memref<128xi32, #tpu.memory_space<hbm>>) target(%arg11 : memref<128xi32, #tpu.memory_space<vmem>>) target_semaphore(%arg20 : memref<!tpu.dma_semaphore, #tpu.memory_space<semaphore_mem>>)
      } else {
      }
      %add3A_148 = arith.constant 2 : i32
      %add3A_149 = arith.addi %add3A_133, %add3A_148 : i32
      %lt3A_150 = arith.cmpi slt, %add3A_149, %select_n3A : i32
      %convert_element_type3A_151 = arith.extui %lt3A_150 : i1 to i32
      %cond3A_152 = arith.constant 0 : i32
      %cond3A_153 = arith.cmpi ne, %convert_element_type3A_151, %cond3A_152 : i32
      scf.if %cond3A_153 {
        %add3A_202 = arith.constant 2 : i32
        %add3A_203 = arith.addi %add3A_133, %add3A_202 : i32
        %mul3A_204 = arith.constant 128 : i32
        %mul3A_205 = arith.muli %add3A_203, %mul3A_204 : i32
        %add3A_206 = arith.addi %mul3A_4, %mul3A_205 : i32
        %dma_wait3A_207 = tpu.memref_slice %arg3[%add3A_206] : memref<320000xi32, #tpu.memory_space<hbm>> -> memref<128xi32, #tpu.memory_space<hbm>>
        %dma_wait3A_208 = tpu.memref_slice %arg3[%add3A_206] : memref<320000xi32, #tpu.memory_space<hbm>> -> memref<128xi32, #tpu.memory_space<hbm>>
        tpu.wait_dma2 semaphore(%arg19 : memref<!tpu.dma_semaphore, #tpu.memory_space<semaphore_mem>>) src(%dma_wait3A_208 : memref<128xi32, #tpu.memory_space<hbm>>) dst(%arg10 : memref<128xi32, #tpu.memory_space<vmem>>)
        %dma_start3A_209 = arith.constant 0 : i32
        %dma_start3A_210 = arith.constant 0 : i32
        %dma_start3A_211 = tpu.memref_slice %arg2[%dma_start3A_209, %dma_start3A_210] : memref<10112x128xf32, #tpu.memory_space<hbm>> -> memref<10112x128xf32, #tpu.memory_space<hbm>>
        tpu.enqueue_indirect_dma source(%dma_start3A_211 : memref<10112x128xf32, #tpu.memory_space<hbm>>) target(%arg16 : memref<128x128xf32, #tpu.memory_space<vmem>>) offsets(%arg10 : memref<128xi32, #tpu.memory_space<vmem>>) semaphore(%arg25 : memref<!tpu.dma_semaphore, #tpu.memory_space<semaphore_mem>>)
      } else {
      }
      %mul3A_154 = arith.constant 3 : i32
      %mul3A_155 = arith.muli %mul3A_154, %while3A_129 : i32
      %add3A_156 = arith.constant 1 : i32
      %add3A_157 = arith.addi %mul3A_155, %add3A_156 : i32
      %mul3A_158 = arith.constant 128 : i32
      %mul3A_159 = arith.muli %add3A_157, %mul3A_158 : i32
      %add3A_160 = arith.addi %mul3A_4, %mul3A_159 : i32
      %dma_wait3A_161 = tpu.memref_slice %arg4[%add3A_160] : memref<320000xi32, #tpu.memory_space<hbm>> -> memref<128xi32, #tpu.memory_space<hbm>>
      %dma_wait3A_162 = tpu.memref_slice %arg4[%add3A_160] : memref<320000xi32, #tpu.memory_space<hbm>> -> memref<128xi32, #tpu.memory_space<hbm>>
      tpu.wait_dma2 semaphore(%arg21 : memref<!tpu.dma_semaphore, #tpu.memory_space<semaphore_mem>>) src(%dma_wait3A_162 : memref<128xi32, #tpu.memory_space<hbm>>) dst(%arg12 : memref<128xi32, #tpu.memory_space<vmem>>)
      %dma_wait3A_163 = arith.constant 0 : i32
      %dma_wait3A_164 = arith.constant 0 : i32
      %dma_wait3A_165 = tpu.memref_slice %arg2[%dma_wait3A_163, %dma_wait3A_164] : memref<10112x128xf32, #tpu.memory_space<hbm>> -> memref<10112x128xf32, #tpu.memory_space<hbm>>
      tpu.wait_indirect_dma semaphore(%arg24 : memref<!tpu.dma_semaphore, #tpu.memory_space<semaphore_mem>>) src(%dma_wait3A_165 : memref<10112x128xf32, #tpu.memory_space<hbm>>) dst(%arg15 : memref<128x128xf32, #tpu.memory_space<vmem>>)
      "tpu.region"() ({
        %run_scoped3A = tpu.sem_alloc : memref<!tpu.dma_semaphore, #tpu.memory_space<semaphore_mem>>
        %dma_start3A_202 = arith.constant 0 : i32
        %dma_start3A_203 = arith.constant 0 : i32
        %dma_start3A_204 = tpu.memref_slice %arg7[%dma_start3A_202, %dma_start3A_203] : memref<10112x128xf32, #tpu.memory_space<vmem_shared>> -> memref<10112x128xf32, #tpu.memory_space<vmem_shared>>
        tpu.enqueue_indirect_dma source(%arg15 : memref<128x128xf32, #tpu.memory_space<vmem>>) target(%dma_start3A_204 : memref<10112x128xf32, #tpu.memory_space<vmem_shared>>) offsets(%arg12 : memref<128xi32, #tpu.memory_space<vmem>>) semaphore(%run_scoped3A : memref<!tpu.dma_semaphore, #tpu.memory_space<semaphore_mem>>) {add = true}
        %dma_wait3A_205 = arith.constant 0 : i32
        %dma_wait3A_206 = arith.constant 0 : i32
        %dma_wait3A_207 = tpu.memref_slice %arg7[%dma_wait3A_205, %dma_wait3A_206] : memref<10112x128xf32, #tpu.memory_space<vmem_shared>> -> memref<10112x128xf32, #tpu.memory_space<vmem_shared>>
        tpu.wait_indirect_dma semaphore(%run_scoped3A : memref<!tpu.dma_semaphore, #tpu.memory_space<semaphore_mem>>) src(%arg15 : memref<128x128xf32, #tpu.memory_space<vmem>>) dst(%dma_wait3A_207 : memref<10112x128xf32, #tpu.memory_space<vmem_shared>>)
        tpu.yield
      }) : () -> ()
      %add3A_166 = arith.constant 3 : i32
      %add3A_167 = arith.addi %add3A_157, %add3A_166 : i32
      %lt3A_168 = arith.cmpi slt, %add3A_167, %select_n3A : i32
      %convert_element_type3A_169 = arith.extui %lt3A_168 : i1 to i32
      %cond3A_170 = arith.constant 0 : i32
      %cond3A_171 = arith.cmpi ne, %convert_element_type3A_169, %cond3A_170 : i32
      scf.if %cond3A_171 {
        %add3A_202 = arith.constant 3 : i32
        %add3A_203 = arith.addi %add3A_157, %add3A_202 : i32
        %mul3A_204 = arith.constant 128 : i32
        %mul3A_205 = arith.muli %add3A_203, %mul3A_204 : i32
        %add3A_206 = arith.addi %mul3A_4, %mul3A_205 : i32
        %dma_start3A_207 = tpu.memref_slice %arg3[%add3A_206] : memref<320000xi32, #tpu.memory_space<hbm>> -> memref<128xi32, #tpu.memory_space<hbm>>
        %dma_start3A_208 = tpu.memref_slice %arg3[%add3A_206] : memref<320000xi32, #tpu.memory_space<hbm>> -> memref<128xi32, #tpu.memory_space<hbm>>
        tpu.enqueue_dma source(%dma_start3A_208 : memref<128xi32, #tpu.memory_space<hbm>>) target(%arg9 : memref<128xi32, #tpu.memory_space<vmem>>) target_semaphore(%arg18 : memref<!tpu.dma_semaphore, #tpu.memory_space<semaphore_mem>>)
        %add3A_209 = arith.constant 3 : i32
        %add3A_210 = arith.addi %add3A_157, %add3A_209 : i32
        %mul3A_211 = arith.constant 128 : i32
        %mul3A_212 = arith.muli %add3A_210, %mul3A_211 : i32
        %add3A_213 = arith.addi %mul3A_4, %mul3A_212 : i32
        %dma_start3A_214 = tpu.memref_slice %arg4[%add3A_213] : memref<320000xi32, #tpu.memory_space<hbm>> -> memref<128xi32, #tpu.memory_space<hbm>>
        %dma_start3A_215 = tpu.memref_slice %arg4[%add3A_213] : memref<320000xi32, #tpu.memory_space<hbm>> -> memref<128xi32, #tpu.memory_space<hbm>>
        tpu.enqueue_dma source(%dma_start3A_215 : memref<128xi32, #tpu.memory_space<hbm>>) target(%arg12 : memref<128xi32, #tpu.memory_space<vmem>>) target_semaphore(%arg21 : memref<!tpu.dma_semaphore, #tpu.memory_space<semaphore_mem>>)
      } else {
      }
      %add3A_172 = arith.constant 2 : i32
      %add3A_173 = arith.addi %add3A_157, %add3A_172 : i32
      %lt3A_174 = arith.cmpi slt, %add3A_173, %select_n3A : i32
      %convert_element_type3A_175 = arith.extui %lt3A_174 : i1 to i32
      %cond3A_176 = arith.constant 0 : i32
      %cond3A_177 = arith.cmpi ne, %convert_element_type3A_175, %cond3A_176 : i32
      scf.if %cond3A_177 {
        %add3A_202 = arith.constant 2 : i32
        %add3A_203 = arith.addi %add3A_157, %add3A_202 : i32
        %mul3A_204 = arith.constant 128 : i32
        %mul3A_205 = arith.muli %add3A_203, %mul3A_204 : i32
        %add3A_206 = arith.addi %mul3A_4, %mul3A_205 : i32
        %dma_wait3A_207 = tpu.memref_slice %arg3[%add3A_206] : memref<320000xi32, #tpu.memory_space<hbm>> -> memref<128xi32, #tpu.memory_space<hbm>>
        %dma_wait3A_208 = tpu.memref_slice %arg3[%add3A_206] : memref<320000xi32, #tpu.memory_space<hbm>> -> memref<128xi32, #tpu.memory_space<hbm>>
        tpu.wait_dma2 semaphore(%arg17 : memref<!tpu.dma_semaphore, #tpu.memory_space<semaphore_mem>>) src(%dma_wait3A_208 : memref<128xi32, #tpu.memory_space<hbm>>) dst(%arg8 : memref<128xi32, #tpu.memory_space<vmem>>)
        %dma_start3A_209 = arith.constant 0 : i32
        %dma_start3A_210 = arith.constant 0 : i32
        %dma_start3A_211 = tpu.memref_slice %arg2[%dma_start3A_209, %dma_start3A_210] : memref<10112x128xf32, #tpu.memory_space<hbm>> -> memref<10112x128xf32, #tpu.memory_space<hbm>>
        tpu.enqueue_indirect_dma source(%dma_start3A_211 : memref<10112x128xf32, #tpu.memory_space<hbm>>) target(%arg14 : memref<128x128xf32, #tpu.memory_space<vmem>>) offsets(%arg8 : memref<128xi32, #tpu.memory_space<vmem>>) semaphore(%arg23 : memref<!tpu.dma_semaphore, #tpu.memory_space<semaphore_mem>>)
      } else {
      }
      %mul3A_178 = arith.constant 3 : i32
      %mul3A_179 = arith.muli %mul3A_178, %while3A_129 : i32
      %add3A_180 = arith.constant 2 : i32
      %add3A_181 = arith.addi %mul3A_179, %add3A_180 : i32
      %mul3A_182 = arith.constant 128 : i32
      %mul3A_183 = arith.muli %add3A_181, %mul3A_182 : i32
      %add3A_184 = arith.addi %mul3A_4, %mul3A_183 : i32
      %dma_wait3A_185 = tpu.memref_slice %arg4[%add3A_184] : memref<320000xi32, #tpu.memory_space<hbm>> -> memref<128xi32, #tpu.memory_space<hbm>>
      %dma_wait3A_186 = tpu.memref_slice %arg4[%add3A_184] : memref<320000xi32, #tpu.memory_space<hbm>> -> memref<128xi32, #tpu.memory_space<hbm>>
      tpu.wait_dma2 semaphore(%arg22 : memref<!tpu.dma_semaphore, #tpu.memory_space<semaphore_mem>>) src(%dma_wait3A_186 : memref<128xi32, #tpu.memory_space<hbm>>) dst(%arg13 : memref<128xi32, #tpu.memory_space<vmem>>)
      %dma_wait3A_187 = arith.constant 0 : i32
      %dma_wait3A_188 = arith.constant 0 : i32
      %dma_wait3A_189 = tpu.memref_slice %arg2[%dma_wait3A_187, %dma_wait3A_188] : memref<10112x128xf32, #tpu.memory_space<hbm>> -> memref<10112x128xf32, #tpu.memory_space<hbm>>
      tpu.wait_indirect_dma semaphore(%arg25 : memref<!tpu.dma_semaphore, #tpu.memory_space<semaphore_mem>>) src(%dma_wait3A_189 : memref<10112x128xf32, #tpu.memory_space<hbm>>) dst(%arg16 : memref<128x128xf32, #tpu.memory_space<vmem>>)
      "tpu.region"() ({
        %run_scoped3A = tpu.sem_alloc : memref<!tpu.dma_semaphore, #tpu.memory_space<semaphore_mem>>
        %dma_start3A_202 = arith.constant 0 : i32
        %dma_start3A_203 = arith.constant 0 : i32
        %dma_start3A_204 = tpu.memref_slice %arg7[%dma_start3A_202, %dma_start3A_203] : memref<10112x128xf32, #tpu.memory_space<vmem_shared>> -> memref<10112x128xf32, #tpu.memory_space<vmem_shared>>
        tpu.enqueue_indirect_dma source(%arg16 : memref<128x128xf32, #tpu.memory_space<vmem>>) target(%dma_start3A_204 : memref<10112x128xf32, #tpu.memory_space<vmem_shared>>) offsets(%arg13 : memref<128xi32, #tpu.memory_space<vmem>>) semaphore(%run_scoped3A : memref<!tpu.dma_semaphore, #tpu.memory_space<semaphore_mem>>) {add = true}
        %dma_wait3A_205 = arith.constant 0 : i32
        %dma_wait3A_206 = arith.constant 0 : i32
        %dma_wait3A_207 = tpu.memref_slice %arg7[%dma_wait3A_205, %dma_wait3A_206] : memref<10112x128xf32, #tpu.memory_space<vmem_shared>> -> memref<10112x128xf32, #tpu.memory_space<vmem_shared>>
        tpu.wait_indirect_dma semaphore(%run_scoped3A : memref<!tpu.dma_semaphore, #tpu.memory_space<semaphore_mem>>) src(%arg16 : memref<128x128xf32, #tpu.memory_space<vmem>>) dst(%dma_wait3A_207 : memref<10112x128xf32, #tpu.memory_space<vmem_shared>>)
        tpu.yield
      }) : () -> ()
      %add3A_190 = arith.constant 3 : i32
      %add3A_191 = arith.addi %add3A_181, %add3A_190 : i32
      %lt3A_192 = arith.cmpi slt, %add3A_191, %select_n3A : i32
      %convert_element_type3A_193 = arith.extui %lt3A_192 : i1 to i32
      %cond3A_194 = arith.constant 0 : i32
      %cond3A_195 = arith.cmpi ne, %convert_element_type3A_193, %cond3A_194 : i32
      scf.if %cond3A_195 {
        %add3A_202 = arith.constant 3 : i32
        %add3A_203 = arith.addi %add3A_181, %add3A_202 : i32
        %mul3A_204 = arith.constant 128 : i32
        %mul3A_205 = arith.muli %add3A_203, %mul3A_204 : i32
        %add3A_206 = arith.addi %mul3A_4, %mul3A_205 : i32
        %dma_start3A_207 = tpu.memref_slice %arg3[%add3A_206] : memref<320000xi32, #tpu.memory_space<hbm>> -> memref<128xi32, #tpu.memory_space<hbm>>
        %dma_start3A_208 = tpu.memref_slice %arg3[%add3A_206] : memref<320000xi32, #tpu.memory_space<hbm>> -> memref<128xi32, #tpu.memory_space<hbm>>
        tpu.enqueue_dma source(%dma_start3A_208 : memref<128xi32, #tpu.memory_space<hbm>>) target(%arg10 : memref<128xi32, #tpu.memory_space<vmem>>) target_semaphore(%arg19 : memref<!tpu.dma_semaphore, #tpu.memory_space<semaphore_mem>>)
        %add3A_209 = arith.constant 3 : i32
        %add3A_210 = arith.addi %add3A_181, %add3A_209 : i32
        %mul3A_211 = arith.constant 128 : i32
        %mul3A_212 = arith.muli %add3A_210, %mul3A_211 : i32
        %add3A_213 = arith.addi %mul3A_4, %mul3A_212 : i32
        %dma_start3A_214 = tpu.memref_slice %arg4[%add3A_213] : memref<320000xi32, #tpu.memory_space<hbm>> -> memref<128xi32, #tpu.memory_space<hbm>>
        %dma_start3A_215 = tpu.memref_slice %arg4[%add3A_213] : memref<320000xi32, #tpu.memory_space<hbm>> -> memref<128xi32, #tpu.memory_space<hbm>>
        tpu.enqueue_dma source(%dma_start3A_215 : memref<128xi32, #tpu.memory_space<hbm>>) target(%arg13 : memref<128xi32, #tpu.memory_space<vmem>>) target_semaphore(%arg22 : memref<!tpu.dma_semaphore, #tpu.memory_space<semaphore_mem>>)
      } else {
      }
      %add3A_196 = arith.constant 2 : i32
      %add3A_197 = arith.addi %add3A_181, %add3A_196 : i32
      %lt3A_198 = arith.cmpi slt, %add3A_197, %select_n3A : i32
      %convert_element_type3A_199 = arith.extui %lt3A_198 : i1 to i32
      %cond3A_200 = arith.constant 0 : i32
      %cond3A_201 = arith.cmpi ne, %convert_element_type3A_199, %cond3A_200 : i32
      scf.if %cond3A_201 {
        %add3A_202 = arith.constant 2 : i32
        %add3A_203 = arith.addi %add3A_181, %add3A_202 : i32
        %mul3A_204 = arith.constant 128 : i32
        %mul3A_205 = arith.muli %add3A_203, %mul3A_204 : i32
        %add3A_206 = arith.addi %mul3A_4, %mul3A_205 : i32
        %dma_wait3A_207 = tpu.memref_slice %arg3[%add3A_206] : memref<320000xi32, #tpu.memory_space<hbm>> -> memref<128xi32, #tpu.memory_space<hbm>>
        %dma_wait3A_208 = tpu.memref_slice %arg3[%add3A_206] : memref<320000xi32, #tpu.memory_space<hbm>> -> memref<128xi32, #tpu.memory_space<hbm>>
        tpu.wait_dma2 semaphore(%arg18 : memref<!tpu.dma_semaphore, #tpu.memory_space<semaphore_mem>>) src(%dma_wait3A_208 : memref<128xi32, #tpu.memory_space<hbm>>) dst(%arg9 : memref<128xi32, #tpu.memory_space<vmem>>)
        %dma_start3A_209 = arith.constant 0 : i32
        %dma_start3A_210 = arith.constant 0 : i32
        %dma_start3A_211 = tpu.memref_slice %arg2[%dma_start3A_209, %dma_start3A_210] : memref<10112x128xf32, #tpu.memory_space<hbm>> -> memref<10112x128xf32, #tpu.memory_space<hbm>>
        tpu.enqueue_indirect_dma source(%dma_start3A_211 : memref<10112x128xf32, #tpu.memory_space<hbm>>) target(%arg15 : memref<128x128xf32, #tpu.memory_space<vmem>>) offsets(%arg9 : memref<128xi32, #tpu.memory_space<vmem>>) semaphore(%arg24 : memref<!tpu.dma_semaphore, #tpu.memory_space<semaphore_mem>>)
      } else {
      }
    }
    %while3A_70 = arith.constant 1 : i32
    scf.for %while3A_129 = %while3A_68 to %while3A_64 step %while3A_70  : i32 {
      %mul3A_130 = arith.constant 3 : i32
      %mul3A_131 = arith.muli %mul3A_130, %while3A_129 : i32
      %add3A_132 = arith.constant 0 : i32
      %add3A_133 = arith.addi %mul3A_131, %add3A_132 : i32
      %mul3A_134 = arith.constant 128 : i32
      %mul3A_135 = arith.muli %add3A_133, %mul3A_134 : i32
      %add3A_136 = arith.addi %mul3A_4, %mul3A_135 : i32
      %dma_wait3A_137 = tpu.memref_slice %arg4[%add3A_136] : memref<320000xi32, #tpu.memory_space<hbm>> -> memref<128xi32, #tpu.memory_space<hbm>>
      %dma_wait3A_138 = tpu.memref_slice %arg4[%add3A_136] : memref<320000xi32, #tpu.memory_space<hbm>> -> memref<128xi32, #tpu.memory_space<hbm>>
      tpu.wait_dma2 semaphore(%arg20 : memref<!tpu.dma_semaphore, #tpu.memory_space<semaphore_mem>>) src(%dma_wait3A_138 : memref<128xi32, #tpu.memory_space<hbm>>) dst(%arg11 : memref<128xi32, #tpu.memory_space<vmem>>)
      %dma_wait3A_139 = arith.constant 0 : i32
      %dma_wait3A_140 = arith.constant 0 : i32
      %dma_wait3A_141 = tpu.memref_slice %arg2[%dma_wait3A_139, %dma_wait3A_140] : memref<10112x128xf32, #tpu.memory_space<hbm>> -> memref<10112x128xf32, #tpu.memory_space<hbm>>
      tpu.wait_indirect_dma semaphore(%arg23 : memref<!tpu.dma_semaphore, #tpu.memory_space<semaphore_mem>>) src(%dma_wait3A_141 : memref<10112x128xf32, #tpu.memory_space<hbm>>) dst(%arg14 : memref<128x128xf32, #tpu.memory_space<vmem>>)
      "tpu.region"() ({
        %run_scoped3A = tpu.sem_alloc : memref<!tpu.dma_semaphore, #tpu.memory_space<semaphore_mem>>
        %dma_start3A_202 = arith.constant 0 : i32
        %dma_start3A_203 = arith.constant 0 : i32
        %dma_start3A_204 = tpu.memref_slice %arg7[%dma_start3A_202, %dma_start3A_203] : memref<10112x128xf32, #tpu.memory_space<vmem_shared>> -> memref<10112x128xf32, #tpu.memory_space<vmem_shared>>
        tpu.enqueue_indirect_dma source(%arg14 : memref<128x128xf32, #tpu.memory_space<vmem>>) target(%dma_start3A_204 : memref<10112x128xf32, #tpu.memory_space<vmem_shared>>) offsets(%arg11 : memref<128xi32, #tpu.memory_space<vmem>>) semaphore(%run_scoped3A : memref<!tpu.dma_semaphore, #tpu.memory_space<semaphore_mem>>) {add = true}
        %dma_wait3A_205 = arith.constant 0 : i32
        %dma_wait3A_206 = arith.constant 0 : i32
        %dma_wait3A_207 = tpu.memref_slice %arg7[%dma_wait3A_205, %dma_wait3A_206] : memref<10112x128xf32, #tpu.memory_space<vmem_shared>> -> memref<10112x128xf32, #tpu.memory_space<vmem_shared>>
        tpu.wait_indirect_dma semaphore(%run_scoped3A : memref<!tpu.dma_semaphore, #tpu.memory_space<semaphore_mem>>) src(%arg14 : memref<128x128xf32, #tpu.memory_space<vmem>>) dst(%dma_wait3A_207 : memref<10112x128xf32, #tpu.memory_space<vmem_shared>>)
        tpu.yield
      }) : () -> ()
      %add3A_142 = arith.constant 3 : i32
      %add3A_143 = arith.addi %add3A_133, %add3A_142 : i32
      %lt3A_144 = arith.cmpi slt, %add3A_143, %select_n3A : i32
      %convert_element_type3A_145 = arith.extui %lt3A_144 : i1 to i32
      %cond3A_146 = arith.constant 0 : i32
      %cond3A_147 = arith.cmpi ne, %convert_element_type3A_145, %cond3A_146 : i32
      scf.if %cond3A_147 {
        %add3A_202 = arith.constant 3 : i32
        %add3A_203 = arith.addi %add3A_133, %add3A_202 : i32
        %mul3A_204 = arith.constant 128 : i32
        %mul3A_205 = arith.muli %add3A_203, %mul3A_204 : i32
        %add3A_206 = arith.addi %mul3A_4, %mul3A_205 : i32
        %dma_start3A_207 = tpu.memref_slice %arg3[%add3A_206] : memref<320000xi32, #tpu.memory_space<hbm>> -> memref<128xi32, #tpu.memory_space<hbm>>
        %dma_start3A_208 = tpu.memref_slice %arg3[%add3A_206] : memref<320000xi32, #tpu.memory_space<hbm>> -> memref<128xi32, #tpu.memory_space<hbm>>
        tpu.enqueue_dma source(%dma_start3A_208 : memref<128xi32, #tpu.memory_space<hbm>>) target(%arg8 : memref<128xi32, #tpu.memory_space<vmem>>) target_semaphore(%arg17 : memref<!tpu.dma_semaphore, #tpu.memory_space<semaphore_mem>>)
        %add3A_209 = arith.constant 3 : i32
        %add3A_210 = arith.addi %add3A_133, %add3A_209 : i32
        %mul3A_211 = arith.constant 128 : i32
        %mul3A_212 = arith.muli %add3A_210, %mul3A_211 : i32
        %add3A_213 = arith.addi %mul3A_4, %mul3A_212 : i32
        %dma_start3A_214 = tpu.memref_slice %arg4[%add3A_213] : memref<320000xi32, #tpu.memory_space<hbm>> -> memref<128xi32, #tpu.memory_space<hbm>>
        %dma_start3A_215 = tpu.memref_slice %arg4[%add3A_213] : memref<320000xi32, #tpu.memory_space<hbm>> -> memref<128xi32, #tpu.memory_space<hbm>>
        tpu.enqueue_dma source(%dma_start3A_215 : memref<128xi32, #tpu.memory_space<hbm>>) target(%arg11 : memref<128xi32, #tpu.memory_space<vmem>>) target_semaphore(%arg20 : memref<!tpu.dma_semaphore, #tpu.memory_space<semaphore_mem>>)
      } else {
      }
      %add3A_148 = arith.constant 2 : i32
      %add3A_149 = arith.addi %add3A_133, %add3A_148 : i32
      %lt3A_150 = arith.cmpi slt, %add3A_149, %select_n3A : i32
      %convert_element_type3A_151 = arith.extui %lt3A_150 : i1 to i32
      %cond3A_152 = arith.constant 0 : i32
      %cond3A_153 = arith.cmpi ne, %convert_element_type3A_151, %cond3A_152 : i32
      scf.if %cond3A_153 {
        %add3A_202 = arith.constant 2 : i32
        %add3A_203 = arith.addi %add3A_133, %add3A_202 : i32
        %mul3A_204 = arith.constant 128 : i32
        %mul3A_205 = arith.muli %add3A_203, %mul3A_204 : i32
        %add3A_206 = arith.addi %mul3A_4, %mul3A_205 : i32
        %dma_wait3A_207 = tpu.memref_slice %arg3[%add3A_206] : memref<320000xi32, #tpu.memory_space<hbm>> -> memref<128xi32, #tpu.memory_space<hbm>>
        %dma_wait3A_208 = tpu.memref_slice %arg3[%add3A_206] : memref<320000xi32, #tpu.memory_space<hbm>> -> memref<128xi32, #tpu.memory_space<hbm>>
        tpu.wait_dma2 semaphore(%arg19 : memref<!tpu.dma_semaphore, #tpu.memory_space<semaphore_mem>>) src(%dma_wait3A_208 : memref<128xi32, #tpu.memory_space<hbm>>) dst(%arg10 : memref<128xi32, #tpu.memory_space<vmem>>)
        %dma_start3A_209 = arith.constant 0 : i32
        %dma_start3A_210 = arith.constant 0 : i32
        %dma_start3A_211 = tpu.memref_slice %arg2[%dma_start3A_209, %dma_start3A_210] : memref<10112x128xf32, #tpu.memory_space<hbm>> -> memref<10112x128xf32, #tpu.memory_space<hbm>>
        tpu.enqueue_indirect_dma source(%dma_start3A_211 : memref<10112x128xf32, #tpu.memory_space<hbm>>) target(%arg16 : memref<128x128xf32, #tpu.memory_space<vmem>>) offsets(%arg10 : memref<128xi32, #tpu.memory_space<vmem>>) semaphore(%arg25 : memref<!tpu.dma_semaphore, #tpu.memory_space<semaphore_mem>>)
      } else {
      }
      %mul3A_154 = arith.constant 3 : i32
      %mul3A_155 = arith.muli %mul3A_154, %while3A_129 : i32
      %add3A_156 = arith.constant 1 : i32
      %add3A_157 = arith.addi %mul3A_155, %add3A_156 : i32
      %mul3A_158 = arith.constant 128 : i32
      %mul3A_159 = arith.muli %add3A_157, %mul3A_158 : i32
      %add3A_160 = arith.addi %mul3A_4, %mul3A_159 : i32
      %dma_wait3A_161 = tpu.memref_slice %arg4[%add3A_160] : memref<320000xi32, #tpu.memory_space<hbm>> -> memref<128xi32, #tpu.memory_space<hbm>>
      %dma_wait3A_162 = tpu.memref_slice %arg4[%add3A_160] : memref<320000xi32, #tpu.memory_space<hbm>> -> memref<128xi32, #tpu.memory_space<hbm>>
      tpu.wait_dma2 semaphore(%arg21 : memref<!tpu.dma_semaphore, #tpu.memory_space<semaphore_mem>>) src(%dma_wait3A_162 : memref<128xi32, #tpu.memory_space<hbm>>) dst(%arg12 : memref<128xi32, #tpu.memory_space<vmem>>)
      %dma_wait3A_163 = arith.constant 0 : i32
      %dma_wait3A_164 = arith.constant 0 : i32
      %dma_wait3A_165 = tpu.memref_slice %arg2[%dma_wait3A_163, %dma_wait3A_164] : memref<10112x128xf32, #tpu.memory_space<hbm>> -> memref<10112x128xf32, #tpu.memory_space<hbm>>
      tpu.wait_indirect_dma semaphore(%arg24 : memref<!tpu.dma_semaphore, #tpu.memory_space<semaphore_mem>>) src(%dma_wait3A_165 : memref<10112x128xf32, #tpu.memory_space<hbm>>) dst(%arg15 : memref<128x128xf32, #tpu.memory_space<vmem>>)
      "tpu.region"() ({
        %run_scoped3A = tpu.sem_alloc : memref<!tpu.dma_semaphore, #tpu.memory_space<semaphore_mem>>
        %dma_start3A_202 = arith.constant 0 : i32
        %dma_start3A_203 = arith.constant 0 : i32
        %dma_start3A_204 = tpu.memref_slice %arg7[%dma_start3A_202, %dma_start3A_203] : memref<10112x128xf32, #tpu.memory_space<vmem_shared>> -> memref<10112x128xf32, #tpu.memory_space<vmem_shared>>
        tpu.enqueue_indirect_dma source(%arg15 : memref<128x128xf32, #tpu.memory_space<vmem>>) target(%dma_start3A_204 : memref<10112x128xf32, #tpu.memory_space<vmem_shared>>) offsets(%arg12 : memref<128xi32, #tpu.memory_space<vmem>>) semaphore(%run_scoped3A : memref<!tpu.dma_semaphore, #tpu.memory_space<semaphore_mem>>) {add = true}
        %dma_wait3A_205 = arith.constant 0 : i32
        %dma_wait3A_206 = arith.constant 0 : i32
        %dma_wait3A_207 = tpu.memref_slice %arg7[%dma_wait3A_205, %dma_wait3A_206] : memref<10112x128xf32, #tpu.memory_space<vmem_shared>> -> memref<10112x128xf32, #tpu.memory_space<vmem_shared>>
        tpu.wait_indirect_dma semaphore(%run_scoped3A : memref<!tpu.dma_semaphore, #tpu.memory_space<semaphore_mem>>) src(%arg15 : memref<128x128xf32, #tpu.memory_space<vmem>>) dst(%dma_wait3A_207 : memref<10112x128xf32, #tpu.memory_space<vmem_shared>>)
        tpu.yield
      }) : () -> ()
      %add3A_166 = arith.constant 3 : i32
      %add3A_167 = arith.addi %add3A_157, %add3A_166 : i32
      %lt3A_168 = arith.cmpi slt, %add3A_167, %select_n3A : i32
      %convert_element_type3A_169 = arith.extui %lt3A_168 : i1 to i32
      %cond3A_170 = arith.constant 0 : i32
      %cond3A_171 = arith.cmpi ne, %convert_element_type3A_169, %cond3A_170 : i32
      scf.if %cond3A_171 {
        %add3A_202 = arith.constant 3 : i32
        %add3A_203 = arith.addi %add3A_157, %add3A_202 : i32
        %mul3A_204 = arith.constant 128 : i32
        %mul3A_205 = arith.muli %add3A_203, %mul3A_204 : i32
        %add3A_206 = arith.addi %mul3A_4, %mul3A_205 : i32
        %dma_start3A_207 = tpu.memref_slice %arg3[%add3A_206] : memref<320000xi32, #tpu.memory_space<hbm>> -> memref<128xi32, #tpu.memory_space<hbm>>
        %dma_start3A_208 = tpu.memref_slice %arg3[%add3A_206] : memref<320000xi32, #tpu.memory_space<hbm>> -> memref<128xi32, #tpu.memory_space<hbm>>
        tpu.enqueue_dma source(%dma_start3A_208 : memref<128xi32, #tpu.memory_space<hbm>>) target(%arg9 : memref<128xi32, #tpu.memory_space<vmem>>) target_semaphore(%arg18 : memref<!tpu.dma_semaphore, #tpu.memory_space<semaphore_mem>>)
        %add3A_209 = arith.constant 3 : i32
        %add3A_210 = arith.addi %add3A_157, %add3A_209 : i32
        %mul3A_211 = arith.constant 128 : i32
        %mul3A_212 = arith.muli %add3A_210, %mul3A_211 : i32
        %add3A_213 = arith.addi %mul3A_4, %mul3A_212 : i32
        %dma_start3A_214 = tpu.memref_slice %arg4[%add3A_213] : memref<320000xi32, #tpu.memory_space<hbm>> -> memref<128xi32, #tpu.memory_space<hbm>>
        %dma_start3A_215 = tpu.memref_slice %arg4[%add3A_213] : memref<320000xi32, #tpu.memory_space<hbm>> -> memref<128xi32, #tpu.memory_space<hbm>>
        tpu.enqueue_dma source(%dma_start3A_215 : memref<128xi32, #tpu.memory_space<hbm>>) target(%arg12 : memref<128xi32, #tpu.memory_space<vmem>>) target_semaphore(%arg21 : memref<!tpu.dma_semaphore, #tpu.memory_space<semaphore_mem>>)
      } else {
      }
      %add3A_172 = arith.constant 2 : i32
      %add3A_173 = arith.addi %add3A_157, %add3A_172 : i32
      %lt3A_174 = arith.cmpi slt, %add3A_173, %select_n3A : i32
      %convert_element_type3A_175 = arith.extui %lt3A_174 : i1 to i32
      %cond3A_176 = arith.constant 0 : i32
      %cond3A_177 = arith.cmpi ne, %convert_element_type3A_175, %cond3A_176 : i32
      scf.if %cond3A_177 {
        %add3A_202 = arith.constant 2 : i32
        %add3A_203 = arith.addi %add3A_157, %add3A_202 : i32
        %mul3A_204 = arith.constant 128 : i32
        %mul3A_205 = arith.muli %add3A_203, %mul3A_204 : i32
        %add3A_206 = arith.addi %mul3A_4, %mul3A_205 : i32
        %dma_wait3A_207 = tpu.memref_slice %arg3[%add3A_206] : memref<320000xi32, #tpu.memory_space<hbm>> -> memref<128xi32, #tpu.memory_space<hbm>>
        %dma_wait3A_208 = tpu.memref_slice %arg3[%add3A_206] : memref<320000xi32, #tpu.memory_space<hbm>> -> memref<128xi32, #tpu.memory_space<hbm>>
        tpu.wait_dma2 semaphore(%arg17 : memref<!tpu.dma_semaphore, #tpu.memory_space<semaphore_mem>>) src(%dma_wait3A_208 : memref<128xi32, #tpu.memory_space<hbm>>) dst(%arg8 : memref<128xi32, #tpu.memory_space<vmem>>)
        %dma_start3A_209 = arith.constant 0 : i32
        %dma_start3A_210 = arith.constant 0 : i32
        %dma_start3A_211 = tpu.memref_slice %arg2[%dma_start3A_209, %dma_start3A_210] : memref<10112x128xf32, #tpu.memory_space<hbm>> -> memref<10112x128xf32, #tpu.memory_space<hbm>>
        tpu.enqueue_indirect_dma source(%dma_start3A_211 : memref<10112x128xf32, #tpu.memory_space<hbm>>) target(%arg14 : memref<128x128xf32, #tpu.memory_space<vmem>>) offsets(%arg8 : memref<128xi32, #tpu.memory_space<vmem>>) semaphore(%arg23 : memref<!tpu.dma_semaphore, #tpu.memory_space<semaphore_mem>>)
      } else {
      }
      %mul3A_178 = arith.constant 3 : i32
      %mul3A_179 = arith.muli %mul3A_178, %while3A_129 : i32
      %add3A_180 = arith.constant 2 : i32
      %add3A_181 = arith.addi %mul3A_179, %add3A_180 : i32
      %mul3A_182 = arith.constant 128 : i32
      %mul3A_183 = arith.muli %add3A_181, %mul3A_182 : i32
      %add3A_184 = arith.addi %mul3A_4, %mul3A_183 : i32
      %dma_wait3A_185 = tpu.memref_slice %arg4[%add3A_184] : memref<320000xi32, #tpu.memory_space<hbm>> -> memref<128xi32, #tpu.memory_space<hbm>>
      %dma_wait3A_186 = tpu.memref_slice %arg4[%add3A_184] : memref<320000xi32, #tpu.memory_space<hbm>> -> memref<128xi32, #tpu.memory_space<hbm>>
      tpu.wait_dma2 semaphore(%arg22 : memref<!tpu.dma_semaphore, #tpu.memory_space<semaphore_mem>>) src(%dma_wait3A_186 : memref<128xi32, #tpu.memory_space<hbm>>) dst(%arg13 : memref<128xi32, #tpu.memory_space<vmem>>)
      %dma_wait3A_187 = arith.constant 0 : i32
      %dma_wait3A_188 = arith.constant 0 : i32
      %dma_wait3A_189 = tpu.memref_slice %arg2[%dma_wait3A_187, %dma_wait3A_188] : memref<10112x128xf32, #tpu.memory_space<hbm>> -> memref<10112x128xf32, #tpu.memory_space<hbm>>
      tpu.wait_indirect_dma semaphore(%arg25 : memref<!tpu.dma_semaphore, #tpu.memory_space<semaphore_mem>>) src(%dma_wait3A_189 : memref<10112x128xf32, #tpu.memory_space<hbm>>) dst(%arg16 : memref<128x128xf32, #tpu.memory_space<vmem>>)
      "tpu.region"() ({
        %run_scoped3A = tpu.sem_alloc : memref<!tpu.dma_semaphore, #tpu.memory_space<semaphore_mem>>
        %dma_start3A_202 = arith.constant 0 : i32
        %dma_start3A_203 = arith.constant 0 : i32
        %dma_start3A_204 = tpu.memref_slice %arg7[%dma_start3A_202, %dma_start3A_203] : memref<10112x128xf32, #tpu.memory_space<vmem_shared>> -> memref<10112x128xf32, #tpu.memory_space<vmem_shared>>
        tpu.enqueue_indirect_dma source(%arg16 : memref<128x128xf32, #tpu.memory_space<vmem>>) target(%dma_start3A_204 : memref<10112x128xf32, #tpu.memory_space<vmem_shared>>) offsets(%arg13 : memref<128xi32, #tpu.memory_space<vmem>>) semaphore(%run_scoped3A : memref<!tpu.dma_semaphore, #tpu.memory_space<semaphore_mem>>) {add = true}
        %dma_wait3A_205 = arith.constant 0 : i32
        %dma_wait3A_206 = arith.constant 0 : i32
        %dma_wait3A_207 = tpu.memref_slice %arg7[%dma_wait3A_205, %dma_wait3A_206] : memref<10112x128xf32, #tpu.memory_space<vmem_shared>> -> memref<10112x128xf32, #tpu.memory_space<vmem_shared>>
        tpu.wait_indirect_dma semaphore(%run_scoped3A : memref<!tpu.dma_semaphore, #tpu.memory_space<semaphore_mem>>) src(%arg16 : memref<128x128xf32, #tpu.memory_space<vmem>>) dst(%dma_wait3A_207 : memref<10112x128xf32, #tpu.memory_space<vmem_shared>>)
        tpu.yield
      }) : () -> ()
      %add3A_190 = arith.constant 3 : i32
      %add3A_191 = arith.addi %add3A_181, %add3A_190 : i32
      %lt3A_192 = arith.cmpi slt, %add3A_191, %select_n3A : i32
      %convert_element_type3A_193 = arith.extui %lt3A_192 : i1 to i32
      %cond3A_194 = arith.constant 0 : i32
      %cond3A_195 = arith.cmpi ne, %convert_element_type3A_193, %cond3A_194 : i32
      scf.if %cond3A_195 {
        %add3A_202 = arith.constant 3 : i32
        %add3A_203 = arith.addi %add3A_181, %add3A_202 : i32
        %mul3A_204 = arith.constant 128 : i32
        %mul3A_205 = arith.muli %add3A_203, %mul3A_204 : i32
        %add3A_206 = arith.addi %mul3A_4, %mul3A_205 : i32
        %dma_start3A_207 = tpu.memref_slice %arg3[%add3A_206] : memref<320000xi32, #tpu.memory_space<hbm>> -> memref<128xi32, #tpu.memory_space<hbm>>
        %dma_start3A_208 = tpu.memref_slice %arg3[%add3A_206] : memref<320000xi32, #tpu.memory_space<hbm>> -> memref<128xi32, #tpu.memory_space<hbm>>
        tpu.enqueue_dma source(%dma_start3A_208 : memref<128xi32, #tpu.memory_space<hbm>>) target(%arg10 : memref<128xi32, #tpu.memory_space<vmem>>) target_semaphore(%arg19 : memref<!tpu.dma_semaphore, #tpu.memory_space<semaphore_mem>>)
        %add3A_209 = arith.constant 3 : i32
        %add3A_210 = arith.addi %add3A_181, %add3A_209 : i32
        %mul3A_211 = arith.constant 128 : i32
        %mul3A_212 = arith.muli %add3A_210, %mul3A_211 : i32
        %add3A_213 = arith.addi %mul3A_4, %mul3A_212 : i32
        %dma_start3A_214 = tpu.memref_slice %arg4[%add3A_213] : memref<320000xi32, #tpu.memory_space<hbm>> -> memref<128xi32, #tpu.memory_space<hbm>>
        %dma_start3A_215 = tpu.memref_slice %arg4[%add3A_213] : memref<320000xi32, #tpu.memory_space<hbm>> -> memref<128xi32, #tpu.memory_space<hbm>>
        tpu.enqueue_dma source(%dma_start3A_215 : memref<128xi32, #tpu.memory_space<hbm>>) target(%arg13 : memref<128xi32, #tpu.memory_space<vmem>>) target_semaphore(%arg22 : memref<!tpu.dma_semaphore, #tpu.memory_space<semaphore_mem>>)
      } else {
      }
      %add3A_196 = arith.constant 2 : i32
      %add3A_197 = arith.addi %add3A_181, %add3A_196 : i32
      %lt3A_198 = arith.cmpi slt, %add3A_197, %select_n3A : i32
      %convert_element_type3A_199 = arith.extui %lt3A_198 : i1 to i32
      %cond3A_200 = arith.constant 0 : i32
      %cond3A_201 = arith.cmpi ne, %convert_element_type3A_199, %cond3A_200 : i32
      scf.if %cond3A_201 {
        %add3A_202 = arith.constant 2 : i32
        %add3A_203 = arith.addi %add3A_181, %add3A_202 : i32
        %mul3A_204 = arith.constant 128 : i32
        %mul3A_205 = arith.muli %add3A_203, %mul3A_204 : i32
        %add3A_206 = arith.addi %mul3A_4, %mul3A_205 : i32
        %dma_wait3A_207 = tpu.memref_slice %arg3[%add3A_206] : memref<320000xi32, #tpu.memory_space<hbm>> -> memref<128xi32, #tpu.memory_space<hbm>>
        %dma_wait3A_208 = tpu.memref_slice %arg3[%add3A_206] : memref<320000xi32, #tpu.memory_space<hbm>> -> memref<128xi32, #tpu.memory_space<hbm>>
        tpu.wait_dma2 semaphore(%arg18 : memref<!tpu.dma_semaphore, #tpu.memory_space<semaphore_mem>>) src(%dma_wait3A_208 : memref<128xi32, #tpu.memory_space<hbm>>) dst(%arg9 : memref<128xi32, #tpu.memory_space<vmem>>)
        %dma_start3A_209 = arith.constant 0 : i32
        %dma_start3A_210 = arith.constant 0 : i32
        %dma_start3A_211 = tpu.memref_slice %arg2[%dma_start3A_209, %dma_start3A_210] : memref<10112x128xf32, #tpu.memory_space<hbm>> -> memref<10112x128xf32, #tpu.memory_space<hbm>>
        tpu.enqueue_indirect_dma source(%dma_start3A_211 : memref<10112x128xf32, #tpu.memory_space<hbm>>) target(%arg15 : memref<128x128xf32, #tpu.memory_space<vmem>>) offsets(%arg9 : memref<128xi32, #tpu.memory_space<vmem>>) semaphore(%arg24 : memref<!tpu.dma_semaphore, #tpu.memory_space<semaphore_mem>>)
      } else {
      }
    }
    %sub3A_71 = arith.constant 1 : i32
    %sub3A_72 = arith.subi %select_n3A, %sub3A_71 : i32
    %jit3A_73 = arith.constant 3 : i32
    %eq3A_74 = arith.constant 0 : i32
    %eq3A_75 = arith.cmpi eq, %jit3A_73, %eq3A_74 : i32
    %jit3A_76 = arith.constant 1 : i32
    %select_n3A_77 = arith.select %eq3A_75, %jit3A_76, %jit3A_73 : i32
    %rem3A_78 = arith.remsi %select_n3A, %select_n3A_77 : i32
    %ne3A_79 = arith.constant 0 : i32
    %ne3A_80 = arith.cmpi ne, %rem3A_78, %ne3A_79 : i32
    %lt3A = arith.constant 0 : i32
    %lt3A_81 = arith.cmpi slt, %rem3A_78, %lt3A : i32
    %lt3A_82 = arith.constant 0 : i32
    %lt3A_83 = arith.cmpi slt, %select_n3A_77, %lt3A_82 : i32
    %ne3A_84 = arith.xori %lt3A_81, %lt3A_83 : i1
    %and3A_85 = arith.andi %ne3A_84, %ne3A_80 : i1
    %add3A_86 = arith.addi %rem3A_78, %select_n3A_77 : i32
    %select_n3A_87 = arith.select %and3A_85, %add3A_86, %rem3A_78 : i32
    %eq3A_88 = arith.constant 1 : i32
    %eq3A_89 = arith.cmpi eq, %select_n3A_87, %eq3A_88 : i32
    %convert_element_type3A_90 = arith.extui %eq3A_89 : i1 to i32
    %cond3A_91 = arith.constant 0 : i32
    %cond3A_92 = arith.cmpi ne, %convert_element_type3A_90, %cond3A_91 : i32
    scf.if %cond3A_92 {
      %mul3A_129 = arith.constant 128 : i32
      %mul3A_130 = arith.muli %sub3A_72, %mul3A_129 : i32
      %add3A_131 = arith.addi %mul3A_4, %mul3A_130 : i32
      %dma_wait3A_132 = tpu.memref_slice %arg4[%add3A_131] : memref<320000xi32, #tpu.memory_space<hbm>> -> memref<128xi32, #tpu.memory_space<hbm>>
      %dma_wait3A_133 = tpu.memref_slice %arg4[%add3A_131] : memref<320000xi32, #tpu.memory_space<hbm>> -> memref<128xi32, #tpu.memory_space<hbm>>
      tpu.wait_dma2 semaphore(%arg20 : memref<!tpu.dma_semaphore, #tpu.memory_space<semaphore_mem>>) src(%dma_wait3A_133 : memref<128xi32, #tpu.memory_space<hbm>>) dst(%arg11 : memref<128xi32, #tpu.memory_space<vmem>>)
      %dma_wait3A_134 = arith.constant 0 : i32
      %dma_wait3A_135 = arith.constant 0 : i32
      %dma_wait3A_136 = tpu.memref_slice %arg2[%dma_wait3A_134, %dma_wait3A_135] : memref<10112x128xf32, #tpu.memory_space<hbm>> -> memref<10112x128xf32, #tpu.memory_space<hbm>>
      tpu.wait_indirect_dma semaphore(%arg23 : memref<!tpu.dma_semaphore, #tpu.memory_space<semaphore_mem>>) src(%dma_wait3A_136 : memref<10112x128xf32, #tpu.memory_space<hbm>>) dst(%arg14 : memref<128x128xf32, #tpu.memory_space<vmem>>)
      "tpu.region"() ({
        %run_scoped3A = tpu.sem_alloc : memref<!tpu.dma_semaphore, #tpu.memory_space<semaphore_mem>>
        %dma_start3A_137 = arith.constant 0 : i32
        %dma_start3A_138 = arith.constant 0 : i32
        %dma_start3A_139 = tpu.memref_slice %arg7[%dma_start3A_137, %dma_start3A_138] : memref<10112x128xf32, #tpu.memory_space<vmem_shared>> -> memref<10112x128xf32, #tpu.memory_space<vmem_shared>>
        tpu.enqueue_indirect_dma source(%arg14 : memref<128x128xf32, #tpu.memory_space<vmem>>) target(%dma_start3A_139 : memref<10112x128xf32, #tpu.memory_space<vmem_shared>>) offsets(%arg11 : memref<128xi32, #tpu.memory_space<vmem>>) semaphore(%run_scoped3A : memref<!tpu.dma_semaphore, #tpu.memory_space<semaphore_mem>>) {add = true}
        %dma_wait3A_140 = arith.constant 0 : i32
        %dma_wait3A_141 = arith.constant 0 : i32
        %dma_wait3A_142 = tpu.memref_slice %arg7[%dma_wait3A_140, %dma_wait3A_141] : memref<10112x128xf32, #tpu.memory_space<vmem_shared>> -> memref<10112x128xf32, #tpu.memory_space<vmem_shared>>
        tpu.wait_indirect_dma semaphore(%run_scoped3A : memref<!tpu.dma_semaphore, #tpu.memory_space<semaphore_mem>>) src(%arg14 : memref<128x128xf32, #tpu.memory_space<vmem>>) dst(%dma_wait3A_142 : memref<10112x128xf32, #tpu.memory_space<vmem_shared>>)
        tpu.yield
      }) : () -> ()
    } else {
    }
    %barrier3A_93 = arith.constant 0 : index
    tpu.barrier barrier_id(%barrier3A_93)
    %add3A_94 = arith.constant 0 : i32
    %add3A_95 = arith.addi %arg1, %add3A_94 : i32
    %lt3A_96 = arith.constant 79 : i32
    %lt3A_97 = arith.cmpi slt, %add3A_95, %lt3A_96 : i32
    %convert_element_type3A_98 = arith.extui %lt3A_97 : i1 to i32
    %cond3A_99 = arith.constant 0 : i32
    %cond3A_100 = arith.cmpi ne, %convert_element_type3A_98, %cond3A_99 : i32
    scf.if %cond3A_100 {
      %mul3A_129 = arith.constant 128 : i32
      %mul3A_130 = arith.muli %add3A_95, %mul3A_129 : i32
      %mul3A_131 = arith.constant 128 : i32
      %mul3A_132 = arith.muli %add3A_95, %mul3A_131 : i32
      "tpu.region"() ({
        %run_scoped3A = tpu.sem_alloc : memref<!tpu.dma_semaphore, #tpu.memory_space<semaphore_mem>>
        %dma_start3A_133 = arith.constant 0 : i32
        %dma_start3A_134 = tpu.memref_slice %arg6[%arg0, %mul3A_132, %dma_start3A_133] : memref<2x10112x128xf32, #tpu.memory_space<hbm>> -> memref<1x128x128xf32, #tpu.memory_space<hbm>>
        %dma_start3A_135 = tpu.memref_squeeze %dma_start3A_134 : memref<1x128x128xf32, #tpu.memory_space<hbm>> -> memref<128x128xf32, #tpu.memory_space<hbm>>
        %dma_start3A_136 = arith.constant 0 : i32
        %dma_start3A_137 = tpu.memref_slice %arg7[%mul3A_130, %dma_start3A_136] : memref<10112x128xf32, #tpu.memory_space<vmem_shared>> -> memref<128x128xf32, #tpu.memory_space<vmem_shared>>
        tpu.enqueue_dma source(%dma_start3A_137 : memref<128x128xf32, #tpu.memory_space<vmem_shared>>) target(%dma_start3A_135 : memref<128x128xf32, #tpu.memory_space<hbm>>) target_semaphore(%run_scoped3A : memref<!tpu.dma_semaphore, #tpu.memory_space<semaphore_mem>>)
        %dma_wait3A_138 = arith.constant 0 : i32
        %dma_wait3A_139 = tpu.memref_slice %arg6[%arg0, %mul3A_132, %dma_wait3A_138] : memref<2x10112x128xf32, #tpu.memory_space<hbm>> -> memref<1x128x128xf32, #tpu.memory_space<hbm>>
        %dma_wait3A_140 = tpu.memref_squeeze %dma_wait3A_139 : memref<1x128x128xf32, #tpu.memory_space<hbm>> -> memref<128x128xf32, #tpu.memory_space<hbm>>
        %dma_wait3A_141 = arith.constant 0 : i32
        %dma_wait3A_142 = tpu.memref_slice %arg7[%mul3A_130, %dma_wait3A_141] : memref<10112x128xf32, #tpu.memory_space<vmem_shared>> -> memref<128x128xf32, #tpu.memory_space<vmem_shared>>
        tpu.wait_dma2 semaphore(%run_scoped3A : memref<!tpu.dma_semaphore, #tpu.memory_space<semaphore_mem>>) src(%dma_wait3A_142 : memref<128x128xf32, #tpu.memory_space<vmem_shared>>) dst(%dma_wait3A_140 : memref<128x128xf32, #tpu.memory_space<hbm>>)
        tpu.yield
      }) : () -> ()
    } else {
    }
    %add3A_101 = arith.constant 16 : i32
    %add3A_102 = arith.addi %arg1, %add3A_101 : i32
    %lt3A_103 = arith.constant 79 : i32
    %lt3A_104 = arith.cmpi slt, %add3A_102, %lt3A_103 : i32
    %convert_element_type3A_105 = arith.extui %lt3A_104 : i1 to i32
    %cond3A_106 = arith.constant 0 : i32
    %cond3A_107 = arith.cmpi ne, %convert_element_type3A_105, %cond3A_106 : i32
    scf.if %cond3A_107 {
      %mul3A_129 = arith.constant 128 : i32
      %mul3A_130 = arith.muli %add3A_102, %mul3A_129 : i32
      %mul3A_131 = arith.constant 128 : i32
      %mul3A_132 = arith.muli %add3A_102, %mul3A_131 : i32
      "tpu.region"() ({
        %run_scoped3A = tpu.sem_alloc : memref<!tpu.dma_semaphore, #tpu.memory_space<semaphore_mem>>
        %dma_start3A_133 = arith.constant 0 : i32
        %dma_start3A_134 = tpu.memref_slice %arg6[%arg0, %mul3A_132, %dma_start3A_133] : memref<2x10112x128xf32, #tpu.memory_space<hbm>> -> memref<1x128x128xf32, #tpu.memory_space<hbm>>
        %dma_start3A_135 = tpu.memref_squeeze %dma_start3A_134 : memref<1x128x128xf32, #tpu.memory_space<hbm>> -> memref<128x128xf32, #tpu.memory_space<hbm>>
        %dma_start3A_136 = arith.constant 0 : i32
        %dma_start3A_137 = tpu.memref_slice %arg7[%mul3A_130, %dma_start3A_136] : memref<10112x128xf32, #tpu.memory_space<vmem_shared>> -> memref<128x128xf32, #tpu.memory_space<vmem_shared>>
        tpu.enqueue_dma source(%dma_start3A_137 : memref<128x128xf32, #tpu.memory_space<vmem_shared>>) target(%dma_start3A_135 : memref<128x128xf32, #tpu.memory_space<hbm>>) target_semaphore(%run_scoped3A : memref<!tpu.dma_semaphore, #tpu.memory_space<semaphore_mem>>)
        %dma_wait3A_138 = arith.constant 0 : i32
        %dma_wait3A_139 = tpu.memref_slice %arg6[%arg0, %mul3A_132, %dma_wait3A_138] : memref<2x10112x128xf32, #tpu.memory_space<hbm>> -> memref<1x128x128xf32, #tpu.memory_space<hbm>>
        %dma_wait3A_140 = tpu.memref_squeeze %dma_wait3A_139 : memref<1x128x128xf32, #tpu.memory_space<hbm>> -> memref<128x128xf32, #tpu.memory_space<hbm>>
        %dma_wait3A_141 = arith.constant 0 : i32
        %dma_wait3A_142 = tpu.memref_slice %arg7[%mul3A_130, %dma_wait3A_141] : memref<10112x128xf32, #tpu.memory_space<vmem_shared>> -> memref<128x128xf32, #tpu.memory_space<vmem_shared>>
        tpu.wait_dma2 semaphore(%run_scoped3A : memref<!tpu.dma_semaphore, #tpu.memory_space<semaphore_mem>>) src(%dma_wait3A_142 : memref<128x128xf32, #tpu.memory_space<vmem_shared>>) dst(%dma_wait3A_140 : memref<128x128xf32, #tpu.memory_space<hbm>>)
        tpu.yield
      }) : () -> ()
    } else {
    }
    %add3A_108 = arith.constant 32 : i32
    %add3A_109 = arith.addi %arg1, %add3A_108 : i32
    %lt3A_110 = arith.constant 79 : i32
    %lt3A_111 = arith.cmpi slt, %add3A_109, %lt3A_110 : i32
    %convert_element_type3A_112 = arith.extui %lt3A_111 : i1 to i32
    %cond3A_113 = arith.constant 0 : i32
    %cond3A_114 = arith.cmpi ne, %convert_element_type3A_112, %cond3A_113 : i32
    scf.if %cond3A_114 {
      %mul3A_129 = arith.constant 128 : i32
      %mul3A_130 = arith.muli %add3A_109, %mul3A_129 : i32
      %mul3A_131 = arith.constant 128 : i32
      %mul3A_132 = arith.muli %add3A_109, %mul3A_131 : i32
      "tpu.region"() ({
        %run_scoped3A = tpu.sem_alloc : memref<!tpu.dma_semaphore, #tpu.memory_space<semaphore_mem>>
        %dma_start3A_133 = arith.constant 0 : i32
        %dma_start3A_134 = tpu.memref_slice %arg6[%arg0, %mul3A_132, %dma_start3A_133] : memref<2x10112x128xf32, #tpu.memory_space<hbm>> -> memref<1x128x128xf32, #tpu.memory_space<hbm>>
        %dma_start3A_135 = tpu.memref_squeeze %dma_start3A_134 : memref<1x128x128xf32, #tpu.memory_space<hbm>> -> memref<128x128xf32, #tpu.memory_space<hbm>>
        %dma_start3A_136 = arith.constant 0 : i32
        %dma_start3A_137 = tpu.memref_slice %arg7[%mul3A_130, %dma_start3A_136] : memref<10112x128xf32, #tpu.memory_space<vmem_shared>> -> memref<128x128xf32, #tpu.memory_space<vmem_shared>>
        tpu.enqueue_dma source(%dma_start3A_137 : memref<128x128xf32, #tpu.memory_space<vmem_shared>>) target(%dma_start3A_135 : memref<128x128xf32, #tpu.memory_space<hbm>>) target_semaphore(%run_scoped3A : memref<!tpu.dma_semaphore, #tpu.memory_space<semaphore_mem>>)
        %dma_wait3A_138 = arith.constant 0 : i32
        %dma_wait3A_139 = tpu.memref_slice %arg6[%arg0, %mul3A_132, %dma_wait3A_138] : memref<2x10112x128xf32, #tpu.memory_space<hbm>> -> memref<1x128x128xf32, #tpu.memory_space<hbm>>
        %dma_wait3A_140 = tpu.memref_squeeze %dma_wait3A_139 : memref<1x128x128xf32, #tpu.memory_space<hbm>> -> memref<128x128xf32, #tpu.memory_space<hbm>>
        %dma_wait3A_141 = arith.constant 0 : i32
        %dma_wait3A_142 = tpu.memref_slice %arg7[%mul3A_130, %dma_wait3A_141] : memref<10112x128xf32, #tpu.memory_space<vmem_shared>> -> memref<128x128xf32, #tpu.memory_space<vmem_shared>>
        tpu.wait_dma2 semaphore(%run_scoped3A : memref<!tpu.dma_semaphore, #tpu.memory_space<semaphore_mem>>) src(%dma_wait3A_142 : memref<128x128xf32, #tpu.memory_space<vmem_shared>>) dst(%dma_wait3A_140 : memref<128x128xf32, #tpu.memory_space<hbm>>)
        tpu.yield
      }) : () -> ()
    } else {
    }
    %add3A_115 = arith.constant 48 : i32
    %add3A_116 = arith.addi %arg1, %add3A_115 : i32
    %lt3A_117 = arith.constant 79 : i32
    %lt3A_118 = arith.cmpi slt, %add3A_116, %lt3A_117 : i32
    %convert_element_type3A_119 = arith.extui %lt3A_118 : i1 to i32
    %cond3A_120 = arith.constant 0 : i32
    %cond3A_121 = arith.cmpi ne, %convert_element_type3A_119, %cond3A_120 : i32
    scf.if %cond3A_121 {
      %mul3A_129 = arith.constant 128 : i32
      %mul3A_130 = arith.muli %add3A_116, %mul3A_129 : i32
      %mul3A_131 = arith.constant 128 : i32
      %mul3A_132 = arith.muli %add3A_116, %mul3A_131 : i32
      "tpu.region"() ({
        %run_scoped3A = tpu.sem_alloc : memref<!tpu.dma_semaphore, #tpu.memory_space<semaphore_mem>>
        %dma_start3A_133 = arith.constant 0 : i32
        %dma_start3A_134 = tpu.memref_slice %arg6[%arg0, %mul3A_132, %dma_start3A_133] : memref<2x10112x128xf32, #tpu.memory_space<hbm>> -> memref<1x128x128xf32, #tpu.memory_space<hbm>>
        %dma_start3A_135 = tpu.memref_squeeze %dma_start3A_134 : memref<1x128x128xf32, #tpu.memory_space<hbm>> -> memref<128x128xf32, #tpu.memory_space<hbm>>
        %dma_start3A_136 = arith.constant 0 : i32
        %dma_start3A_137 = tpu.memref_slice %arg7[%mul3A_130, %dma_start3A_136] : memref<10112x128xf32, #tpu.memory_space<vmem_shared>> -> memref<128x128xf32, #tpu.memory_space<vmem_shared>>
        tpu.enqueue_dma source(%dma_start3A_137 : memref<128x128xf32, #tpu.memory_space<vmem_shared>>) target(%dma_start3A_135 : memref<128x128xf32, #tpu.memory_space<hbm>>) target_semaphore(%run_scoped3A : memref<!tpu.dma_semaphore, #tpu.memory_space<semaphore_mem>>)
        %dma_wait3A_138 = arith.constant 0 : i32
        %dma_wait3A_139 = tpu.memref_slice %arg6[%arg0, %mul3A_132, %dma_wait3A_138] : memref<2x10112x128xf32, #tpu.memory_space<hbm>> -> memref<1x128x128xf32, #tpu.memory_space<hbm>>
        %dma_wait3A_140 = tpu.memref_squeeze %dma_wait3A_139 : memref<1x128x128xf32, #tpu.memory_space<hbm>> -> memref<128x128xf32, #tpu.memory_space<hbm>>
        %dma_wait3A_141 = arith.constant 0 : i32
        %dma_wait3A_142 = tpu.memref_slice %arg7[%mul3A_130, %dma_wait3A_141] : memref<10112x128xf32, #tpu.memory_space<vmem_shared>> -> memref<128x128xf32, #tpu.memory_space<vmem_shared>>
        tpu.wait_dma2 semaphore(%run_scoped3A : memref<!tpu.dma_semaphore, #tpu.memory_space<semaphore_mem>>) src(%dma_wait3A_142 : memref<128x128xf32, #tpu.memory_space<vmem_shared>>) dst(%dma_wait3A_140 : memref<128x128xf32, #tpu.memory_space<hbm>>)
        tpu.yield
      }) : () -> ()
    } else {
    }
    %add3A_122 = arith.constant 64 : i32
    %add3A_123 = arith.addi %arg1, %add3A_122 : i32
    %lt3A_124 = arith.constant 79 : i32
    %lt3A_125 = arith.cmpi slt, %add3A_123, %lt3A_124 : i32
    %convert_element_type3A_126 = arith.extui %lt3A_125 : i1 to i32
    %cond3A_127 = arith.constant 0 : i32
    %cond3A_128 = arith.cmpi ne, %convert_element_type3A_126, %cond3A_127 : i32
    scf.if %cond3A_128 {
      %mul3A_129 = arith.constant 128 : i32
      %mul3A_130 = arith.muli %add3A_123, %mul3A_129 : i32
      %mul3A_131 = arith.constant 128 : i32
      %mul3A_132 = arith.muli %add3A_123, %mul3A_131 : i32
      "tpu.region"() ({
        %run_scoped3A = tpu.sem_alloc : memref<!tpu.dma_semaphore, #tpu.memory_space<semaphore_mem>>
        %dma_start3A_133 = arith.constant 0 : i32
        %dma_start3A_134 = tpu.memref_slice %arg6[%arg0, %mul3A_132, %dma_start3A_133] : memref<2x10112x128xf32, #tpu.memory_space<hbm>> -> memref<1x128x128xf32, #tpu.memory_space<hbm>>
        %dma_start3A_135 = tpu.memref_squeeze %dma_start3A_134 : memref<1x128x128xf32, #tpu.memory_space<hbm>> -> memref<128x128xf32, #tpu.memory_space<hbm>>
        %dma_start3A_136 = arith.constant 0 : i32
        %dma_start3A_137 = tpu.memref_slice %arg7[%mul3A_130, %dma_start3A_136] : memref<10112x128xf32, #tpu.memory_space<vmem_shared>> -> memref<128x128xf32, #tpu.memory_space<vmem_shared>>
        tpu.enqueue_dma source(%dma_start3A_137 : memref<128x128xf32, #tpu.memory_space<vmem_shared>>) target(%dma_start3A_135 : memref<128x128xf32, #tpu.memory_space<hbm>>) target_semaphore(%run_scoped3A : memref<!tpu.dma_semaphore, #tpu.memory_space<semaphore_mem>>)
        %dma_wait3A_138 = arith.constant 0 : i32
        %dma_wait3A_139 = tpu.memref_slice %arg6[%arg0, %mul3A_132, %dma_wait3A_138] : memref<2x10112x128xf32, #tpu.memory_space<hbm>> -> memref<1x128x128xf32, #tpu.memory_space<hbm>>
        %dma_wait3A_140 = tpu.memref_squeeze %dma_wait3A_139 : memref<1x128x128xf32, #tpu.memory_space<hbm>> -> memref<128x128xf32, #tpu.memory_space<hbm>>
        %dma_wait3A_141 = arith.constant 0 : i32
        %dma_wait3A_142 = tpu.memref_slice %arg7[%mul3A_130, %dma_wait3A_141] : memref<10112x128xf32, #tpu.memory_space<vmem_shared>> -> memref<128x128xf32, #tpu.memory_space<vmem_shared>>
        tpu.wait_dma2 semaphore(%run_scoped3A : memref<!tpu.dma_semaphore, #tpu.memory_space<semaphore_mem>>) src(%dma_wait3A_142 : memref<128x128xf32, #tpu.memory_space<vmem_shared>>) dst(%dma_wait3A_140 : memref<128x128xf32, #tpu.memory_space<hbm>>)
        tpu.yield
      }) : () -> ()
    } else {
    }
    return
  }
}

#map = affine_map<(d0, d1) -> (0, 0)>
#map1 = affine_map<(d0, d1) -> (0)>
#map2 = affine_map<(d0, d1) -> (0, 0, 0)>
module attributes {stable_mosaic.version = 14 : i64} {
  func.func @_msgpass(%arg0: i32, %arg1: i32, %arg2: memref<10112x128xf32, #tpu.memory_space<hbm>>, %arg3: memref<320000xi32, #tpu.memory_space<hbm>>, %arg4: memref<320000xi32, #tpu.memory_space<hbm>>, %arg5: memref<10112x128xf32, #tpu.memory_space<hbm>>, %arg6: memref<2x10112x128xf32, #tpu.memory_space<hbm>>, %arg7: memref<10112x128xf32, #tpu.memory_space<vmem_shared>>, %arg8: memref<128xi32, #tpu.memory_space<vmem>>, %arg9: memref<128xi32, #tpu.memory_space<vmem>>, %arg10: memref<128xi32, #tpu.memory_space<vmem>>, %arg11: memref<128xi32, #tpu.memory_space<vmem>>, %arg12: memref<128xi32, #tpu.memory_space<vmem>>, %arg13: memref<128xi32, #tpu.memory_space<vmem>>, %arg14: memref<128x128xf32, #tpu.memory_space<vmem>>, %arg15: memref<128x128xf32, #tpu.memory_space<vmem>>, %arg16: memref<128x128xf32, #tpu.memory_space<vmem>>, %arg17: memref<!tpu.dma_semaphore, #tpu.memory_space<semaphore_mem>>, %arg18: memref<!tpu.dma_semaphore, #tpu.memory_space<semaphore_mem>>, %arg19: memref<!tpu.dma_semaphore, #tpu.memory_space<semaphore_mem>>, %arg20: memref<!tpu.dma_semaphore, #tpu.memory_space<semaphore_mem>>, %arg21: memref<!tpu.dma_semaphore, #tpu.memory_space<semaphore_mem>>, %arg22: memref<!tpu.dma_semaphore, #tpu.memory_space<semaphore_mem>>, %arg23: memref<!tpu.dma_semaphore, #tpu.memory_space<semaphore_mem>>, %arg24: memref<!tpu.dma_semaphore, #tpu.memory_space<semaphore_mem>>, %arg25: memref<!tpu.dma_semaphore, #tpu.memory_space<semaphore_mem>>) attributes {dimension_semantics = [#tpu.dimension_semantics<core_parallel>, #tpu.dimension_semantics<subcore_parallel>], iteration_bounds = array<i64: 2, 16>, scalar_prefetch = 0 : i64, scratch_operands = 19 : i64, tpu.core_type = #tpu.core_type<sc_vector_subcore>, window_params = [{transform_indices = #map}, {transform_indices = #map1}, {transform_indices = #map1}, {transform_indices = #map}, {transform_indices = #map2}]} {
    %mul3A = arith.constant 2 : i32
    %mul3A_0 = arith.muli %arg1, %mul3A : i32
    %add3A = arith.addi %mul3A_0, %arg0 : i32
    %eq3A = arith.constant 31 : i32
    %eq3A_1 = arith.cmpi eq, %add3A, %eq3A : i32
    %jit3A = arith.constant 51 : i32
    %jit3A_2 = arith.constant 79 : i32
    %select_n3A = arith.select %eq3A_1, %jit3A, %jit3A_2 : i32
    %mul3A_3 = arith.constant 10112 : i32
    %mul3A_4 = arith.muli %add3A, %mul3A_3 : i32
    %eq3A_5 = arith.constant 0 : i32
    %eq3A_6 = arith.cmpi eq, %arg1, %eq3A_5 : i32
    %convert_element_type3A = arith.extui %eq3A_6 : i1 to i32
    %cond3A = arith.constant 0 : i32
    %cond3A_7 = arith.cmpi ne, %convert_element_type3A, %cond3A : i32
    scf.if %cond3A_7 {
      "tpu.region"() ({
        %run_scoped3A = tpu.sem_alloc : memref<!tpu.dma_semaphore, #tpu.memory_space<semaphore_mem>>
        tpu.enqueue_dma source(%arg5 : memref<10112x128xf32, #tpu.memory_space<hbm>>) target(%arg7 : memref<10112x128xf32, #tpu.memory_space<vmem_shared>>) target_semaphore(%run_scoped3A : memref<!tpu.dma_semaphore, #tpu.memory_space<semaphore_mem>>)
        tpu.wait_dma2 semaphore(%run_scoped3A : memref<!tpu.dma_semaphore, #tpu.memory_space<semaphore_mem>>) src(%arg5 : memref<10112x128xf32, #tpu.memory_space<hbm>>) dst(%arg7 : memref<10112x128xf32, #tpu.memory_space<vmem_shared>>)
        tpu.yield
      }) : () -> ()
    } else {
    }
    %barrier3A = arith.constant 0 : index
    tpu.barrier barrier_id(%barrier3A)
    %add3A_8 = arith.constant 0 : i32
    %add3A_9 = arith.addi %mul3A_4, %add3A_8 : i32
    %dma_start3A = tpu.memref_slice %arg3[%add3A_9] : memref<320000xi32, #tpu.memory_space<hbm>> -> memref<128xi32, #tpu.memory_space<hbm>>
    %dma_start3A_10 = tpu.memref_slice %arg3[%add3A_9] : memref<320000xi32, #tpu.memory_space<hbm>> -> memref<128xi32, #tpu.memory_space<hbm>>
    tpu.enqueue_dma source(%dma_start3A_10 : memref<128xi32, #tpu.memory_space<hbm>>) target(%arg8 : memref<128xi32, #tpu.memory_space<vmem>>) target_semaphore(%arg17 : memref<!tpu.dma_semaphore, #tpu.memory_space<semaphore_mem>>)
    %add3A_11 = arith.constant 0 : i32
    %add3A_12 = arith.addi %mul3A_4, %add3A_11 : i32
    %dma_start3A_13 = tpu.memref_slice %arg4[%add3A_12] : memref<320000xi32, #tpu.memory_space<hbm>> -> memref<128xi32, #tpu.memory_space<hbm>>
    %dma_start3A_14 = tpu.memref_slice %arg4[%add3A_12] : memref<320000xi32, #tpu.memory_space<hbm>> -> memref<128xi32, #tpu.memory_space<hbm>>
    tpu.enqueue_dma source(%dma_start3A_14 : memref<128xi32, #tpu.memory_space<hbm>>) target(%arg11 : memref<128xi32, #tpu.memory_space<vmem>>) target_semaphore(%arg20 : memref<!tpu.dma_semaphore, #tpu.memory_space<semaphore_mem>>)
    %add3A_15 = arith.constant 128 : i32
    %add3A_16 = arith.addi %mul3A_4, %add3A_15 : i32
    %dma_start3A_17 = tpu.memref_slice %arg3[%add3A_16] : memref<320000xi32, #tpu.memory_space<hbm>> -> memref<128xi32, #tpu.memory_space<hbm>>
    %dma_start3A_18 = tpu.memref_slice %arg3[%add3A_16] : memref<320000xi32, #tpu.memory_space<hbm>> -> memref<128xi32, #tpu.memory_space<hbm>>
    tpu.enqueue_dma source(%dma_start3A_18 : memref<128xi32, #tpu.memory_space<hbm>>) target(%arg9 : memref<128xi32, #tpu.memory_space<vmem>>) target_semaphore(%arg18 : memref<!tpu.dma_semaphore, #tpu.memory_space<semaphore_mem>>)
    %add3A_19 = arith.constant 128 : i32
    %add3A_20 = arith.addi %mul3A_4, %add3A_19 : i32
    %dma_start3A_21 = tpu.memref_slice %arg4[%add3A_20] : memref<320000xi32, #tpu.memory_space<hbm>> -> memref<128xi32, #tpu.memory_space<hbm>>
    %dma_start3A_22 = tpu.memref_slice %arg4[%add3A_20] : memref<320000xi32, #tpu.memory_space<hbm>> -> memref<128xi32, #tpu.memory_space<hbm>>
    tpu.enqueue_dma source(%dma_start3A_22 : memref<128xi32, #tpu.memory_space<hbm>>) target(%arg12 : memref<128xi32, #tpu.memory_space<vmem>>) target_semaphore(%arg21 : memref<!tpu.dma_semaphore, #tpu.memory_space<semaphore_mem>>)
    %add3A_23 = arith.constant 256 : i32
    %add3A_24 = arith.addi %mul3A_4, %add3A_23 : i32
    %dma_start3A_25 = tpu.memref_slice %arg3[%add3A_24] : memref<320000xi32, #tpu.memory_space<hbm>> -> memref<128xi32, #tpu.memory_space<hbm>>
    %dma_start3A_26 = tpu.memref_slice %arg3[%add3A_24] : memref<320000xi32, #tpu.memory_space<hbm>> -> memref<128xi32, #tpu.memory_space<hbm>>
    tpu.enqueue_dma source(%dma_start3A_26 : memref<128xi32, #tpu.memory_space<hbm>>) target(%arg10 : memref<128xi32, #tpu.memory_space<vmem>>) target_semaphore(%arg19 : memref<!tpu.dma_semaphore, #tpu.memory_space<semaphore_mem>>)
    %add3A_27 = arith.constant 256 : i32
    %add3A_28 = arith.addi %mul3A_4, %add3A_27 : i32
    %dma_start3A_29 = tpu.memref_slice %arg4[%add3A_28] : memref<320000xi32, #tpu.memory_space<hbm>> -> memref<128xi32, #tpu.memory_space<hbm>>
    %dma_start3A_30 = tpu.memref_slice %arg4[%add3A_28] : memref<320000xi32, #tpu.memory_space<hbm>> -> memref<128xi32, #tpu.memory_space<hbm>>
    tpu.enqueue_dma source(%dma_start3A_30 : memref<128xi32, #tpu.memory_space<hbm>>) target(%arg13 : memref<128xi32, #tpu.memory_space<vmem>>) target_semaphore(%arg22 : memref<!tpu.dma_semaphore, #tpu.memory_space<semaphore_mem>>)
    %add3A_31 = arith.constant 0 : i32
    %add3A_32 = arith.addi %mul3A_4, %add3A_31 : i32
    %dma_wait3A = tpu.memref_slice %arg3[%add3A_32] : memref<320000xi32, #tpu.memory_space<hbm>> -> memref<128xi32, #tpu.memory_space<hbm>>
    %dma_wait3A_33 = tpu.memref_slice %arg3[%add3A_32] : memref<320000xi32, #tpu.memory_space<hbm>> -> memref<128xi32, #tpu.memory_space<hbm>>
    tpu.wait_dma2 semaphore(%arg17 : memref<!tpu.dma_semaphore, #tpu.memory_space<semaphore_mem>>) src(%dma_wait3A_33 : memref<128xi32, #tpu.memory_space<hbm>>) dst(%arg8 : memref<128xi32, #tpu.memory_space<vmem>>)
    %dma_start3A_34 = arith.constant 0 : i32
    %dma_start3A_35 = arith.constant 0 : i32
    %dma_start3A_36 = tpu.memref_slice %arg2[%dma_start3A_34, %dma_start3A_35] : memref<10112x128xf32, #tpu.memory_space<hbm>> -> memref<10112x128xf32, #tpu.memory_space<hbm>>
    tpu.enqueue_indirect_dma source(%dma_start3A_36 : memref<10112x128xf32, #tpu.memory_space<hbm>>) target(%arg14 : memref<128x128xf32, #tpu.memory_space<vmem>>) offsets(%arg8 : memref<128xi32, #tpu.memory_space<vmem>>) semaphore(%arg23 : memref<!tpu.dma_semaphore, #tpu.memory_space<semaphore_mem>>)
    %add3A_37 = arith.constant 128 : i32
    %add3A_38 = arith.addi %mul3A_4, %add3A_37 : i32
    %dma_wait3A_39 = tpu.memref_slice %arg3[%add3A_38] : memref<320000xi32, #tpu.memory_space<hbm>> -> memref<128xi32, #tpu.memory_space<hbm>>
    %dma_wait3A_40 = tpu.memref_slice %arg3[%add3A_38] : memref<320000xi32, #tpu.memory_space<hbm>> -> memref<128xi32, #tpu.memory_space<hbm>>
    tpu.wait_dma2 semaphore(%arg18 : memref<!tpu.dma_semaphore, #tpu.memory_space<semaphore_mem>>) src(%dma_wait3A_40 : memref<128xi32, #tpu.memory_space<hbm>>) dst(%arg9 : memref<128xi32, #tpu.memory_space<vmem>>)
    %dma_start3A_41 = arith.constant 0 : i32
    %dma_start3A_42 = arith.constant 0 : i32
    %dma_start3A_43 = tpu.memref_slice %arg2[%dma_start3A_41, %dma_start3A_42] : memref<10112x128xf32, #tpu.memory_space<hbm>> -> memref<10112x128xf32, #tpu.memory_space<hbm>>
    tpu.enqueue_indirect_dma source(%dma_start3A_43 : memref<10112x128xf32, #tpu.memory_space<hbm>>) target(%arg15 : memref<128x128xf32, #tpu.memory_space<vmem>>) offsets(%arg9 : memref<128xi32, #tpu.memory_space<vmem>>) semaphore(%arg24 : memref<!tpu.dma_semaphore, #tpu.memory_space<semaphore_mem>>)
    %jit3A_44 = arith.constant 3 : i32
    %div3A = arith.divsi %select_n3A, %jit3A_44 : i32
    %sign3A = arith.constant 0 : i32
    %sign3A_45 = arith.cmpi sgt, %select_n3A, %sign3A : i32
    %sign3A_46 = arith.extui %sign3A_45 : i1 to i32
    %sign3A_47 = arith.constant 0 : i32
    %sign3A_48 = arith.cmpi slt, %select_n3A, %sign3A_47 : i32
    %sign3A_49 = arith.extui %sign3A_48 : i1 to i32
    %sign3A_50 = arith.subi %sign3A_46, %sign3A_49 : i32
    %sign3A_51 = arith.constant 0 : i32
    %sign3A_52 = arith.cmpi sgt, %jit3A_44, %sign3A_51 : i32
    %sign3A_53 = arith.extui %sign3A_52 : i1 to i32
    %sign3A_54 = arith.constant 0 : i32
    %sign3A_55 = arith.cmpi slt, %jit3A_44, %sign3A_54 : i32
    %sign3A_56 = arith.extui %sign3A_55 : i1 to i32
    %sign3A_57 = arith.subi %sign3A_53, %sign3A_56 : i32
    %ne3A = arith.cmpi ne, %sign3A_50, %sign3A_57 : i32
    %rem3A = arith.remsi %select_n3A, %jit3A_44 : i32
    %ne3A_58 = arith.constant 0 : i32
    %ne3A_59 = arith.cmpi ne, %rem3A, %ne3A_58 : i32
    %and3A = arith.andi %ne3A, %ne3A_59 : i1
    %sub3A = arith.constant 1 : i32
    %sub3A_60 = arith.subi %div3A, %sub3A : i32
    %select_n3A_61 = arith.select %and3A, %sub3A_60, %div3A : i32
    %while3A = arith.constant 0 : i32
    %while3A_62 = arith.constant 0 : i32
    %while3A_63 = arith.subi %select_n3A_61, %while3A_62 : i32
    %while3A_64 = arith.addi %while3A_62, %while3A_63 : i32
    %while3A_65 = arith.constant 1 : i32
    %while3A_66 = arith.divsi %while3A_63, %while3A_65 : i32
    %while3A_67 = arith.muli %while3A_66, %while3A_65 : i32
    %while3A_68 = arith.addi %while3A_62, %while3A_67 : i32
    %while3A_69 = arith.constant 1 : i32
    scf.for %while3A_129 = %while3A_62 to %while3A_68 step %while3A_69  : i32 {
      %mul3A_130 = arith.constant 3 : i32
      %mul3A_131 = arith.muli %mul3A_130, %while3A_129 : i32
      %add3A_132 = arith.constant 0 : i32
      %add3A_133 = arith.addi %mul3A_131, %add3A_132 : i32
      %mul3A_134 = arith.constant 128 : i32
      %mul3A_135 = arith.muli %add3A_133, %mul3A_134 : i32
      %add3A_136 = arith.addi %mul3A_4, %mul3A_135 : i32
      %dma_wait3A_137 = tpu.memref_slice %arg4[%add3A_136] : memref<320000xi32, #tpu.memory_space<hbm>> -> memref<128xi32, #tpu.memory_space<hbm>>
      %dma_wait3A_138 = tpu.memref_slice %arg4[%add3A_136] : memref<320000xi32, #tpu.memory_space<hbm>> -> memref<128xi32, #tpu.memory_space<hbm>>
      tpu.wait_dma2 semaphore(%arg20 : memref<!tpu.dma_semaphore, #tpu.memory_space<semaphore_mem>>) src(%dma_wait3A_138 : memref<128xi32, #tpu.memory_space<hbm>>) dst(%arg11 : memref<128xi32, #tpu.memory_space<vmem>>)
      %dma_wait3A_139 = arith.constant 0 : i32
      %dma_wait3A_140 = arith.constant 0 : i32
      %dma_wait3A_141 = tpu.memref_slice %arg2[%dma_wait3A_139, %dma_wait3A_140] : memref<10112x128xf32, #tpu.memory_space<hbm>> -> memref<10112x128xf32, #tpu.memory_space<hbm>>
      tpu.wait_indirect_dma semaphore(%arg23 : memref<!tpu.dma_semaphore, #tpu.memory_space<semaphore_mem>>) src(%dma_wait3A_141 : memref<10112x128xf32, #tpu.memory_space<hbm>>) dst(%arg14 : memref<128x128xf32, #tpu.memory_space<vmem>>)
      "tpu.region"() ({
        %run_scoped3A = tpu.sem_alloc : memref<!tpu.dma_semaphore, #tpu.memory_space<semaphore_mem>>
        %dma_start3A_202 = arith.constant 0 : i32
        %dma_start3A_203 = arith.constant 0 : i32
        %dma_start3A_204 = tpu.memref_slice %arg7[%dma_start3A_202, %dma_start3A_203] : memref<10112x128xf32, #tpu.memory_space<vmem_shared>> -> memref<10112x128xf32, #tpu.memory_space<vmem_shared>>
        tpu.enqueue_indirect_dma source(%arg14 : memref<128x128xf32, #tpu.memory_space<vmem>>) target(%dma_start3A_204 : memref<10112x128xf32, #tpu.memory_space<vmem_shared>>) offsets(%arg11 : memref<128xi32, #tpu.memory_space<vmem>>) semaphore(%run_scoped3A : memref<!tpu.dma_semaphore, #tpu.memory_space<semaphore_mem>>) {add = true}
        %dma_wait3A_205 = arith.constant 0 : i32
        %dma_wait3A_206 = arith.constant 0 : i32
        %dma_wait3A_207 = tpu.memref_slice %arg7[%dma_wait3A_205, %dma_wait3A_206] : memref<10112x128xf32, #tpu.memory_space<vmem_shared>> -> memref<10112x128xf32, #tpu.memory_space<vmem_shared>>
        tpu.wait_indirect_dma semaphore(%run_scoped3A : memref<!tpu.dma_semaphore, #tpu.memory_space<semaphore_mem>>) src(%arg14 : memref<128x128xf32, #tpu.memory_space<vmem>>) dst(%dma_wait3A_207 : memref<10112x128xf32, #tpu.memory_space<vmem_shared>>)
        tpu.yield
      }) : () -> ()
      %add3A_142 = arith.constant 3 : i32
      %add3A_143 = arith.addi %add3A_133, %add3A_142 : i32
      %lt3A_144 = arith.cmpi slt, %add3A_143, %select_n3A : i32
      %convert_element_type3A_145 = arith.extui %lt3A_144 : i1 to i32
      %cond3A_146 = arith.constant 0 : i32
      %cond3A_147 = arith.cmpi ne, %convert_element_type3A_145, %cond3A_146 : i32
      scf.if %cond3A_147 {
        %add3A_202 = arith.constant 3 : i32
        %add3A_203 = arith.addi %add3A_133, %add3A_202 : i32
        %mul3A_204 = arith.constant 128 : i32
        %mul3A_205 = arith.muli %add3A_203, %mul3A_204 : i32
        %add3A_206 = arith.addi %mul3A_4, %mul3A_205 : i32
        %dma_start3A_207 = tpu.memref_slice %arg3[%add3A_206] : memref<320000xi32, #tpu.memory_space<hbm>> -> memref<128xi32, #tpu.memory_space<hbm>>
        %dma_start3A_208 = tpu.memref_slice %arg3[%add3A_206] : memref<320000xi32, #tpu.memory_space<hbm>> -> memref<128xi32, #tpu.memory_space<hbm>>
        tpu.enqueue_dma source(%dma_start3A_208 : memref<128xi32, #tpu.memory_space<hbm>>) target(%arg8 : memref<128xi32, #tpu.memory_space<vmem>>) target_semaphore(%arg17 : memref<!tpu.dma_semaphore, #tpu.memory_space<semaphore_mem>>)
        %add3A_209 = arith.constant 3 : i32
        %add3A_210 = arith.addi %add3A_133, %add3A_209 : i32
        %mul3A_211 = arith.constant 128 : i32
        %mul3A_212 = arith.muli %add3A_210, %mul3A_211 : i32
        %add3A_213 = arith.addi %mul3A_4, %mul3A_212 : i32
        %dma_start3A_214 = tpu.memref_slice %arg4[%add3A_213] : memref<320000xi32, #tpu.memory_space<hbm>> -> memref<128xi32, #tpu.memory_space<hbm>>
        %dma_start3A_215 = tpu.memref_slice %arg4[%add3A_213] : memref<320000xi32, #tpu.memory_space<hbm>> -> memref<128xi32, #tpu.memory_space<hbm>>
        tpu.enqueue_dma source(%dma_start3A_215 : memref<128xi32, #tpu.memory_space<hbm>>) target(%arg11 : memref<128xi32, #tpu.memory_space<vmem>>) target_semaphore(%arg20 : memref<!tpu.dma_semaphore, #tpu.memory_space<semaphore_mem>>)
      } else {
      }
      %add3A_148 = arith.constant 2 : i32
      %add3A_149 = arith.addi %add3A_133, %add3A_148 : i32
      %lt3A_150 = arith.cmpi slt, %add3A_149, %select_n3A : i32
      %convert_element_type3A_151 = arith.extui %lt3A_150 : i1 to i32
      %cond3A_152 = arith.constant 0 : i32
      %cond3A_153 = arith.cmpi ne, %convert_element_type3A_151, %cond3A_152 : i32
      scf.if %cond3A_153 {
        %add3A_202 = arith.constant 2 : i32
        %add3A_203 = arith.addi %add3A_133, %add3A_202 : i32
        %mul3A_204 = arith.constant 128 : i32
        %mul3A_205 = arith.muli %add3A_203, %mul3A_204 : i32
        %add3A_206 = arith.addi %mul3A_4, %mul3A_205 : i32
        %dma_wait3A_207 = tpu.memref_slice %arg3[%add3A_206] : memref<320000xi32, #tpu.memory_space<hbm>> -> memref<128xi32, #tpu.memory_space<hbm>>
        %dma_wait3A_208 = tpu.memref_slice %arg3[%add3A_206] : memref<320000xi32, #tpu.memory_space<hbm>> -> memref<128xi32, #tpu.memory_space<hbm>>
        tpu.wait_dma2 semaphore(%arg19 : memref<!tpu.dma_semaphore, #tpu.memory_space<semaphore_mem>>) src(%dma_wait3A_208 : memref<128xi32, #tpu.memory_space<hbm>>) dst(%arg10 : memref<128xi32, #tpu.memory_space<vmem>>)
        %dma_start3A_209 = arith.constant 0 : i32
        %dma_start3A_210 = arith.constant 0 : i32
        %dma_start3A_211 = tpu.memref_slice %arg2[%dma_start3A_209, %dma_start3A_210] : memref<10112x128xf32, #tpu.memory_space<hbm>> -> memref<10112x128xf32, #tpu.memory_space<hbm>>
        tpu.enqueue_indirect_dma source(%dma_start3A_211 : memref<10112x128xf32, #tpu.memory_space<hbm>>) target(%arg16 : memref<128x128xf32, #tpu.memory_space<vmem>>) offsets(%arg10 : memref<128xi32, #tpu.memory_space<vmem>>) semaphore(%arg25 : memref<!tpu.dma_semaphore, #tpu.memory_space<semaphore_mem>>)
      } else {
      }
      %mul3A_154 = arith.constant 3 : i32
      %mul3A_155 = arith.muli %mul3A_154, %while3A_129 : i32
      %add3A_156 = arith.constant 1 : i32
      %add3A_157 = arith.addi %mul3A_155, %add3A_156 : i32
      %mul3A_158 = arith.constant 128 : i32
      %mul3A_159 = arith.muli %add3A_157, %mul3A_158 : i32
      %add3A_160 = arith.addi %mul3A_4, %mul3A_159 : i32
      %dma_wait3A_161 = tpu.memref_slice %arg4[%add3A_160] : memref<320000xi32, #tpu.memory_space<hbm>> -> memref<128xi32, #tpu.memory_space<hbm>>
      %dma_wait3A_162 = tpu.memref_slice %arg4[%add3A_160] : memref<320000xi32, #tpu.memory_space<hbm>> -> memref<128xi32, #tpu.memory_space<hbm>>
      tpu.wait_dma2 semaphore(%arg21 : memref<!tpu.dma_semaphore, #tpu.memory_space<semaphore_mem>>) src(%dma_wait3A_162 : memref<128xi32, #tpu.memory_space<hbm>>) dst(%arg12 : memref<128xi32, #tpu.memory_space<vmem>>)
      %dma_wait3A_163 = arith.constant 0 : i32
      %dma_wait3A_164 = arith.constant 0 : i32
      %dma_wait3A_165 = tpu.memref_slice %arg2[%dma_wait3A_163, %dma_wait3A_164] : memref<10112x128xf32, #tpu.memory_space<hbm>> -> memref<10112x128xf32, #tpu.memory_space<hbm>>
      tpu.wait_indirect_dma semaphore(%arg24 : memref<!tpu.dma_semaphore, #tpu.memory_space<semaphore_mem>>) src(%dma_wait3A_165 : memref<10112x128xf32, #tpu.memory_space<hbm>>) dst(%arg15 : memref<128x128xf32, #tpu.memory_space<vmem>>)
      "tpu.region"() ({
        %run_scoped3A = tpu.sem_alloc : memref<!tpu.dma_semaphore, #tpu.memory_space<semaphore_mem>>
        %dma_start3A_202 = arith.constant 0 : i32
        %dma_start3A_203 = arith.constant 0 : i32
        %dma_start3A_204 = tpu.memref_slice %arg7[%dma_start3A_202, %dma_start3A_203] : memref<10112x128xf32, #tpu.memory_space<vmem_shared>> -> memref<10112x128xf32, #tpu.memory_space<vmem_shared>>
        tpu.enqueue_indirect_dma source(%arg15 : memref<128x128xf32, #tpu.memory_space<vmem>>) target(%dma_start3A_204 : memref<10112x128xf32, #tpu.memory_space<vmem_shared>>) offsets(%arg12 : memref<128xi32, #tpu.memory_space<vmem>>) semaphore(%run_scoped3A : memref<!tpu.dma_semaphore, #tpu.memory_space<semaphore_mem>>) {add = true}
        %dma_wait3A_205 = arith.constant 0 : i32
        %dma_wait3A_206 = arith.constant 0 : i32
        %dma_wait3A_207 = tpu.memref_slice %arg7[%dma_wait3A_205, %dma_wait3A_206] : memref<10112x128xf32, #tpu.memory_space<vmem_shared>> -> memref<10112x128xf32, #tpu.memory_space<vmem_shared>>
        tpu.wait_indirect_dma semaphore(%run_scoped3A : memref<!tpu.dma_semaphore, #tpu.memory_space<semaphore_mem>>) src(%arg15 : memref<128x128xf32, #tpu.memory_space<vmem>>) dst(%dma_wait3A_207 : memref<10112x128xf32, #tpu.memory_space<vmem_shared>>)
        tpu.yield
      }) : () -> ()
      %add3A_166 = arith.constant 3 : i32
      %add3A_167 = arith.addi %add3A_157, %add3A_166 : i32
      %lt3A_168 = arith.cmpi slt, %add3A_167, %select_n3A : i32
      %convert_element_type3A_169 = arith.extui %lt3A_168 : i1 to i32
      %cond3A_170 = arith.constant 0 : i32
      %cond3A_171 = arith.cmpi ne, %convert_element_type3A_169, %cond3A_170 : i32
      scf.if %cond3A_171 {
        %add3A_202 = arith.constant 3 : i32
        %add3A_203 = arith.addi %add3A_157, %add3A_202 : i32
        %mul3A_204 = arith.constant 128 : i32
        %mul3A_205 = arith.muli %add3A_203, %mul3A_204 : i32
        %add3A_206 = arith.addi %mul3A_4, %mul3A_205 : i32
        %dma_start3A_207 = tpu.memref_slice %arg3[%add3A_206] : memref<320000xi32, #tpu.memory_space<hbm>> -> memref<128xi32, #tpu.memory_space<hbm>>
        %dma_start3A_208 = tpu.memref_slice %arg3[%add3A_206] : memref<320000xi32, #tpu.memory_space<hbm>> -> memref<128xi32, #tpu.memory_space<hbm>>
        tpu.enqueue_dma source(%dma_start3A_208 : memref<128xi32, #tpu.memory_space<hbm>>) target(%arg9 : memref<128xi32, #tpu.memory_space<vmem>>) target_semaphore(%arg18 : memref<!tpu.dma_semaphore, #tpu.memory_space<semaphore_mem>>)
        %add3A_209 = arith.constant 3 : i32
        %add3A_210 = arith.addi %add3A_157, %add3A_209 : i32
        %mul3A_211 = arith.constant 128 : i32
        %mul3A_212 = arith.muli %add3A_210, %mul3A_211 : i32
        %add3A_213 = arith.addi %mul3A_4, %mul3A_212 : i32
        %dma_start3A_214 = tpu.memref_slice %arg4[%add3A_213] : memref<320000xi32, #tpu.memory_space<hbm>> -> memref<128xi32, #tpu.memory_space<hbm>>
        %dma_start3A_215 = tpu.memref_slice %arg4[%add3A_213] : memref<320000xi32, #tpu.memory_space<hbm>> -> memref<128xi32, #tpu.memory_space<hbm>>
        tpu.enqueue_dma source(%dma_start3A_215 : memref<128xi32, #tpu.memory_space<hbm>>) target(%arg12 : memref<128xi32, #tpu.memory_space<vmem>>) target_semaphore(%arg21 : memref<!tpu.dma_semaphore, #tpu.memory_space<semaphore_mem>>)
      } else {
      }
      %add3A_172 = arith.constant 2 : i32
      %add3A_173 = arith.addi %add3A_157, %add3A_172 : i32
      %lt3A_174 = arith.cmpi slt, %add3A_173, %select_n3A : i32
      %convert_element_type3A_175 = arith.extui %lt3A_174 : i1 to i32
      %cond3A_176 = arith.constant 0 : i32
      %cond3A_177 = arith.cmpi ne, %convert_element_type3A_175, %cond3A_176 : i32
      scf.if %cond3A_177 {
        %add3A_202 = arith.constant 2 : i32
        %add3A_203 = arith.addi %add3A_157, %add3A_202 : i32
        %mul3A_204 = arith.constant 128 : i32
        %mul3A_205 = arith.muli %add3A_203, %mul3A_204 : i32
        %add3A_206 = arith.addi %mul3A_4, %mul3A_205 : i32
        %dma_wait3A_207 = tpu.memref_slice %arg3[%add3A_206] : memref<320000xi32, #tpu.memory_space<hbm>> -> memref<128xi32, #tpu.memory_space<hbm>>
        %dma_wait3A_208 = tpu.memref_slice %arg3[%add3A_206] : memref<320000xi32, #tpu.memory_space<hbm>> -> memref<128xi32, #tpu.memory_space<hbm>>
        tpu.wait_dma2 semaphore(%arg17 : memref<!tpu.dma_semaphore, #tpu.memory_space<semaphore_mem>>) src(%dma_wait3A_208 : memref<128xi32, #tpu.memory_space<hbm>>) dst(%arg8 : memref<128xi32, #tpu.memory_space<vmem>>)
        %dma_start3A_209 = arith.constant 0 : i32
        %dma_start3A_210 = arith.constant 0 : i32
        %dma_start3A_211 = tpu.memref_slice %arg2[%dma_start3A_209, %dma_start3A_210] : memref<10112x128xf32, #tpu.memory_space<hbm>> -> memref<10112x128xf32, #tpu.memory_space<hbm>>
        tpu.enqueue_indirect_dma source(%dma_start3A_211 : memref<10112x128xf32, #tpu.memory_space<hbm>>) target(%arg14 : memref<128x128xf32, #tpu.memory_space<vmem>>) offsets(%arg8 : memref<128xi32, #tpu.memory_space<vmem>>) semaphore(%arg23 : memref<!tpu.dma_semaphore, #tpu.memory_space<semaphore_mem>>)
      } else {
      }
      %mul3A_178 = arith.constant 3 : i32
      %mul3A_179 = arith.muli %mul3A_178, %while3A_129 : i32
      %add3A_180 = arith.constant 2 : i32
      %add3A_181 = arith.addi %mul3A_179, %add3A_180 : i32
      %mul3A_182 = arith.constant 128 : i32
      %mul3A_183 = arith.muli %add3A_181, %mul3A_182 : i32
      %add3A_184 = arith.addi %mul3A_4, %mul3A_183 : i32
      %dma_wait3A_185 = tpu.memref_slice %arg4[%add3A_184] : memref<320000xi32, #tpu.memory_space<hbm>> -> memref<128xi32, #tpu.memory_space<hbm>>
      %dma_wait3A_186 = tpu.memref_slice %arg4[%add3A_184] : memref<320000xi32, #tpu.memory_space<hbm>> -> memref<128xi32, #tpu.memory_space<hbm>>
      tpu.wait_dma2 semaphore(%arg22 : memref<!tpu.dma_semaphore, #tpu.memory_space<semaphore_mem>>) src(%dma_wait3A_186 : memref<128xi32, #tpu.memory_space<hbm>>) dst(%arg13 : memref<128xi32, #tpu.memory_space<vmem>>)
      %dma_wait3A_187 = arith.constant 0 : i32
      %dma_wait3A_188 = arith.constant 0 : i32
      %dma_wait3A_189 = tpu.memref_slice %arg2[%dma_wait3A_187, %dma_wait3A_188] : memref<10112x128xf32, #tpu.memory_space<hbm>> -> memref<10112x128xf32, #tpu.memory_space<hbm>>
      tpu.wait_indirect_dma semaphore(%arg25 : memref<!tpu.dma_semaphore, #tpu.memory_space<semaphore_mem>>) src(%dma_wait3A_189 : memref<10112x128xf32, #tpu.memory_space<hbm>>) dst(%arg16 : memref<128x128xf32, #tpu.memory_space<vmem>>)
      "tpu.region"() ({
        %run_scoped3A = tpu.sem_alloc : memref<!tpu.dma_semaphore, #tpu.memory_space<semaphore_mem>>
        %dma_start3A_202 = arith.constant 0 : i32
        %dma_start3A_203 = arith.constant 0 : i32
        %dma_start3A_204 = tpu.memref_slice %arg7[%dma_start3A_202, %dma_start3A_203] : memref<10112x128xf32, #tpu.memory_space<vmem_shared>> -> memref<10112x128xf32, #tpu.memory_space<vmem_shared>>
        tpu.enqueue_indirect_dma source(%arg16 : memref<128x128xf32, #tpu.memory_space<vmem>>) target(%dma_start3A_204 : memref<10112x128xf32, #tpu.memory_space<vmem_shared>>) offsets(%arg13 : memref<128xi32, #tpu.memory_space<vmem>>) semaphore(%run_scoped3A : memref<!tpu.dma_semaphore, #tpu.memory_space<semaphore_mem>>) {add = true}
        %dma_wait3A_205 = arith.constant 0 : i32
        %dma_wait3A_206 = arith.constant 0 : i32
        %dma_wait3A_207 = tpu.memref_slice %arg7[%dma_wait3A_205, %dma_wait3A_206] : memref<10112x128xf32, #tpu.memory_space<vmem_shared>> -> memref<10112x128xf32, #tpu.memory_space<vmem_shared>>
        tpu.wait_indirect_dma semaphore(%run_scoped3A : memref<!tpu.dma_semaphore, #tpu.memory_space<semaphore_mem>>) src(%arg16 : memref<128x128xf32, #tpu.memory_space<vmem>>) dst(%dma_wait3A_207 : memref<10112x128xf32, #tpu.memory_space<vmem_shared>>)
        tpu.yield
      }) : () -> ()
      %add3A_190 = arith.constant 3 : i32
      %add3A_191 = arith.addi %add3A_181, %add3A_190 : i32
      %lt3A_192 = arith.cmpi slt, %add3A_191, %select_n3A : i32
      %convert_element_type3A_193 = arith.extui %lt3A_192 : i1 to i32
      %cond3A_194 = arith.constant 0 : i32
      %cond3A_195 = arith.cmpi ne, %convert_element_type3A_193, %cond3A_194 : i32
      scf.if %cond3A_195 {
        %add3A_202 = arith.constant 3 : i32
        %add3A_203 = arith.addi %add3A_181, %add3A_202 : i32
        %mul3A_204 = arith.constant 128 : i32
        %mul3A_205 = arith.muli %add3A_203, %mul3A_204 : i32
        %add3A_206 = arith.addi %mul3A_4, %mul3A_205 : i32
        %dma_start3A_207 = tpu.memref_slice %arg3[%add3A_206] : memref<320000xi32, #tpu.memory_space<hbm>> -> memref<128xi32, #tpu.memory_space<hbm>>
        %dma_start3A_208 = tpu.memref_slice %arg3[%add3A_206] : memref<320000xi32, #tpu.memory_space<hbm>> -> memref<128xi32, #tpu.memory_space<hbm>>
        tpu.enqueue_dma source(%dma_start3A_208 : memref<128xi32, #tpu.memory_space<hbm>>) target(%arg10 : memref<128xi32, #tpu.memory_space<vmem>>) target_semaphore(%arg19 : memref<!tpu.dma_semaphore, #tpu.memory_space<semaphore_mem>>)
        %add3A_209 = arith.constant 3 : i32
        %add3A_210 = arith.addi %add3A_181, %add3A_209 : i32
        %mul3A_211 = arith.constant 128 : i32
        %mul3A_212 = arith.muli %add3A_210, %mul3A_211 : i32
        %add3A_213 = arith.addi %mul3A_4, %mul3A_212 : i32
        %dma_start3A_214 = tpu.memref_slice %arg4[%add3A_213] : memref<320000xi32, #tpu.memory_space<hbm>> -> memref<128xi32, #tpu.memory_space<hbm>>
        %dma_start3A_215 = tpu.memref_slice %arg4[%add3A_213] : memref<320000xi32, #tpu.memory_space<hbm>> -> memref<128xi32, #tpu.memory_space<hbm>>
        tpu.enqueue_dma source(%dma_start3A_215 : memref<128xi32, #tpu.memory_space<hbm>>) target(%arg13 : memref<128xi32, #tpu.memory_space<vmem>>) target_semaphore(%arg22 : memref<!tpu.dma_semaphore, #tpu.memory_space<semaphore_mem>>)
      } else {
      }
      %add3A_196 = arith.constant 2 : i32
      %add3A_197 = arith.addi %add3A_181, %add3A_196 : i32
      %lt3A_198 = arith.cmpi slt, %add3A_197, %select_n3A : i32
      %convert_element_type3A_199 = arith.extui %lt3A_198 : i1 to i32
      %cond3A_200 = arith.constant 0 : i32
      %cond3A_201 = arith.cmpi ne, %convert_element_type3A_199, %cond3A_200 : i32
      scf.if %cond3A_201 {
        %add3A_202 = arith.constant 2 : i32
        %add3A_203 = arith.addi %add3A_181, %add3A_202 : i32
        %mul3A_204 = arith.constant 128 : i32
        %mul3A_205 = arith.muli %add3A_203, %mul3A_204 : i32
        %add3A_206 = arith.addi %mul3A_4, %mul3A_205 : i32
        %dma_wait3A_207 = tpu.memref_slice %arg3[%add3A_206] : memref<320000xi32, #tpu.memory_space<hbm>> -> memref<128xi32, #tpu.memory_space<hbm>>
        %dma_wait3A_208 = tpu.memref_slice %arg3[%add3A_206] : memref<320000xi32, #tpu.memory_space<hbm>> -> memref<128xi32, #tpu.memory_space<hbm>>
        tpu.wait_dma2 semaphore(%arg18 : memref<!tpu.dma_semaphore, #tpu.memory_space<semaphore_mem>>) src(%dma_wait3A_208 : memref<128xi32, #tpu.memory_space<hbm>>) dst(%arg9 : memref<128xi32, #tpu.memory_space<vmem>>)
        %dma_start3A_209 = arith.constant 0 : i32
        %dma_start3A_210 = arith.constant 0 : i32
        %dma_start3A_211 = tpu.memref_slice %arg2[%dma_start3A_209, %dma_start3A_210] : memref<10112x128xf32, #tpu.memory_space<hbm>> -> memref<10112x128xf32, #tpu.memory_space<hbm>>
        tpu.enqueue_indirect_dma source(%dma_start3A_211 : memref<10112x128xf32, #tpu.memory_space<hbm>>) target(%arg15 : memref<128x128xf32, #tpu.memory_space<vmem>>) offsets(%arg9 : memref<128xi32, #tpu.memory_space<vmem>>) semaphore(%arg24 : memref<!tpu.dma_semaphore, #tpu.memory_space<semaphore_mem>>)
      } else {
      }
    }
    %while3A_70 = arith.constant 1 : i32
    scf.for %while3A_129 = %while3A_68 to %while3A_64 step %while3A_70  : i32 {
      %mul3A_130 = arith.constant 3 : i32
      %mul3A_131 = arith.muli %mul3A_130, %while3A_129 : i32
      %add3A_132 = arith.constant 0 : i32
      %add3A_133 = arith.addi %mul3A_131, %add3A_132 : i32
      %mul3A_134 = arith.constant 128 : i32
      %mul3A_135 = arith.muli %add3A_133, %mul3A_134 : i32
      %add3A_136 = arith.addi %mul3A_4, %mul3A_135 : i32
      %dma_wait3A_137 = tpu.memref_slice %arg4[%add3A_136] : memref<320000xi32, #tpu.memory_space<hbm>> -> memref<128xi32, #tpu.memory_space<hbm>>
      %dma_wait3A_138 = tpu.memref_slice %arg4[%add3A_136] : memref<320000xi32, #tpu.memory_space<hbm>> -> memref<128xi32, #tpu.memory_space<hbm>>
      tpu.wait_dma2 semaphore(%arg20 : memref<!tpu.dma_semaphore, #tpu.memory_space<semaphore_mem>>) src(%dma_wait3A_138 : memref<128xi32, #tpu.memory_space<hbm>>) dst(%arg11 : memref<128xi32, #tpu.memory_space<vmem>>)
      %dma_wait3A_139 = arith.constant 0 : i32
      %dma_wait3A_140 = arith.constant 0 : i32
      %dma_wait3A_141 = tpu.memref_slice %arg2[%dma_wait3A_139, %dma_wait3A_140] : memref<10112x128xf32, #tpu.memory_space<hbm>> -> memref<10112x128xf32, #tpu.memory_space<hbm>>
      tpu.wait_indirect_dma semaphore(%arg23 : memref<!tpu.dma_semaphore, #tpu.memory_space<semaphore_mem>>) src(%dma_wait3A_141 : memref<10112x128xf32, #tpu.memory_space<hbm>>) dst(%arg14 : memref<128x128xf32, #tpu.memory_space<vmem>>)
      "tpu.region"() ({
        %run_scoped3A = tpu.sem_alloc : memref<!tpu.dma_semaphore, #tpu.memory_space<semaphore_mem>>
        %dma_start3A_202 = arith.constant 0 : i32
        %dma_start3A_203 = arith.constant 0 : i32
        %dma_start3A_204 = tpu.memref_slice %arg7[%dma_start3A_202, %dma_start3A_203] : memref<10112x128xf32, #tpu.memory_space<vmem_shared>> -> memref<10112x128xf32, #tpu.memory_space<vmem_shared>>
        tpu.enqueue_indirect_dma source(%arg14 : memref<128x128xf32, #tpu.memory_space<vmem>>) target(%dma_start3A_204 : memref<10112x128xf32, #tpu.memory_space<vmem_shared>>) offsets(%arg11 : memref<128xi32, #tpu.memory_space<vmem>>) semaphore(%run_scoped3A : memref<!tpu.dma_semaphore, #tpu.memory_space<semaphore_mem>>) {add = true}
        %dma_wait3A_205 = arith.constant 0 : i32
        %dma_wait3A_206 = arith.constant 0 : i32
        %dma_wait3A_207 = tpu.memref_slice %arg7[%dma_wait3A_205, %dma_wait3A_206] : memref<10112x128xf32, #tpu.memory_space<vmem_shared>> -> memref<10112x128xf32, #tpu.memory_space<vmem_shared>>
        tpu.wait_indirect_dma semaphore(%run_scoped3A : memref<!tpu.dma_semaphore, #tpu.memory_space<semaphore_mem>>) src(%arg14 : memref<128x128xf32, #tpu.memory_space<vmem>>) dst(%dma_wait3A_207 : memref<10112x128xf32, #tpu.memory_space<vmem_shared>>)
        tpu.yield
      }) : () -> ()
      %add3A_142 = arith.constant 3 : i32
      %add3A_143 = arith.addi %add3A_133, %add3A_142 : i32
      %lt3A_144 = arith.cmpi slt, %add3A_143, %select_n3A : i32
      %convert_element_type3A_145 = arith.extui %lt3A_144 : i1 to i32
      %cond3A_146 = arith.constant 0 : i32
      %cond3A_147 = arith.cmpi ne, %convert_element_type3A_145, %cond3A_146 : i32
      scf.if %cond3A_147 {
        %add3A_202 = arith.constant 3 : i32
        %add3A_203 = arith.addi %add3A_133, %add3A_202 : i32
        %mul3A_204 = arith.constant 128 : i32
        %mul3A_205 = arith.muli %add3A_203, %mul3A_204 : i32
        %add3A_206 = arith.addi %mul3A_4, %mul3A_205 : i32
        %dma_start3A_207 = tpu.memref_slice %arg3[%add3A_206] : memref<320000xi32, #tpu.memory_space<hbm>> -> memref<128xi32, #tpu.memory_space<hbm>>
        %dma_start3A_208 = tpu.memref_slice %arg3[%add3A_206] : memref<320000xi32, #tpu.memory_space<hbm>> -> memref<128xi32, #tpu.memory_space<hbm>>
        tpu.enqueue_dma source(%dma_start3A_208 : memref<128xi32, #tpu.memory_space<hbm>>) target(%arg8 : memref<128xi32, #tpu.memory_space<vmem>>) target_semaphore(%arg17 : memref<!tpu.dma_semaphore, #tpu.memory_space<semaphore_mem>>)
        %add3A_209 = arith.constant 3 : i32
        %add3A_210 = arith.addi %add3A_133, %add3A_209 : i32
        %mul3A_211 = arith.constant 128 : i32
        %mul3A_212 = arith.muli %add3A_210, %mul3A_211 : i32
        %add3A_213 = arith.addi %mul3A_4, %mul3A_212 : i32
        %dma_start3A_214 = tpu.memref_slice %arg4[%add3A_213] : memref<320000xi32, #tpu.memory_space<hbm>> -> memref<128xi32, #tpu.memory_space<hbm>>
        %dma_start3A_215 = tpu.memref_slice %arg4[%add3A_213] : memref<320000xi32, #tpu.memory_space<hbm>> -> memref<128xi32, #tpu.memory_space<hbm>>
        tpu.enqueue_dma source(%dma_start3A_215 : memref<128xi32, #tpu.memory_space<hbm>>) target(%arg11 : memref<128xi32, #tpu.memory_space<vmem>>) target_semaphore(%arg20 : memref<!tpu.dma_semaphore, #tpu.memory_space<semaphore_mem>>)
      } else {
      }
      %add3A_148 = arith.constant 2 : i32
      %add3A_149 = arith.addi %add3A_133, %add3A_148 : i32
      %lt3A_150 = arith.cmpi slt, %add3A_149, %select_n3A : i32
      %convert_element_type3A_151 = arith.extui %lt3A_150 : i1 to i32
      %cond3A_152 = arith.constant 0 : i32
      %cond3A_153 = arith.cmpi ne, %convert_element_type3A_151, %cond3A_152 : i32
      scf.if %cond3A_153 {
        %add3A_202 = arith.constant 2 : i32
        %add3A_203 = arith.addi %add3A_133, %add3A_202 : i32
        %mul3A_204 = arith.constant 128 : i32
        %mul3A_205 = arith.muli %add3A_203, %mul3A_204 : i32
        %add3A_206 = arith.addi %mul3A_4, %mul3A_205 : i32
        %dma_wait3A_207 = tpu.memref_slice %arg3[%add3A_206] : memref<320000xi32, #tpu.memory_space<hbm>> -> memref<128xi32, #tpu.memory_space<hbm>>
        %dma_wait3A_208 = tpu.memref_slice %arg3[%add3A_206] : memref<320000xi32, #tpu.memory_space<hbm>> -> memref<128xi32, #tpu.memory_space<hbm>>
        tpu.wait_dma2 semaphore(%arg19 : memref<!tpu.dma_semaphore, #tpu.memory_space<semaphore_mem>>) src(%dma_wait3A_208 : memref<128xi32, #tpu.memory_space<hbm>>) dst(%arg10 : memref<128xi32, #tpu.memory_space<vmem>>)
        %dma_start3A_209 = arith.constant 0 : i32
        %dma_start3A_210 = arith.constant 0 : i32
        %dma_start3A_211 = tpu.memref_slice %arg2[%dma_start3A_209, %dma_start3A_210] : memref<10112x128xf32, #tpu.memory_space<hbm>> -> memref<10112x128xf32, #tpu.memory_space<hbm>>
        tpu.enqueue_indirect_dma source(%dma_start3A_211 : memref<10112x128xf32, #tpu.memory_space<hbm>>) target(%arg16 : memref<128x128xf32, #tpu.memory_space<vmem>>) offsets(%arg10 : memref<128xi32, #tpu.memory_space<vmem>>) semaphore(%arg25 : memref<!tpu.dma_semaphore, #tpu.memory_space<semaphore_mem>>)
      } else {
      }
      %mul3A_154 = arith.constant 3 : i32
      %mul3A_155 = arith.muli %mul3A_154, %while3A_129 : i32
      %add3A_156 = arith.constant 1 : i32
      %add3A_157 = arith.addi %mul3A_155, %add3A_156 : i32
      %mul3A_158 = arith.constant 128 : i32
      %mul3A_159 = arith.muli %add3A_157, %mul3A_158 : i32
      %add3A_160 = arith.addi %mul3A_4, %mul3A_159 : i32
      %dma_wait3A_161 = tpu.memref_slice %arg4[%add3A_160] : memref<320000xi32, #tpu.memory_space<hbm>> -> memref<128xi32, #tpu.memory_space<hbm>>
      %dma_wait3A_162 = tpu.memref_slice %arg4[%add3A_160] : memref<320000xi32, #tpu.memory_space<hbm>> -> memref<128xi32, #tpu.memory_space<hbm>>
      tpu.wait_dma2 semaphore(%arg21 : memref<!tpu.dma_semaphore, #tpu.memory_space<semaphore_mem>>) src(%dma_wait3A_162 : memref<128xi32, #tpu.memory_space<hbm>>) dst(%arg12 : memref<128xi32, #tpu.memory_space<vmem>>)
      %dma_wait3A_163 = arith.constant 0 : i32
      %dma_wait3A_164 = arith.constant 0 : i32
      %dma_wait3A_165 = tpu.memref_slice %arg2[%dma_wait3A_163, %dma_wait3A_164] : memref<10112x128xf32, #tpu.memory_space<hbm>> -> memref<10112x128xf32, #tpu.memory_space<hbm>>
      tpu.wait_indirect_dma semaphore(%arg24 : memref<!tpu.dma_semaphore, #tpu.memory_space<semaphore_mem>>) src(%dma_wait3A_165 : memref<10112x128xf32, #tpu.memory_space<hbm>>) dst(%arg15 : memref<128x128xf32, #tpu.memory_space<vmem>>)
      "tpu.region"() ({
        %run_scoped3A = tpu.sem_alloc : memref<!tpu.dma_semaphore, #tpu.memory_space<semaphore_mem>>
        %dma_start3A_202 = arith.constant 0 : i32
        %dma_start3A_203 = arith.constant 0 : i32
        %dma_start3A_204 = tpu.memref_slice %arg7[%dma_start3A_202, %dma_start3A_203] : memref<10112x128xf32, #tpu.memory_space<vmem_shared>> -> memref<10112x128xf32, #tpu.memory_space<vmem_shared>>
        tpu.enqueue_indirect_dma source(%arg15 : memref<128x128xf32, #tpu.memory_space<vmem>>) target(%dma_start3A_204 : memref<10112x128xf32, #tpu.memory_space<vmem_shared>>) offsets(%arg12 : memref<128xi32, #tpu.memory_space<vmem>>) semaphore(%run_scoped3A : memref<!tpu.dma_semaphore, #tpu.memory_space<semaphore_mem>>) {add = true}
        %dma_wait3A_205 = arith.constant 0 : i32
        %dma_wait3A_206 = arith.constant 0 : i32
        %dma_wait3A_207 = tpu.memref_slice %arg7[%dma_wait3A_205, %dma_wait3A_206] : memref<10112x128xf32, #tpu.memory_space<vmem_shared>> -> memref<10112x128xf32, #tpu.memory_space<vmem_shared>>
        tpu.wait_indirect_dma semaphore(%run_scoped3A : memref<!tpu.dma_semaphore, #tpu.memory_space<semaphore_mem>>) src(%arg15 : memref<128x128xf32, #tpu.memory_space<vmem>>) dst(%dma_wait3A_207 : memref<10112x128xf32, #tpu.memory_space<vmem_shared>>)
        tpu.yield
      }) : () -> ()
      %add3A_166 = arith.constant 3 : i32
      %add3A_167 = arith.addi %add3A_157, %add3A_166 : i32
      %lt3A_168 = arith.cmpi slt, %add3A_167, %select_n3A : i32
      %convert_element_type3A_169 = arith.extui %lt3A_168 : i1 to i32
      %cond3A_170 = arith.constant 0 : i32
      %cond3A_171 = arith.cmpi ne, %convert_element_type3A_169, %cond3A_170 : i32
      scf.if %cond3A_171 {
        %add3A_202 = arith.constant 3 : i32
        %add3A_203 = arith.addi %add3A_157, %add3A_202 : i32
        %mul3A_204 = arith.constant 128 : i32
        %mul3A_205 = arith.muli %add3A_203, %mul3A_204 : i32
        %add3A_206 = arith.addi %mul3A_4, %mul3A_205 : i32
        %dma_start3A_207 = tpu.memref_slice %arg3[%add3A_206] : memref<320000xi32, #tpu.memory_space<hbm>> -> memref<128xi32, #tpu.memory_space<hbm>>
        %dma_start3A_208 = tpu.memref_slice %arg3[%add3A_206] : memref<320000xi32, #tpu.memory_space<hbm>> -> memref<128xi32, #tpu.memory_space<hbm>>
        tpu.enqueue_dma source(%dma_start3A_208 : memref<128xi32, #tpu.memory_space<hbm>>) target(%arg9 : memref<128xi32, #tpu.memory_space<vmem>>) target_semaphore(%arg18 : memref<!tpu.dma_semaphore, #tpu.memory_space<semaphore_mem>>)
        %add3A_209 = arith.constant 3 : i32
        %add3A_210 = arith.addi %add3A_157, %add3A_209 : i32
        %mul3A_211 = arith.constant 128 : i32
        %mul3A_212 = arith.muli %add3A_210, %mul3A_211 : i32
        %add3A_213 = arith.addi %mul3A_4, %mul3A_212 : i32
        %dma_start3A_214 = tpu.memref_slice %arg4[%add3A_213] : memref<320000xi32, #tpu.memory_space<hbm>> -> memref<128xi32, #tpu.memory_space<hbm>>
        %dma_start3A_215 = tpu.memref_slice %arg4[%add3A_213] : memref<320000xi32, #tpu.memory_space<hbm>> -> memref<128xi32, #tpu.memory_space<hbm>>
        tpu.enqueue_dma source(%dma_start3A_215 : memref<128xi32, #tpu.memory_space<hbm>>) target(%arg12 : memref<128xi32, #tpu.memory_space<vmem>>) target_semaphore(%arg21 : memref<!tpu.dma_semaphore, #tpu.memory_space<semaphore_mem>>)
      } else {
      }
      %add3A_172 = arith.constant 2 : i32
      %add3A_173 = arith.addi %add3A_157, %add3A_172 : i32
      %lt3A_174 = arith.cmpi slt, %add3A_173, %select_n3A : i32
      %convert_element_type3A_175 = arith.extui %lt3A_174 : i1 to i32
      %cond3A_176 = arith.constant 0 : i32
      %cond3A_177 = arith.cmpi ne, %convert_element_type3A_175, %cond3A_176 : i32
      scf.if %cond3A_177 {
        %add3A_202 = arith.constant 2 : i32
        %add3A_203 = arith.addi %add3A_157, %add3A_202 : i32
        %mul3A_204 = arith.constant 128 : i32
        %mul3A_205 = arith.muli %add3A_203, %mul3A_204 : i32
        %add3A_206 = arith.addi %mul3A_4, %mul3A_205 : i32
        %dma_wait3A_207 = tpu.memref_slice %arg3[%add3A_206] : memref<320000xi32, #tpu.memory_space<hbm>> -> memref<128xi32, #tpu.memory_space<hbm>>
        %dma_wait3A_208 = tpu.memref_slice %arg3[%add3A_206] : memref<320000xi32, #tpu.memory_space<hbm>> -> memref<128xi32, #tpu.memory_space<hbm>>
        tpu.wait_dma2 semaphore(%arg17 : memref<!tpu.dma_semaphore, #tpu.memory_space<semaphore_mem>>) src(%dma_wait3A_208 : memref<128xi32, #tpu.memory_space<hbm>>) dst(%arg8 : memref<128xi32, #tpu.memory_space<vmem>>)
        %dma_start3A_209 = arith.constant 0 : i32
        %dma_start3A_210 = arith.constant 0 : i32
        %dma_start3A_211 = tpu.memref_slice %arg2[%dma_start3A_209, %dma_start3A_210] : memref<10112x128xf32, #tpu.memory_space<hbm>> -> memref<10112x128xf32, #tpu.memory_space<hbm>>
        tpu.enqueue_indirect_dma source(%dma_start3A_211 : memref<10112x128xf32, #tpu.memory_space<hbm>>) target(%arg14 : memref<128x128xf32, #tpu.memory_space<vmem>>) offsets(%arg8 : memref<128xi32, #tpu.memory_space<vmem>>) semaphore(%arg23 : memref<!tpu.dma_semaphore, #tpu.memory_space<semaphore_mem>>)
      } else {
      }
      %mul3A_178 = arith.constant 3 : i32
      %mul3A_179 = arith.muli %mul3A_178, %while3A_129 : i32
      %add3A_180 = arith.constant 2 : i32
      %add3A_181 = arith.addi %mul3A_179, %add3A_180 : i32
      %mul3A_182 = arith.constant 128 : i32
      %mul3A_183 = arith.muli %add3A_181, %mul3A_182 : i32
      %add3A_184 = arith.addi %mul3A_4, %mul3A_183 : i32
      %dma_wait3A_185 = tpu.memref_slice %arg4[%add3A_184] : memref<320000xi32, #tpu.memory_space<hbm>> -> memref<128xi32, #tpu.memory_space<hbm>>
      %dma_wait3A_186 = tpu.memref_slice %arg4[%add3A_184] : memref<320000xi32, #tpu.memory_space<hbm>> -> memref<128xi32, #tpu.memory_space<hbm>>
      tpu.wait_dma2 semaphore(%arg22 : memref<!tpu.dma_semaphore, #tpu.memory_space<semaphore_mem>>) src(%dma_wait3A_186 : memref<128xi32, #tpu.memory_space<hbm>>) dst(%arg13 : memref<128xi32, #tpu.memory_space<vmem>>)
      %dma_wait3A_187 = arith.constant 0 : i32
      %dma_wait3A_188 = arith.constant 0 : i32
      %dma_wait3A_189 = tpu.memref_slice %arg2[%dma_wait3A_187, %dma_wait3A_188] : memref<10112x128xf32, #tpu.memory_space<hbm>> -> memref<10112x128xf32, #tpu.memory_space<hbm>>
      tpu.wait_indirect_dma semaphore(%arg25 : memref<!tpu.dma_semaphore, #tpu.memory_space<semaphore_mem>>) src(%dma_wait3A_189 : memref<10112x128xf32, #tpu.memory_space<hbm>>) dst(%arg16 : memref<128x128xf32, #tpu.memory_space<vmem>>)
      "tpu.region"() ({
        %run_scoped3A = tpu.sem_alloc : memref<!tpu.dma_semaphore, #tpu.memory_space<semaphore_mem>>
        %dma_start3A_202 = arith.constant 0 : i32
        %dma_start3A_203 = arith.constant 0 : i32
        %dma_start3A_204 = tpu.memref_slice %arg7[%dma_start3A_202, %dma_start3A_203] : memref<10112x128xf32, #tpu.memory_space<vmem_shared>> -> memref<10112x128xf32, #tpu.memory_space<vmem_shared>>
        tpu.enqueue_indirect_dma source(%arg16 : memref<128x128xf32, #tpu.memory_space<vmem>>) target(%dma_start3A_204 : memref<10112x128xf32, #tpu.memory_space<vmem_shared>>) offsets(%arg13 : memref<128xi32, #tpu.memory_space<vmem>>) semaphore(%run_scoped3A : memref<!tpu.dma_semaphore, #tpu.memory_space<semaphore_mem>>) {add = true}
        %dma_wait3A_205 = arith.constant 0 : i32
        %dma_wait3A_206 = arith.constant 0 : i32
        %dma_wait3A_207 = tpu.memref_slice %arg7[%dma_wait3A_205, %dma_wait3A_206] : memref<10112x128xf32, #tpu.memory_space<vmem_shared>> -> memref<10112x128xf32, #tpu.memory_space<vmem_shared>>
        tpu.wait_indirect_dma semaphore(%run_scoped3A : memref<!tpu.dma_semaphore, #tpu.memory_space<semaphore_mem>>) src(%arg16 : memref<128x128xf32, #tpu.memory_space<vmem>>) dst(%dma_wait3A_207 : memref<10112x128xf32, #tpu.memory_space<vmem_shared>>)
        tpu.yield
      }) : () -> ()
      %add3A_190 = arith.constant 3 : i32
      %add3A_191 = arith.addi %add3A_181, %add3A_190 : i32
      %lt3A_192 = arith.cmpi slt, %add3A_191, %select_n3A : i32
      %convert_element_type3A_193 = arith.extui %lt3A_192 : i1 to i32
      %cond3A_194 = arith.constant 0 : i32
      %cond3A_195 = arith.cmpi ne, %convert_element_type3A_193, %cond3A_194 : i32
      scf.if %cond3A_195 {
        %add3A_202 = arith.constant 3 : i32
        %add3A_203 = arith.addi %add3A_181, %add3A_202 : i32
        %mul3A_204 = arith.constant 128 : i32
        %mul3A_205 = arith.muli %add3A_203, %mul3A_204 : i32
        %add3A_206 = arith.addi %mul3A_4, %mul3A_205 : i32
        %dma_start3A_207 = tpu.memref_slice %arg3[%add3A_206] : memref<320000xi32, #tpu.memory_space<hbm>> -> memref<128xi32, #tpu.memory_space<hbm>>
        %dma_start3A_208 = tpu.memref_slice %arg3[%add3A_206] : memref<320000xi32, #tpu.memory_space<hbm>> -> memref<128xi32, #tpu.memory_space<hbm>>
        tpu.enqueue_dma source(%dma_start3A_208 : memref<128xi32, #tpu.memory_space<hbm>>) target(%arg10 : memref<128xi32, #tpu.memory_space<vmem>>) target_semaphore(%arg19 : memref<!tpu.dma_semaphore, #tpu.memory_space<semaphore_mem>>)
        %add3A_209 = arith.constant 3 : i32
        %add3A_210 = arith.addi %add3A_181, %add3A_209 : i32
        %mul3A_211 = arith.constant 128 : i32
        %mul3A_212 = arith.muli %add3A_210, %mul3A_211 : i32
        %add3A_213 = arith.addi %mul3A_4, %mul3A_212 : i32
        %dma_start3A_214 = tpu.memref_slice %arg4[%add3A_213] : memref<320000xi32, #tpu.memory_space<hbm>> -> memref<128xi32, #tpu.memory_space<hbm>>
        %dma_start3A_215 = tpu.memref_slice %arg4[%add3A_213] : memref<320000xi32, #tpu.memory_space<hbm>> -> memref<128xi32, #tpu.memory_space<hbm>>
        tpu.enqueue_dma source(%dma_start3A_215 : memref<128xi32, #tpu.memory_space<hbm>>) target(%arg13 : memref<128xi32, #tpu.memory_space<vmem>>) target_semaphore(%arg22 : memref<!tpu.dma_semaphore, #tpu.memory_space<semaphore_mem>>)
      } else {
      }
      %add3A_196 = arith.constant 2 : i32
      %add3A_197 = arith.addi %add3A_181, %add3A_196 : i32
      %lt3A_198 = arith.cmpi slt, %add3A_197, %select_n3A : i32
      %convert_element_type3A_199 = arith.extui %lt3A_198 : i1 to i32
      %cond3A_200 = arith.constant 0 : i32
      %cond3A_201 = arith.cmpi ne, %convert_element_type3A_199, %cond3A_200 : i32
      scf.if %cond3A_201 {
        %add3A_202 = arith.constant 2 : i32
        %add3A_203 = arith.addi %add3A_181, %add3A_202 : i32
        %mul3A_204 = arith.constant 128 : i32
        %mul3A_205 = arith.muli %add3A_203, %mul3A_204 : i32
        %add3A_206 = arith.addi %mul3A_4, %mul3A_205 : i32
        %dma_wait3A_207 = tpu.memref_slice %arg3[%add3A_206] : memref<320000xi32, #tpu.memory_space<hbm>> -> memref<128xi32, #tpu.memory_space<hbm>>
        %dma_wait3A_208 = tpu.memref_slice %arg3[%add3A_206] : memref<320000xi32, #tpu.memory_space<hbm>> -> memref<128xi32, #tpu.memory_space<hbm>>
        tpu.wait_dma2 semaphore(%arg18 : memref<!tpu.dma_semaphore, #tpu.memory_space<semaphore_mem>>) src(%dma_wait3A_208 : memref<128xi32, #tpu.memory_space<hbm>>) dst(%arg9 : memref<128xi32, #tpu.memory_space<vmem>>)
        %dma_start3A_209 = arith.constant 0 : i32
        %dma_start3A_210 = arith.constant 0 : i32
        %dma_start3A_211 = tpu.memref_slice %arg2[%dma_start3A_209, %dma_start3A_210] : memref<10112x128xf32, #tpu.memory_space<hbm>> -> memref<10112x128xf32, #tpu.memory_space<hbm>>
        tpu.enqueue_indirect_dma source(%dma_start3A_211 : memref<10112x128xf32, #tpu.memory_space<hbm>>) target(%arg15 : memref<128x128xf32, #tpu.memory_space<vmem>>) offsets(%arg9 : memref<128xi32, #tpu.memory_space<vmem>>) semaphore(%arg24 : memref<!tpu.dma_semaphore, #tpu.memory_space<semaphore_mem>>)
      } else {
      }
    }
    %sub3A_71 = arith.constant 1 : i32
    %sub3A_72 = arith.subi %select_n3A, %sub3A_71 : i32
    %jit3A_73 = arith.constant 3 : i32
    %eq3A_74 = arith.constant 0 : i32
    %eq3A_75 = arith.cmpi eq, %jit3A_73, %eq3A_74 : i32
    %jit3A_76 = arith.constant 1 : i32
    %select_n3A_77 = arith.select %eq3A_75, %jit3A_76, %jit3A_73 : i32
    %rem3A_78 = arith.remsi %select_n3A, %select_n3A_77 : i32
    %ne3A_79 = arith.constant 0 : i32
    %ne3A_80 = arith.cmpi ne, %rem3A_78, %ne3A_79 : i32
    %lt3A = arith.constant 0 : i32
    %lt3A_81 = arith.cmpi slt, %rem3A_78, %lt3A : i32
    %lt3A_82 = arith.constant 0 : i32
    %lt3A_83 = arith.cmpi slt, %select_n3A_77, %lt3A_82 : i32
    %ne3A_84 = arith.xori %lt3A_81, %lt3A_83 : i1
    %and3A_85 = arith.andi %ne3A_84, %ne3A_80 : i1
    %add3A_86 = arith.addi %rem3A_78, %select_n3A_77 : i32
    %select_n3A_87 = arith.select %and3A_85, %add3A_86, %rem3A_78 : i32
    %eq3A_88 = arith.constant 1 : i32
    %eq3A_89 = arith.cmpi eq, %select_n3A_87, %eq3A_88 : i32
    %convert_element_type3A_90 = arith.extui %eq3A_89 : i1 to i32
    %cond3A_91 = arith.constant 0 : i32
    %cond3A_92 = arith.cmpi ne, %convert_element_type3A_90, %cond3A_91 : i32
    scf.if %cond3A_92 {
      %mul3A_129 = arith.constant 128 : i32
      %mul3A_130 = arith.muli %sub3A_72, %mul3A_129 : i32
      %add3A_131 = arith.addi %mul3A_4, %mul3A_130 : i32
      %dma_wait3A_132 = tpu.memref_slice %arg4[%add3A_131] : memref<320000xi32, #tpu.memory_space<hbm>> -> memref<128xi32, #tpu.memory_space<hbm>>
      %dma_wait3A_133 = tpu.memref_slice %arg4[%add3A_131] : memref<320000xi32, #tpu.memory_space<hbm>> -> memref<128xi32, #tpu.memory_space<hbm>>
      tpu.wait_dma2 semaphore(%arg20 : memref<!tpu.dma_semaphore, #tpu.memory_space<semaphore_mem>>) src(%dma_wait3A_133 : memref<128xi32, #tpu.memory_space<hbm>>) dst(%arg11 : memref<128xi32, #tpu.memory_space<vmem>>)
      %dma_wait3A_134 = arith.constant 0 : i32
      %dma_wait3A_135 = arith.constant 0 : i32
      %dma_wait3A_136 = tpu.memref_slice %arg2[%dma_wait3A_134, %dma_wait3A_135] : memref<10112x128xf32, #tpu.memory_space<hbm>> -> memref<10112x128xf32, #tpu.memory_space<hbm>>
      tpu.wait_indirect_dma semaphore(%arg23 : memref<!tpu.dma_semaphore, #tpu.memory_space<semaphore_mem>>) src(%dma_wait3A_136 : memref<10112x128xf32, #tpu.memory_space<hbm>>) dst(%arg14 : memref<128x128xf32, #tpu.memory_space<vmem>>)
      "tpu.region"() ({
        %run_scoped3A = tpu.sem_alloc : memref<!tpu.dma_semaphore, #tpu.memory_space<semaphore_mem>>
        %dma_start3A_137 = arith.constant 0 : i32
        %dma_start3A_138 = arith.constant 0 : i32
        %dma_start3A_139 = tpu.memref_slice %arg7[%dma_start3A_137, %dma_start3A_138] : memref<10112x128xf32, #tpu.memory_space<vmem_shared>> -> memref<10112x128xf32, #tpu.memory_space<vmem_shared>>
        tpu.enqueue_indirect_dma source(%arg14 : memref<128x128xf32, #tpu.memory_space<vmem>>) target(%dma_start3A_139 : memref<10112x128xf32, #tpu.memory_space<vmem_shared>>) offsets(%arg11 : memref<128xi32, #tpu.memory_space<vmem>>) semaphore(%run_scoped3A : memref<!tpu.dma_semaphore, #tpu.memory_space<semaphore_mem>>) {add = true}
        %dma_wait3A_140 = arith.constant 0 : i32
        %dma_wait3A_141 = arith.constant 0 : i32
        %dma_wait3A_142 = tpu.memref_slice %arg7[%dma_wait3A_140, %dma_wait3A_141] : memref<10112x128xf32, #tpu.memory_space<vmem_shared>> -> memref<10112x128xf32, #tpu.memory_space<vmem_shared>>
        tpu.wait_indirect_dma semaphore(%run_scoped3A : memref<!tpu.dma_semaphore, #tpu.memory_space<semaphore_mem>>) src(%arg14 : memref<128x128xf32, #tpu.memory_space<vmem>>) dst(%dma_wait3A_142 : memref<10112x128xf32, #tpu.memory_space<vmem_shared>>)
        tpu.yield
      }) : () -> ()
    } else {
    }
    %barrier3A_93 = arith.constant 0 : index
    tpu.barrier barrier_id(%barrier3A_93)
    %add3A_94 = arith.constant 0 : i32
    %add3A_95 = arith.addi %arg1, %add3A_94 : i32
    %lt3A_96 = arith.constant 79 : i32
    %lt3A_97 = arith.cmpi slt, %add3A_95, %lt3A_96 : i32
    %convert_element_type3A_98 = arith.extui %lt3A_97 : i1 to i32
    %cond3A_99 = arith.constant 0 : i32
    %cond3A_100 = arith.cmpi ne, %convert_element_type3A_98, %cond3A_99 : i32
    scf.if %cond3A_100 {
      %mul3A_129 = arith.constant 128 : i32
      %mul3A_130 = arith.muli %add3A_95, %mul3A_129 : i32
      %mul3A_131 = arith.constant 128 : i32
      %mul3A_132 = arith.muli %add3A_95, %mul3A_131 : i32
      "tpu.region"() ({
        %run_scoped3A = tpu.sem_alloc : memref<!tpu.dma_semaphore, #tpu.memory_space<semaphore_mem>>
        %dma_start3A_133 = arith.constant 0 : i32
        %dma_start3A_134 = tpu.memref_slice %arg6[%arg0, %mul3A_132, %dma_start3A_133] : memref<2x10112x128xf32, #tpu.memory_space<hbm>> -> memref<1x128x128xf32, #tpu.memory_space<hbm>>
        %dma_start3A_135 = tpu.memref_squeeze %dma_start3A_134 : memref<1x128x128xf32, #tpu.memory_space<hbm>> -> memref<128x128xf32, #tpu.memory_space<hbm>>
        %dma_start3A_136 = arith.constant 0 : i32
        %dma_start3A_137 = tpu.memref_slice %arg7[%mul3A_130, %dma_start3A_136] : memref<10112x128xf32, #tpu.memory_space<vmem_shared>> -> memref<128x128xf32, #tpu.memory_space<vmem_shared>>
        tpu.enqueue_dma source(%dma_start3A_137 : memref<128x128xf32, #tpu.memory_space<vmem_shared>>) target(%dma_start3A_135 : memref<128x128xf32, #tpu.memory_space<hbm>>) target_semaphore(%run_scoped3A : memref<!tpu.dma_semaphore, #tpu.memory_space<semaphore_mem>>)
        %dma_wait3A_138 = arith.constant 0 : i32
        %dma_wait3A_139 = tpu.memref_slice %arg6[%arg0, %mul3A_132, %dma_wait3A_138] : memref<2x10112x128xf32, #tpu.memory_space<hbm>> -> memref<1x128x128xf32, #tpu.memory_space<hbm>>
        %dma_wait3A_140 = tpu.memref_squeeze %dma_wait3A_139 : memref<1x128x128xf32, #tpu.memory_space<hbm>> -> memref<128x128xf32, #tpu.memory_space<hbm>>
        %dma_wait3A_141 = arith.constant 0 : i32
        %dma_wait3A_142 = tpu.memref_slice %arg7[%mul3A_130, %dma_wait3A_141] : memref<10112x128xf32, #tpu.memory_space<vmem_shared>> -> memref<128x128xf32, #tpu.memory_space<vmem_shared>>
        tpu.wait_dma2 semaphore(%run_scoped3A : memref<!tpu.dma_semaphore, #tpu.memory_space<semaphore_mem>>) src(%dma_wait3A_142 : memref<128x128xf32, #tpu.memory_space<vmem_shared>>) dst(%dma_wait3A_140 : memref<128x128xf32, #tpu.memory_space<hbm>>)
        tpu.yield
      }) : () -> ()
    } else {
    }
    %add3A_101 = arith.constant 16 : i32
    %add3A_102 = arith.addi %arg1, %add3A_101 : i32
    %lt3A_103 = arith.constant 79 : i32
    %lt3A_104 = arith.cmpi slt, %add3A_102, %lt3A_103 : i32
    %convert_element_type3A_105 = arith.extui %lt3A_104 : i1 to i32
    %cond3A_106 = arith.constant 0 : i32
    %cond3A_107 = arith.cmpi ne, %convert_element_type3A_105, %cond3A_106 : i32
    scf.if %cond3A_107 {
      %mul3A_129 = arith.constant 128 : i32
      %mul3A_130 = arith.muli %add3A_102, %mul3A_129 : i32
      %mul3A_131 = arith.constant 128 : i32
      %mul3A_132 = arith.muli %add3A_102, %mul3A_131 : i32
      "tpu.region"() ({
        %run_scoped3A = tpu.sem_alloc : memref<!tpu.dma_semaphore, #tpu.memory_space<semaphore_mem>>
        %dma_start3A_133 = arith.constant 0 : i32
        %dma_start3A_134 = tpu.memref_slice %arg6[%arg0, %mul3A_132, %dma_start3A_133] : memref<2x10112x128xf32, #tpu.memory_space<hbm>> -> memref<1x128x128xf32, #tpu.memory_space<hbm>>
        %dma_start3A_135 = tpu.memref_squeeze %dma_start3A_134 : memref<1x128x128xf32, #tpu.memory_space<hbm>> -> memref<128x128xf32, #tpu.memory_space<hbm>>
        %dma_start3A_136 = arith.constant 0 : i32
        %dma_start3A_137 = tpu.memref_slice %arg7[%mul3A_130, %dma_start3A_136] : memref<10112x128xf32, #tpu.memory_space<vmem_shared>> -> memref<128x128xf32, #tpu.memory_space<vmem_shared>>
        tpu.enqueue_dma source(%dma_start3A_137 : memref<128x128xf32, #tpu.memory_space<vmem_shared>>) target(%dma_start3A_135 : memref<128x128xf32, #tpu.memory_space<hbm>>) target_semaphore(%run_scoped3A : memref<!tpu.dma_semaphore, #tpu.memory_space<semaphore_mem>>)
        %dma_wait3A_138 = arith.constant 0 : i32
        %dma_wait3A_139 = tpu.memref_slice %arg6[%arg0, %mul3A_132, %dma_wait3A_138] : memref<2x10112x128xf32, #tpu.memory_space<hbm>> -> memref<1x128x128xf32, #tpu.memory_space<hbm>>
        %dma_wait3A_140 = tpu.memref_squeeze %dma_wait3A_139 : memref<1x128x128xf32, #tpu.memory_space<hbm>> -> memref<128x128xf32, #tpu.memory_space<hbm>>
        %dma_wait3A_141 = arith.constant 0 : i32
        %dma_wait3A_142 = tpu.memref_slice %arg7[%mul3A_130, %dma_wait3A_141] : memref<10112x128xf32, #tpu.memory_space<vmem_shared>> -> memref<128x128xf32, #tpu.memory_space<vmem_shared>>
        tpu.wait_dma2 semaphore(%run_scoped3A : memref<!tpu.dma_semaphore, #tpu.memory_space<semaphore_mem>>) src(%dma_wait3A_142 : memref<128x128xf32, #tpu.memory_space<vmem_shared>>) dst(%dma_wait3A_140 : memref<128x128xf32, #tpu.memory_space<hbm>>)
        tpu.yield
      }) : () -> ()
    } else {
    }
    %add3A_108 = arith.constant 32 : i32
    %add3A_109 = arith.addi %arg1, %add3A_108 : i32
    %lt3A_110 = arith.constant 79 : i32
    %lt3A_111 = arith.cmpi slt, %add3A_109, %lt3A_110 : i32
    %convert_element_type3A_112 = arith.extui %lt3A_111 : i1 to i32
    %cond3A_113 = arith.constant 0 : i32
    %cond3A_114 = arith.cmpi ne, %convert_element_type3A_112, %cond3A_113 : i32
    scf.if %cond3A_114 {
      %mul3A_129 = arith.constant 128 : i32
      %mul3A_130 = arith.muli %add3A_109, %mul3A_129 : i32
      %mul3A_131 = arith.constant 128 : i32
      %mul3A_132 = arith.muli %add3A_109, %mul3A_131 : i32
      "tpu.region"() ({
        %run_scoped3A = tpu.sem_alloc : memref<!tpu.dma_semaphore, #tpu.memory_space<semaphore_mem>>
        %dma_start3A_133 = arith.constant 0 : i32
        %dma_start3A_134 = tpu.memref_slice %arg6[%arg0, %mul3A_132, %dma_start3A_133] : memref<2x10112x128xf32, #tpu.memory_space<hbm>> -> memref<1x128x128xf32, #tpu.memory_space<hbm>>
        %dma_start3A_135 = tpu.memref_squeeze %dma_start3A_134 : memref<1x128x128xf32, #tpu.memory_space<hbm>> -> memref<128x128xf32, #tpu.memory_space<hbm>>
        %dma_start3A_136 = arith.constant 0 : i32
        %dma_start3A_137 = tpu.memref_slice %arg7[%mul3A_130, %dma_start3A_136] : memref<10112x128xf32, #tpu.memory_space<vmem_shared>> -> memref<128x128xf32, #tpu.memory_space<vmem_shared>>
        tpu.enqueue_dma source(%dma_start3A_137 : memref<128x128xf32, #tpu.memory_space<vmem_shared>>) target(%dma_start3A_135 : memref<128x128xf32, #tpu.memory_space<hbm>>) target_semaphore(%run_scoped3A : memref<!tpu.dma_semaphore, #tpu.memory_space<semaphore_mem>>)
        %dma_wait3A_138 = arith.constant 0 : i32
        %dma_wait3A_139 = tpu.memref_slice %arg6[%arg0, %mul3A_132, %dma_wait3A_138] : memref<2x10112x128xf32, #tpu.memory_space<hbm>> -> memref<1x128x128xf32, #tpu.memory_space<hbm>>
        %dma_wait3A_140 = tpu.memref_squeeze %dma_wait3A_139 : memref<1x128x128xf32, #tpu.memory_space<hbm>> -> memref<128x128xf32, #tpu.memory_space<hbm>>
        %dma_wait3A_141 = arith.constant 0 : i32
        %dma_wait3A_142 = tpu.memref_slice %arg7[%mul3A_130, %dma_wait3A_141] : memref<10112x128xf32, #tpu.memory_space<vmem_shared>> -> memref<128x128xf32, #tpu.memory_space<vmem_shared>>
        tpu.wait_dma2 semaphore(%run_scoped3A : memref<!tpu.dma_semaphore, #tpu.memory_space<semaphore_mem>>) src(%dma_wait3A_142 : memref<128x128xf32, #tpu.memory_space<vmem_shared>>) dst(%dma_wait3A_140 : memref<128x128xf32, #tpu.memory_space<hbm>>)
        tpu.yield
      }) : () -> ()
    } else {
    }
    %add3A_115 = arith.constant 48 : i32
    %add3A_116 = arith.addi %arg1, %add3A_115 : i32
    %lt3A_117 = arith.constant 79 : i32
    %lt3A_118 = arith.cmpi slt, %add3A_116, %lt3A_117 : i32
    %convert_element_type3A_119 = arith.extui %lt3A_118 : i1 to i32
    %cond3A_120 = arith.constant 0 : i32
    %cond3A_121 = arith.cmpi ne, %convert_element_type3A_119, %cond3A_120 : i32
    scf.if %cond3A_121 {
      %mul3A_129 = arith.constant 128 : i32
      %mul3A_130 = arith.muli %add3A_116, %mul3A_129 : i32
      %mul3A_131 = arith.constant 128 : i32
      %mul3A_132 = arith.muli %add3A_116, %mul3A_131 : i32
      "tpu.region"() ({
        %run_scoped3A = tpu.sem_alloc : memref<!tpu.dma_semaphore, #tpu.memory_space<semaphore_mem>>
        %dma_start3A_133 = arith.constant 0 : i32
        %dma_start3A_134 = tpu.memref_slice %arg6[%arg0, %mul3A_132, %dma_start3A_133] : memref<2x10112x128xf32, #tpu.memory_space<hbm>> -> memref<1x128x128xf32, #tpu.memory_space<hbm>>
        %dma_start3A_135 = tpu.memref_squeeze %dma_start3A_134 : memref<1x128x128xf32, #tpu.memory_space<hbm>> -> memref<128x128xf32, #tpu.memory_space<hbm>>
        %dma_start3A_136 = arith.constant 0 : i32
        %dma_start3A_137 = tpu.memref_slice %arg7[%mul3A_130, %dma_start3A_136] : memref<10112x128xf32, #tpu.memory_space<vmem_shared>> -> memref<128x128xf32, #tpu.memory_space<vmem_shared>>
        tpu.enqueue_dma source(%dma_start3A_137 : memref<128x128xf32, #tpu.memory_space<vmem_shared>>) target(%dma_start3A_135 : memref<128x128xf32, #tpu.memory_space<hbm>>) target_semaphore(%run_scoped3A : memref<!tpu.dma_semaphore, #tpu.memory_space<semaphore_mem>>)
        %dma_wait3A_138 = arith.constant 0 : i32
        %dma_wait3A_139 = tpu.memref_slice %arg6[%arg0, %mul3A_132, %dma_wait3A_138] : memref<2x10112x128xf32, #tpu.memory_space<hbm>> -> memref<1x128x128xf32, #tpu.memory_space<hbm>>
        %dma_wait3A_140 = tpu.memref_squeeze %dma_wait3A_139 : memref<1x128x128xf32, #tpu.memory_space<hbm>> -> memref<128x128xf32, #tpu.memory_space<hbm>>
        %dma_wait3A_141 = arith.constant 0 : i32
        %dma_wait3A_142 = tpu.memref_slice %arg7[%mul3A_130, %dma_wait3A_141] : memref<10112x128xf32, #tpu.memory_space<vmem_shared>> -> memref<128x128xf32, #tpu.memory_space<vmem_shared>>
        tpu.wait_dma2 semaphore(%run_scoped3A : memref<!tpu.dma_semaphore, #tpu.memory_space<semaphore_mem>>) src(%dma_wait3A_142 : memref<128x128xf32, #tpu.memory_space<vmem_shared>>) dst(%dma_wait3A_140 : memref<128x128xf32, #tpu.memory_space<hbm>>)
        tpu.yield
      }) : () -> ()
    } else {
    }
    %add3A_122 = arith.constant 64 : i32
    %add3A_123 = arith.addi %arg1, %add3A_122 : i32
    %lt3A_124 = arith.constant 79 : i32
    %lt3A_125 = arith.cmpi slt, %add3A_123, %lt3A_124 : i32
    %convert_element_type3A_126 = arith.extui %lt3A_125 : i1 to i32
    %cond3A_127 = arith.constant 0 : i32
    %cond3A_128 = arith.cmpi ne, %convert_element_type3A_126, %cond3A_127 : i32
    scf.if %cond3A_128 {
      %mul3A_129 = arith.constant 128 : i32
      %mul3A_130 = arith.muli %add3A_123, %mul3A_129 : i32
      %mul3A_131 = arith.constant 128 : i32
      %mul3A_132 = arith.muli %add3A_123, %mul3A_131 : i32
      "tpu.region"() ({
        %run_scoped3A = tpu.sem_alloc : memref<!tpu.dma_semaphore, #tpu.memory_space<semaphore_mem>>
        %dma_start3A_133 = arith.constant 0 : i32
        %dma_start3A_134 = tpu.memref_slice %arg6[%arg0, %mul3A_132, %dma_start3A_133] : memref<2x10112x128xf32, #tpu.memory_space<hbm>> -> memref<1x128x128xf32, #tpu.memory_space<hbm>>
        %dma_start3A_135 = tpu.memref_squeeze %dma_start3A_134 : memref<1x128x128xf32, #tpu.memory_space<hbm>> -> memref<128x128xf32, #tpu.memory_space<hbm>>
        %dma_start3A_136 = arith.constant 0 : i32
        %dma_start3A_137 = tpu.memref_slice %arg7[%mul3A_130, %dma_start3A_136] : memref<10112x128xf32, #tpu.memory_space<vmem_shared>> -> memref<128x128xf32, #tpu.memory_space<vmem_shared>>
        tpu.enqueue_dma source(%dma_start3A_137 : memref<128x128xf32, #tpu.memory_space<vmem_shared>>) target(%dma_start3A_135 : memref<128x128xf32, #tpu.memory_space<hbm>>) target_semaphore(%run_scoped3A : memref<!tpu.dma_semaphore, #tpu.memory_space<semaphore_mem>>)
        %dma_wait3A_138 = arith.constant 0 : i32
        %dma_wait3A_139 = tpu.memref_slice %arg6[%arg0, %mul3A_132, %dma_wait3A_138] : memref<2x10112x128xf32, #tpu.memory_space<hbm>> -> memref<1x128x128xf32, #tpu.memory_space<hbm>>
        %dma_wait3A_140 = tpu.memref_squeeze %dma_wait3A_139 : memref<1x128x128xf32, #tpu.memory_space<hbm>> -> memref<128x128xf32, #tpu.memory_space<hbm>>
        %dma_wait3A_141 = arith.constant 0 : i32
        %dma_wait3A_142 = tpu.memref_slice %arg7[%mul3A_130, %dma_wait3A_141] : memref<10112x128xf32, #tpu.memory_space<vmem_shared>> -> memref<128x128xf32, #tpu.memory_space<vmem_shared>>
        tpu.wait_dma2 semaphore(%run_scoped3A : memref<!tpu.dma_semaphore, #tpu.memory_space<semaphore_mem>>) src(%dma_wait3A_142 : memref<128x128xf32, #tpu.memory_space<vmem_shared>>) dst(%dma_wait3A_140 : memref<128x128xf32, #tpu.memory_space<hbm>>)
        tpu.yield
      }) : () -> ()
    } else {
    }
    return
  }
}

module attributes {stable_mosaic.version = 14 : i64} {
  func.func @_tc_a_body(%arg0: memref<10112x128xf32, #tpu.memory_space<vmem>>, %arg1: memref<79x128xi32, #tpu.memory_space<vmem>>, %arg2: memref<8x128xf32, #tpu.memory_space<vmem>>, %arg3: memref<32x79x128xf32, #tpu.memory_space<vmem>>, %arg4: memref<128x128xf32, #tpu.memory_space<vmem>>, %arg5: memref<10112x128xf32, #tpu.memory_space<vmem>>, %arg6: memref<79x128xf32, #tpu.memory_space<vmem>>) attributes {dimension_semantics = [], scalar_prefetch = 0 : i64, scratch_operands = 0 : i64, tpu.core_type = #tpu.core_type<tc>} {
    %get3A = arith.constant 0 : index
    %get3A_0 = arith.constant 0 : index
    %get3A_1 = vector.load %arg1[%get3A, %get3A_0] : memref<79x128xi32, #tpu.memory_space<vmem>>, vector<79x128xi32>
    %reshape3A = vector.shape_cast %get3A_1 : vector<79x128xi32> to vector<79x1x128xi32>
    %transpose3A = tpu.transpose %reshape3A, [0, 2, 1] : vector<79x1x128xi32> -> vector<79x128x1xi32>
    %reshape3A_2 = vector.shape_cast %transpose3A : vector<79x128x1xi32> to vector<10112x1xi32>
    %get3A_3 = arith.constant 0 : index
    %get3A_4 = arith.constant 0 : index
    %get3A_5 = vector.load %arg2[%get3A_3, %get3A_4] : memref<8x128xf32, #tpu.memory_space<vmem>>, vector<8x128xf32>
    %get3A_6 = arith.constant 0 : index
    %get3A_7 = arith.constant 0 : index
    %get3A_8 = vector.load %arg0[%get3A_6, %get3A_7] : memref<10112x128xf32, #tpu.memory_space<vmem>>, vector<10112x128xf32>
    %eq3A = arith.constant 0 : i32
    %eq3A_9 = vector.broadcast %eq3A : i32 to vector<10112x1xi32>
    %eq3A_10 = arith.cmpi eq, %reshape3A_2, %eq3A_9 : vector<10112x1xi32>
    %slice3A = vector.extract_strided_slice %get3A_5 {offsets = [0, 0], sizes = [1, 128], strides = [1, 1]} : vector<8x128xf32> to vector<1x128xf32>
    %eq3A_11 = arith.constant 1 : i32
    %eq3A_12 = vector.broadcast %eq3A_11 : i32 to vector<10112x1xi32>
    %eq3A_13 = arith.cmpi eq, %reshape3A_2, %eq3A_12 : vector<10112x1xi32>
    %slice3A_14 = vector.extract_strided_slice %get3A_5 {offsets = [1, 0], sizes = [1, 128], strides = [1, 1]} : vector<8x128xf32> to vector<1x128xf32>
    %slice3A_15 = vector.extract_strided_slice %get3A_5 {offsets = [2, 0], sizes = [1, 128], strides = [1, 1]} : vector<8x128xf32> to vector<1x128xf32>
    %broadcast_in_dim3A = vector.shape_cast %eq3A_13 : vector<10112x1xi1> to vector<10112x1xi1>
    %broadcast_in_dim3A_16 = vector.broadcast %broadcast_in_dim3A : vector<10112x1xi1> to vector<10112x128xi1>
    %broadcast_in_dim3A_17 = vector.shape_cast %slice3A_14 : vector<1x128xf32> to vector<1x128xf32>
    %broadcast_in_dim3A_18 = vector.broadcast %broadcast_in_dim3A_17 : vector<1x128xf32> to vector<10112x128xf32>
    %broadcast_in_dim3A_19 = vector.shape_cast %slice3A_15 : vector<1x128xf32> to vector<1x128xf32>
    %broadcast_in_dim3A_20 = vector.broadcast %broadcast_in_dim3A_19 : vector<1x128xf32> to vector<10112x128xf32>
    %select_n3A = arith.select %broadcast_in_dim3A_16, %broadcast_in_dim3A_18, %broadcast_in_dim3A_20 : vector<10112x128xi1>, vector<10112x128xf32>
    %broadcast_in_dim3A_21 = vector.shape_cast %eq3A_10 : vector<10112x1xi1> to vector<10112x1xi1>
    %broadcast_in_dim3A_22 = vector.broadcast %broadcast_in_dim3A_21 : vector<10112x1xi1> to vector<10112x128xi1>
    %broadcast_in_dim3A_23 = vector.shape_cast %slice3A : vector<1x128xf32> to vector<1x128xf32>
    %broadcast_in_dim3A_24 = vector.broadcast %broadcast_in_dim3A_23 : vector<1x128xf32> to vector<10112x128xf32>
    %select_n3A_25 = arith.select %broadcast_in_dim3A_22, %broadcast_in_dim3A_24, %select_n3A : vector<10112x128xi1>, vector<10112x128xf32>
    %add3A = arith.addf %get3A_8, %select_n3A_25 : vector<10112x128xf32>
    %get3A_26 = arith.constant 0 : index
    %get3A_27 = arith.constant 0 : index
    %get3A_28 = arith.constant 0 : index
    %get3A_29 = vector.load %arg3[%get3A_26, %get3A_27, %get3A_28] : memref<32x79x128xf32, #tpu.memory_space<vmem>>, vector<32x79x128xf32>
    %reduce_sum3A = arith.constant dense<0.000000e+00> : vector<79x128xf32>
    %reduce_sum3A_30 = vector.multi_reduction <add>, %get3A_29, %reduce_sum3A [0] : vector<32x79x128xf32> to vector<79x128xf32>
    %add3A_31 = arith.constant 1.000000e+00 : f32
    %add3A_32 = vector.broadcast %add3A_31 : f32 to vector<79x128xf32>
    %add3A_33 = arith.addf %reduce_sum3A_30, %add3A_32 : vector<79x128xf32>
    %rsqrt3A = math.rsqrt %add3A_33 : vector<79x128xf32>
    %reshape3A_34 = vector.shape_cast %rsqrt3A : vector<79x128xf32> to vector<79x1x128xf32>
    %transpose3A_35 = tpu.transpose %reshape3A_34, [0, 2, 1] : vector<79x1x128xf32> -> vector<79x128x1xf32>
    %reshape3A_36 = vector.shape_cast %transpose3A_35 : vector<79x128x1xf32> to vector<10112x1xf32>
    %get3A_37 = arith.constant 0 : index
    %get3A_38 = arith.constant 0 : index
    %get3A_39 = vector.load %arg4[%get3A_37, %get3A_38] : memref<128x128xf32, #tpu.memory_space<vmem>>, vector<128x128xf32>
    %dot_general3A = arith.constant dense<0.000000e+00> : vector<10112x128xf32>
    %dot_general3A_40 = tpu.matmul %add3A, %get3A_39, %dot_general3A {dimension_numbers = #tpu.dot_dimension_numbers<[1], [0], [0], [1], [0, 0, 1, 1], [], []>, precision = #tpu.contract_precision<fp32>, transpose_lhs_hint = false} : vector<10112x128xf32>, vector<128x128xf32>, vector<10112x128xf32> -> vector<10112x128xf32>
    %mul3A = vector.broadcast %reshape3A_36 : vector<10112x1xf32> to vector<10112x128xf32>
    %mul3A_41 = arith.mulf %mul3A, %dot_general3A_40 : vector<10112x128xf32>
    %swap3A = arith.constant 0 : index
    %swap3A_42 = arith.constant 0 : index
    %swap3A_43 = vector.load %arg5[%swap3A, %swap3A_42] : memref<10112x128xf32, #tpu.memory_space<vmem>>, vector<10112x128xf32>
    tpu.vector_store %arg5[%swap3A, %swap3A_42], %mul3A_41 {strides = array<i32>} : memref<10112x128xf32, #tpu.memory_space<vmem>>, vector<10112x128xf32>,
    %swap3A_44 = arith.constant 0 : index
    %swap3A_45 = arith.constant 0 : index
    %swap3A_46 = vector.load %arg6[%swap3A_44, %swap3A_45] : memref<79x128xf32, #tpu.memory_space<vmem>>, vector<79x128xf32>
    tpu.vector_store %arg6[%swap3A_44, %swap3A_45], %rsqrt3A {strides = array<i32>} : memref<79x128xf32, #tpu.memory_space<vmem>>, vector<79x128xf32>,
    return
  }
}

module attributes {stable_mosaic.version = 14 : i64} {
  func.func @_tc_c_body(%arg0: memref<2x10112x128xf32, #tpu.memory_space<vmem>>, %arg1: memref<10112x128xf32, #tpu.memory_space<vmem>>, %arg2: memref<79x128xf32, #tpu.memory_space<vmem>>, %arg3: memref<1x128xf32, #tpu.memory_space<vmem>>, %arg4: memref<128x128xf32, #tpu.memory_space<vmem>>, %arg5: memref<10112x128xf32, #tpu.memory_space<vmem>>) attributes {dimension_semantics = [], scalar_prefetch = 0 : i64, scratch_operands = 0 : i64, tpu.core_type = #tpu.core_type<tc>} {
    %get3A = arith.constant 0 : index
    %get3A_0 = arith.constant 0 : index
    %get3A_1 = vector.load %arg2[%get3A, %get3A_0] : memref<79x128xf32, #tpu.memory_space<vmem>>, vector<79x128xf32>
    %reshape3A = vector.shape_cast %get3A_1 : vector<79x128xf32> to vector<79x1x128xf32>
    %transpose3A = tpu.transpose %reshape3A, [0, 2, 1] : vector<79x1x128xf32> -> vector<79x128x1xf32>
    %reshape3A_2 = vector.shape_cast %transpose3A : vector<79x128x1xf32> to vector<10112x1xf32>
    %get3A_3 = arith.constant 0 : index
    %get3A_4 = arith.constant 0 : index
    %get3A_5 = arith.constant 0 : index
    %get3A_6 = vector.load %arg0[%get3A_3, %get3A_4, %get3A_5] : memref<2x10112x128xf32, #tpu.memory_space<vmem>>, vector<1x10112x128xf32>
    %get3A_7 = vector.shape_cast %get3A_6 : vector<1x10112x128xf32> to vector<10112x128xf32>
    %get3A_8 = arith.constant 1 : index
    %get3A_9 = arith.constant 0 : index
    %get3A_10 = arith.constant 0 : index
    %get3A_11 = vector.load %arg0[%get3A_8, %get3A_9, %get3A_10] : memref<2x10112x128xf32, #tpu.memory_space<vmem>>, vector<1x10112x128xf32>
    %get3A_12 = vector.shape_cast %get3A_11 : vector<1x10112x128xf32> to vector<10112x128xf32>
    %add3A = arith.addf %get3A_7, %get3A_12 : vector<10112x128xf32>
    %get3A_13 = arith.constant 0 : index
    %get3A_14 = arith.constant 0 : index
    %get3A_15 = vector.load %arg1[%get3A_13, %get3A_14] : memref<10112x128xf32, #tpu.memory_space<vmem>>, vector<10112x128xf32>
    %add3A_16 = arith.addf %add3A, %get3A_15 : vector<10112x128xf32>
    %mul3A = vector.broadcast %reshape3A_2 : vector<10112x1xf32> to vector<10112x128xf32>
    %mul3A_17 = arith.mulf %mul3A, %add3A_16 : vector<10112x128xf32>
    %get3A_18 = arith.constant 0 : index
    %get3A_19 = arith.constant 0 : index
    %get3A_20 = vector.load %arg3[%get3A_18, %get3A_19] : memref<1x128xf32, #tpu.memory_space<vmem>>, vector<1x128xf32>
    %add3A_21 = vector.broadcast %get3A_20 : vector<1x128xf32> to vector<10112x128xf32>
    %add3A_22 = arith.addf %mul3A_17, %add3A_21 : vector<10112x128xf32>
    %max3A = arith.constant 0.000000e+00 : f32
    %max3A_23 = vector.broadcast %max3A : f32 to vector<10112x128xf32>
    %max3A_24 = arith.maximumf %add3A_22, %max3A_23 : vector<10112x128xf32>
    %get3A_25 = arith.constant 0 : index
    %get3A_26 = arith.constant 0 : index
    %get3A_27 = vector.load %arg4[%get3A_25, %get3A_26] : memref<128x128xf32, #tpu.memory_space<vmem>>, vector<128x128xf32>
    %dot_general3A = arith.constant dense<0.000000e+00> : vector<10112x128xf32>
    %dot_general3A_28 = tpu.matmul %max3A_24, %get3A_27, %dot_general3A {dimension_numbers = #tpu.dot_dimension_numbers<[1], [0], [0], [1], [0, 0, 1, 1], [], []>, precision = #tpu.contract_precision<fp32>, transpose_lhs_hint = false} : vector<10112x128xf32>, vector<128x128xf32>, vector<10112x128xf32> -> vector<10112x128xf32>
    %mul3A_29 = vector.broadcast %reshape3A_2 : vector<10112x1xf32> to vector<10112x128xf32>
    %mul3A_30 = arith.mulf %mul3A_29, %dot_general3A_28 : vector<10112x128xf32>
    %swap3A = arith.constant 0 : index
    %swap3A_31 = arith.constant 0 : index
    %swap3A_32 = vector.load %arg5[%swap3A, %swap3A_31] : memref<10112x128xf32, #tpu.memory_space<vmem>>, vector<10112x128xf32>
    tpu.vector_store %arg5[%swap3A, %swap3A_31], %mul3A_30 {strides = array<i32>} : memref<10112x128xf32, #tpu.memory_space<vmem>>, vector<10112x128xf32>,
    return
  }
}

module attributes {stable_mosaic.version = 14 : i64} {
  func.func @_tc_e_body(%arg0: memref<2x10112x128xf32, #tpu.memory_space<vmem>>, %arg1: memref<10112x128xf32, #tpu.memory_space<vmem>>, %arg2: memref<79x128xf32, #tpu.memory_space<vmem>>, %arg3: memref<1x128xf32, #tpu.memory_space<vmem>>, %arg4: memref<128x128xf32, #tpu.memory_space<vmem>>, %arg5: memref<1x128xf32, #tpu.memory_space<vmem>>, %arg6: memref<10000x3xf32, #tpu.memory_space<vmem>>) attributes {dimension_semantics = [], scalar_prefetch = 0 : i64, scratch_operands = 0 : i64, tpu.core_type = #tpu.core_type<tc>} {
    %get3A = arith.constant 0 : index
    %get3A_0 = arith.constant 0 : index
    %get3A_1 = arith.constant 0 : index
    %get3A_2 = vector.load %arg0[%get3A, %get3A_0, %get3A_1] : memref<2x10112x128xf32, #tpu.memory_space<vmem>>, vector<1x10112x128xf32>
    %get3A_3 = vector.shape_cast %get3A_2 : vector<1x10112x128xf32> to vector<10112x128xf32>
    %get3A_4 = arith.constant 1 : index
    %get3A_5 = arith.constant 0 : index
    %get3A_6 = arith.constant 0 : index
    %get3A_7 = vector.load %arg0[%get3A_4, %get3A_5, %get3A_6] : memref<2x10112x128xf32, #tpu.memory_space<vmem>>, vector<1x10112x128xf32>
    %get3A_8 = vector.shape_cast %get3A_7 : vector<1x10112x128xf32> to vector<10112x128xf32>
    %add3A = arith.addf %get3A_3, %get3A_8 : vector<10112x128xf32>
    %get3A_9 = arith.constant 0 : index
    %get3A_10 = arith.constant 0 : index
    %get3A_11 = vector.load %arg1[%get3A_9, %get3A_10] : memref<10112x128xf32, #tpu.memory_space<vmem>>, vector<10112x128xf32>
    %add3A_12 = arith.addf %add3A, %get3A_11 : vector<10112x128xf32>
    %get3A_13 = arith.constant 0 : index
    %get3A_14 = arith.constant 0 : index
    %get3A_15 = vector.load %arg2[%get3A_13, %get3A_14] : memref<79x128xf32, #tpu.memory_space<vmem>>, vector<79x128xf32>
    %reshape3A = vector.shape_cast %get3A_15 : vector<79x128xf32> to vector<79x1x128xf32>
    %transpose3A = tpu.transpose %reshape3A, [0, 2, 1] : vector<79x1x128xf32> -> vector<79x128x1xf32>
    %reshape3A_16 = vector.shape_cast %transpose3A : vector<79x128x1xf32> to vector<10112x1xf32>
    %mul3A = vector.broadcast %reshape3A_16 : vector<10112x1xf32> to vector<10112x128xf32>
    %mul3A_17 = arith.mulf %mul3A, %add3A_12 : vector<10112x128xf32>
    %get3A_18 = arith.constant 0 : index
    %get3A_19 = arith.constant 0 : index
    %get3A_20 = vector.load %arg3[%get3A_18, %get3A_19] : memref<1x128xf32, #tpu.memory_space<vmem>>, vector<1x128xf32>
    %add3A_21 = vector.broadcast %get3A_20 : vector<1x128xf32> to vector<10112x128xf32>
    %add3A_22 = arith.addf %mul3A_17, %add3A_21 : vector<10112x128xf32>
    %get3A_23 = arith.constant 0 : index
    %get3A_24 = arith.constant 0 : index
    %get3A_25 = vector.load %arg4[%get3A_23, %get3A_24] : memref<128x128xf32, #tpu.memory_space<vmem>>, vector<128x128xf32>
    %dot_general3A = arith.constant dense<0.000000e+00> : vector<10112x128xf32>
    %dot_general3A_26 = tpu.matmul %add3A_22, %get3A_25, %dot_general3A {dimension_numbers = #tpu.dot_dimension_numbers<[1], [0], [0], [1], [0, 0, 1, 1], [], []>, precision = #tpu.contract_precision<fp32>, transpose_lhs_hint = false} : vector<10112x128xf32>, vector<128x128xf32>, vector<10112x128xf32> -> vector<10112x128xf32>
    %get3A_27 = arith.constant 0 : index
    %get3A_28 = arith.constant 0 : index
    %get3A_29 = vector.load %arg5[%get3A_27, %get3A_28] : memref<1x128xf32, #tpu.memory_space<vmem>>, vector<1x128xf32>
    %add3A_30 = vector.broadcast %get3A_29 : vector<1x128xf32> to vector<10112x128xf32>
    %add3A_31 = arith.addf %dot_general3A_26, %add3A_30 : vector<10112x128xf32>
    %slice3A = vector.extract_strided_slice %add3A_31 {offsets = [0, 0], sizes = [10000, 3], strides = [1, 1]} : vector<10112x128xf32> to vector<10000x3xf32>
    %swap3A = arith.constant 0 : index
    %swap3A_32 = arith.constant 0 : index
    %swap3A_33 = vector.load %arg6[%swap3A, %swap3A_32] : memref<10000x3xf32, #tpu.memory_space<vmem>>, vector<10000x3xf32>
    tpu.vector_store %arg6[%swap3A, %swap3A_32], %slice3A {strides = array<i32>} : memref<10000x3xf32, #tpu.memory_space<vmem>>, vector<10000x3xf32>,
    return
  }
}

</mosaic_0001>

<sc_bundles>
// kernel: kernel.11.cloned.1.call-start
scs
__scs_entry_jumppad:
0x0: {  	(pc) =	sbr.rel $0x88, $3  }
0x1: {  	(tag) =	ssettag $0x0;
	lr =	simm.s32 $0x1  }
0x2: {  	[smem:$0x3F96] =	sst lr;
	_ =	strace $0xD0000000  }
0x3: {  	_ = 	snop  }
0x4: {  	_ = 	snop  }
0x5: {  	_ = 	snop  }
0x6: {  	_ = 	snop  }
0x7: {  	_ = 	snop  }
__scs_overlays_trampoline_lowered:
0x8: {  	[smem:$0x3FA5] =	sst s0  }
0x9: {  	[smem:$0x3FA6] =	sst s1  }
0xa: {  	[smem:$0x3FA7] =	sst s2  }
0xb: {  	[smem:$0x3FA8] =	sst s3  }
0xc: {  	[smem:$0x3FA9] =	sst s4  }
0xd: {  	[smem:$0x3FAA] =	sst s5  }
0xe: {  	[smem:$0x3FAB] =	sst s6  }
0xf: {  	[smem:$0x3FAC] =	sst s7  }
0x10: {  	[smem:$0x3FAD] =	sst s8  }
0x11: {  	[smem:$0x3FAE] =	sst s9;
	s0 =	simm.s32 @!p0 $0x0  }
0x12: {  	s1 =	sld [smem:$0x3F94];
	s0 =	simm.s32 @p0 $0x1  }
0x13: {  	[smem:$0x3FAF] =	sst s0;
	s0 =	simm.s32 @!p1 $0x0  }
0x14: {  	s2 =	sld [smem:$0x3F93];
	s0 =	simm.s32 @p1 $0x1  }
0x15: {  	[smem:$0x3FB0] =	sst s0;
	s0 =	simm.s32 @!p2 $0x0  }
0x16: {  	s3 =	sld [smem:$0x3FDB];
	s0 =	simm.s32 @p2 $0x1  }
0x17: {  	s4 =	simm.s32 $0x1BF5;
	[smem:$0x3FB2] =	sst s0  }
0x18: {  	s0 =	sld [smem:$0x3F95];
	_ =	swait.ge [sflag:s4], $0x0  }
0x19: {  	s7 =	sld [smem:$0x3F96]  }
0x1a: {  	s8 =	sadd.s32 $0xFFFFE003, lr  }
0x1b: {  	s9 =	sadd.s32 $0xFFFFFEF7, lr;
	s5 =	simm.s32 $0xFFFFFFFF;
	p2 =	slt.u32 s8, $0xFFFFF086  }
0x1c: {  	p1 =	slt.u32 s9, $0xF7A;
	s5 =	simm.s32 @!p2 $0x0  }
0x1d: {  	s5 =	simm.s32 @p1 $0x1;
	p0 =	seq.s32 s7, s2  }
0x1e: {  	s7 =	smul.u32 @!p0 $0xF7A, s2;
	p2 =	seq.s32 @!p0 s5, $0x0  }
0x1f: {  	s9 =	smul.u32 $0xF7A, s1;
	s8 =	simm.s32 @!p0 $0x1BF5;
	p2 =	por !p2, p0  }
0x20: {  	[sflag:s8] =	ssyncset.s32 @!p0 $0xFFFFF086;
	s6 =	sadd.s32 @!p0 s3, s7;
	s7 =	simm.s32 @!p0 $0x108  }
0x21: {  	s3 =	sadd.s32 s3, s9;
	s6 =	sadd.s32 @!p0 $0x88, s6;
	s7 =	simm.s32 @p2 $0x1082  }
0x22: {  	[simem:s7], [sflag:s8] =	dma.local @!p0 [hbm:s6], $0xF7A  }
0x23: {  	s9 =	sor.u32 $0xD0000000, s2;
	s6 =	simm.s32 $0x108;
	_ =	swait.ge @!p0 [sflag:s8], $0x0  }
0x24: {  	s3 =	sadd.s32 $0x88, s3;
	s6 =	simm.s32 @!p1 $0x1082;
	[sflag:s4] =	ssyncset.s32 $0xFFFFF086  }
0x25: {  	[simem:s6], [sflag:s4] =	dma.local [hbm:s3], $0xF7A  }
0x26: {  	[smem:$0x3F96] =	sst s1;
	(tag) =	ssettag s2;
	_ =	strace s9  }
0x27: {  	s1 =	sld [smem:$0x3FA6]  }
0x28: {  	s2 =	sld [smem:$0x3FA7]  }
0x29: {  	s4 =	sld [smem:$0x3FA9]  }
0x2a: {  	p0 =	seq.s32 s5, $0x0;
	s5 =	sld [smem:$0x3FAA]  }
0x2b: {  	s6 =	sld [smem:$0x3FAB]  }
0x2c: {  	s7 =	sld [smem:$0x3FAC]  }
0x2d: {  	s3 =	simm.s32 $0x108;
	s8 =	sld [smem:$0x3FAD]  }
0x2e: {  	s3 =	simm.s32 @!p0 $0x1082;
	s9 =	sld [smem:$0x3FAE]  }
0x2f: {  	lr =	sadd.s32 s0, s3;
	s0 =	sld [smem:$0x3FA5]  }
0x30: {  	s3 =	sld [smem:$0x3FA8]  }
0x31: {  	[smem:$0x3FB1] =	sst s10  }
0x32: {  	s10 =	sld [smem:$0x3FAF];
	_ =	sdelay $0x3  }
0x33: {  	p0 =	seq.s32 s10, $0x1;
	s10 =	sld [smem:$0x3FB1];
	_ =	sdelay $0x3  }
0x34: {  	[smem:$0x3FB1] =	sst s10  }
0x35: {  	s10 =	sld [smem:$0x3FB0];
	_ =	sdelay $0x3  }
0x36: {  	p1 =	seq.s32 s10, $0x1;
	s10 =	sld [smem:$0x3FB1];
	_ =	sdelay $0x3  }
0x37: {  	[smem:$0x3FB1] =	sst s10  }
0x38: {  	s10 =	sld [smem:$0x3FB2]  }
0x39: {  	_ = 	snop;
	(pc) =	sbr.ind lr, $3  }
0x3a: {  	_ = 	snop  }
0x3b: {  	_ = 	snop  }
0x3c: {  	p2 =	seq.s32 s10, $0x1;
	s10 =	sld [smem:$0x3FB1]  }
0x3d: {  	_ =	shalt  }
0x3e: {  	_ =	shalt  }
0x3f: {  	_ =	shalt  }
0x40: {  	_ =	shalt  }
0x41: {  	_ =	shalt  }
0x42: {  	_ =	shalt  }
0x43: {  	_ =	shalt  }
0x44: {  	_ =	shalt  }
0x45: {  	_ =	shalt  }
0x46: {  	_ =	shalt  }
0x47: {  	_ =	shalt  }
0x48: {  	_ =	shalt  }
0x49: {  	_ =	shalt  }
0x4a: {  	_ =	shalt  }
0x4b: {  	_ =	shalt  }
0x4c: {  	_ =	shalt  }
0x4d: {  	_ =	shalt  }
0x4e: {  	_ =	shalt  }
0x4f: {  	_ =	shalt  }
0x50: {  	_ =	shalt  }
0x51: {  	_ =	shalt  }
0x52: {  	_ =	shalt  }
0x53: {  	_ =	shalt  }
0x54: {  	_ =	shalt  }
0x55: {  	_ =	shalt  }
0x56: {  	_ =	shalt  }
0x57: {  	_ =	shalt  }
0x58: {  	_ =	shalt  }
0x59: {  	_ =	shalt  }
0x5a: {  	_ =	shalt  }
0x5b: {  	_ =	shalt  }
0x5c: {  	_ =	shalt  }
0x5d: {  	_ =	shalt  }
0x5e: {  	_ =	shalt  }
0x5f: {  	_ =	shalt  }
0x60: {  	_ =	shalt  }
0x61: {  	_ =	shalt  }
0x62: {  	_ =	shalt  }
0x63: {  	_ =	shalt  }
0x64: {  	_ =	shalt  }
0x65: {  	_ =	shalt  }
0x66: {  	_ =	shalt  }
0x67: {  	_ =	shalt  }
0x68: {  	_ =	shalt  }
0x69: {  	_ =	shalt  }
0x6a: {  	_ =	shalt  }
0x6b: {  	_ =	shalt  }
0x6c: {  	_ =	shalt  }
0x6d: {  	_ =	shalt  }
0x6e: {  	_ =	shalt  }
0x6f: {  	_ =	shalt  }
0x70: {  	_ =	shalt  }
0x71: {  	_ =	shalt  }
0x72: {  	_ =	shalt  }
0x73: {  	_ =	shalt  }
0x74: {  	_ =	shalt  }
0x75: {  	_ =	shalt  }
0x76: {  	_ =	shalt  }
0x77: {  	_ =	shalt  }
0x78: {  	_ =	shalt  }
0x79: {  	_ =	shalt  }
0x7a: {  	_ =	shalt  }
0x7b: {  	_ =	shalt  }
0x7c: {  	_ =	shalt  }
0x7d: {  	_ =	shalt  }
0x7e: {  	_ =	shalt  }
0x7f: {  	_ =	shalt  }
0x80: {  	_ =	shalt  }
0x81: {  	_ =	shalt  }
0x82: {  	_ =	shalt  }
0x83: {  	_ =	shalt  }
0x84: {  	_ =	shalt  }
0x85: {  	_ =	shalt  }
0x86: {  	_ =	shalt  }
0x87: {  	_ =	shalt  }
.Lfunc_end0:
.L_simem_size_0:
called_computation.1_lowered:
.L_overlay_start_0:
0x88: {  	s2 =	sld [smem:$0x3FD9]  }
0x89: {  	s3 =	sld [smem:$0x3FFE];
	_ =	sdelay $0x1  }
0x8a: {  	s1 =	srdreg.scid  }
0x8b: {  	s0 =	sand.u32 $0x1, s1  }
0x8c: {  	s16 =	sshll.u32 s0, $0xA;
	s2 =	sadd.s32 s3, s2  }
0x8d: {  	s2 =	sadd.s32 s2, s16  }
0x8e: {  	[smem:$0x3FBD] =	sst s2  }
0x8f: {  	_ = 	snop  }
0x90: {  	(tm) =	ssettm $0x1  }
0x91: {  	s17 =	sld [smem:$0x3FFB];
	_ =	sdelay $0x3  }
0x92: {  	_ =	strace s17  }
0x93: {  	s2 =	sld [smem:$0x3FFC];
	_ =	sdelay $0x3  }
0x94: {  	_ =	strace s2  }
0x95: {  	s2 =	sld [smem:$0x3FFD];
	_ =	sdelay $0x3  }
0x96: {  	_ =	strace s2  }
0x97: {  	_ =	strace $0x8FFFFFFF  }
0x98: {  	s18 =	sld [smem:$0x3FDB];
	_ =	sdelay $0x1  }
0x99: {  	s19 =	simm.s32 $_scs_section_size  }
0x9a: {  	s4 =	simm.s32 $_size__tile_overlayer_lowered;
	s5 =	simm.s32 $_tile_overlayer_lowered  }
0x9b: {  	s22 =	simm.s32 $0x1BFF;
	s21 =	sshll.u32 s5, $0x1;
	s2 =	sadd.s32 s19, s18  }
0x9c: {  	s6 =	simm.s32 $0x0;
	s20 =	sshll.u32 s4, $0x1;
	s4 =	sadd.s32 s21, s2  }
0x9d: {  	[timem:s6], [sflag:s22] =	dma.local [hbm:s4], s20  }
0x9e: {  	_ =	swait.ge [sflag:s22], s20  }
0x9f: {  	s3 =	ssub.s32 $0x0, s20;
	[sflag:s22] =	ssyncset.done $0x0  }
0xa0: {  	[sflag:s22] =	ssyncadd.s32 s3;
	_ =	sdelay $0x1  }
0xa1: {  	s23 =	simm.s32 $0x1B8B  }
0xa2: {  	_ =	swait.ge [sflag:s23], $0x1  }
0xa3: {  	[sflag:s23] =	ssyncset.done $0x0  }
0xa4: {  	s25 =	simm.s32 $0x1B8E;
	s24 =	sld [smem:$0x3FFE];
	[sflag:s23] =	ssyncadd.s32 $0xFFFFFFFF  }
0xa5: {  	s26 =	simm.s32 $execute0_lowered;
	[smem:$0x3FD2] =	sst s25  }
0xa6: {  	s4 =	sshll.u32 s26, $0x1;
	_ =	strace $0x80000049;
	[dreg:$0x1] =	wrdreg $0xFFFFFFFF  }
0xa7: {  	s28 =	simm.s32 $_size_execute0_lowered;
	s2 =	sadd.s32 s2, s4;
	[dreg:$0x0] =	wrdreg $0x0  }
0xa8: {  	s4 =	sshll.u32 s28, $0x1;
	[dreg:$0x2] =	wrdreg s2  }
0xa9: {  	[dreg:$0x3] =	wrdreg s4  }
0xaa: {  	[dreg:$0x4] =	wrdreg $0xC0  }
0xab: {  	_ =	task [dreg:s6], $0x5FFFF  }
0xac: {  	[dreg:$0x1] =	wrdreg $0xFFFFFFFF  }
0xad: {  	[dreg:$0x0] =	wrdreg $0x60  }
0xae: {  	[dreg:$0x2] =	wrdreg s24  }
0xaf: {  	[dreg:$0x3] =	wrdreg $0x0  }
0xb0: {  	[dreg:$0x4] =	wrdreg $0x9  }
0xb1: {  	_ =	task.clear_ibuf [dreg:s6], $0x5FFFF;
	_ =	strace $0x90000049  }
0xb2: {  	s29 =	simm.s32 $0x9;
	_ =	strace $0x8000004B  }
0xb3: {  	_ =	swait.ge [sflag:s29], $0x1  }
0xb4: {  	[sflag:s29] =	ssyncadd.s32 $0xFFFFFFFF  }
0xb5: {  	_ =	strace $0x9000004B  }
0xb6: {  	_ =	sfence  }
0xb7: {  	s30 =	sld [smem:$0x0];
	_ =	sdelay $0x2  }
0xb8: {  	s31 =	sshll.u32 s1, $0xD;
	s1 =	sshrl.u32 s1, $0x2  }
0xb9: {  	s3 =	sand.u32 $0x4000, s31;
	s1 =	sadd.s32 s1, s30  }
0xba: {  	s0 =	sor.u32 s3, s0;
	s1 =	sshll.u32 s1, $0x11  }
0xbb: {  	s0 =	sor.u32 s1, s0  }
0xbc: {  	s0 =	sadd.s32 $0x8F2B, s0  }
0xbd: {  	[sflag:s0] =	ssyncadd.remote.s32 $0x1  }
0xbe: {  	_ =	sfence.sel $0xFFFF  }
0xbf: {  	[dreg:$0x0] =	wrdreg $0xFFFFFFFF;
	(pc) =	sbr.abs _section_cstart, $3  }
0xc0: {  	[dreg:$0x1] =	wrdreg $0xFFFFFFFF  }
0xc1: {  	_ =	task.clear_ibuf [dreg:s6], $0x2FFFF;
	_ =	strace $0x9FFFFFFF  }
0xc2: {  	(tm) =	ssettm $0x7FFFFFFF  }
0xc3: {  	_ =	shalt  }
tec
execute0_lowered:
.L_overlay_start_1:
0x0: {  	(tag) =	ssettag $0x1  }
0x1: {  	s0 =	rddreg [dreg:$0x0];
	s1 =	srdreg.scid  }
0x2: {  	s18 =	stileid.u32;
	s2 =	rddreg [dreg:$0x1];
	s5 =	simm.s32 $0x0  }
0x3: {  	s4 =	simm.s32 $0x33;
	s24 =	simm.s32 $0x1BF00;
	s31 =	simm.s32 $0x9  }
0x4: {  	s1 =	sand.u32 $0x1, s1;
	s3 =	sshll.u32 s18, $0x1;
	[smem:$0x7FF] =	sst s5  }
0x5: {  	s5 =	sadd.s32 $0x16200, s0;
	s6 =	sadd.s32 $0x2600, s0;
	s29 =	sadd.s32 $0xC400, s0  }
0x6: {  	s8 =	sadd.s32 $0x3DA00, s0;
	s0 =	sadd.s32 $0x65200, s0;
	p1 =	sne.s32 s18, $0x0  }
0x7: {  	p2 =	seq.s32 s18, $0xF;
	s3 =	sor.u32 s1, s3;
	s17 =	smul.u32 $0x13C000, s1  }
0x8: {  	_ =	strace $0x8000004A;
	s16 =	ssub.s32 $0x2, s1;
	s1 =	smul.u32 $0x2780, s1  }
0x9: {  	[dreg:$0x5] =	wrdreg s8;
	p0 =	seq.s32 s3, $0x1F;
	s3 =	smul.u32 $0x2780, s3  }
0xa: {  	[dreg:$0x4] =	wrdreg s24;
	s10 =	sshrl.u32 s16, $0x1;
	s4 =	simm.s32 @!p0 $0x4F  }
0xb: {  	s7 =	smul.u32 $0x56, s4;
	s3 =	sshrl.u32 s3, $0x3;
	s23 =	sadd.s32 $0xFFFFFFFE, s4  }
0xc: {  	[dreg:$0x3] =	wrdreg s23;
	s25 =	sadd.s32 $0x10, s3;
	s28 =	sadd.s32 s6, s3  }
0xd: {  	s7 =	sshrl.u32 s7, $0x8;
	[dreg:$0xb] =	wrdreg s28;
	s30 =	sadd.s32 s6, s25  }
0xe: {  	s9 =	smul.u32 $0x3, s7;
	s7 =	ssub.s32 s16, s10;
	s10 =	sshll.u32 s18, $0xE  }
0xf: {  	[dreg:$0xc] =	wrdreg s30;
	s12 =	sor.u32 $0x40000, s10;
	s13 =	sadd.s32 s10, s17  }
0x10: {  	s15 =	sor.u32 $0x80000, s10;
	s21 =	sor.u32 $0xC0000, s10;
	s7 =	smax.u32 s7, $0x1  }
0x11: {  	s11 =	ssub.s32 s4, s9;
	s14 =	sadd.s32 s17, s12;
	s13 =	sshrl.u32 s13, $0x3  }
0x12: {  	s16 =	sadd.s32 s17, s15;
	s22 =	sadd.s32 s17, s21;
	s21 =	sadd.s32 s21, s2  }
0x13: {  	[dreg:$0x11] =	wrdreg s7;
	s14 =	sshrl.u32 s14, $0x3;
	s13 =	sadd.s32 s0, s13  }
0x14: {  	s20 =	sshrl.u32 s16, $0x3;
	s16 =	sshrl.u32 s22, $0x3;
	s26 =	sand.u32 $0xFF, s11  }
0x15: {  	s11 =	sadd.s32 s29, s3;
	s30 =	sshrl.u32 s21, $0x3;
	[dreg:$0x6] =	wrdreg s13  }
0x16: {  	s21 =	simm.s32 $0x6;
	s19 =	sadd.s32 s0, s14;
	[dreg:$0xe] =	wrdreg s11  }
0x17: {  	s13 =	sadd.s32 s0, s20;
	s14 =	sor.u32 $0x100000, s10;
	[dreg:$0x16] =	wrdreg s30  }
0x18: {  	s16 =	sadd.s32 s0, s16;
	p0 =	sne.s32 s26, $0x1;
	[dreg:$0x7] =	wrdreg s19  }
0x19: {  	s20 =	sadd.s32 s15, s2;
	s15 =	simm.s32 $0x17F00;
	[dreg:$0x8] =	wrdreg s13  }
0x1a: {  	s8 =	sadd.s32 s17, s14;
	s17 =	smul.u32 $0x4F00, s18;
	[dreg:$0x9] =	wrdreg s16  }
0x1b: {  	s16 =	sadd.s32 $0x20, s3;
	s19 =	sadd.s32 s12, s2;
	s11 =	sadd.s32 s14, s2  }
0x1c: {  	s28 =	sshrl.u32 s20, $0x3;
	s12 =	simm.s32 $0x80;
	s13 =	simm.s32 $0x13F00  }
0x1d: {  	s18 =	simm.s32 $0xA;
	s3 =	sadd.s32 s6, s16;
	[dreg:$0x15] =	wrdreg s28  }
0x1e: {  	s8 =	sshrl.u32 s8, $0x3;
	s26 =	sshrl.u32 s19, $0x3;
	[dreg:$0xf] =	wrdreg s3  }
0x1f: {  	s20 =	simm.s32 $0x8;
	s0 =	sadd.s32 s0, s8;
	[dreg:$0x14] =	wrdreg s26  }
0x20: {  	s19 =	simm.s32 $0x5;
	s8 =	sadd.s32 s29, s25;
	[dreg:$0xa] =	wrdreg s0  }
0x21: {  	s3 =	simm.s32 $0x0;
	s0 =	sadd.s32 s1, s17;
	[dreg:$0xd] =	wrdreg s8  }
0x22: {  	s1 =	sadd.s32 s29, s16;
	s17 =	sadd.s32 s10, s2;
	s8 =	simm.s32 $0x13D80  }
0x23: {  	s10 =	simm.s32 $0x13E00;
	s16 =	simm.s32 $0x4;
	[dreg:$0x10] =	wrdreg s1  }
0x24: {  	s23 =	sadd.s32 $0x280, s0;
	s24 =	sadd.s32 $0x200, s0;
	s0 =	sadd.s32 $0x180, s0  }
0x25: {  	s25 =	sshrl.u32 s17, $0x3;
	s17 =	simm.s32 $0x7;
	[dreg:$0x12] =	wrdreg s0  }
0x26: {  	s22 =	sshrl.u32 s23, $0x3;
	[dreg:$0x13] =	wrdreg s25;
	s0 =	sshrl.u32 @!p2 s11, $0x3  }
0x27: {  	s23 =	sshrl.u32 s24, $0x3;
	s25 =	simm.s32 $0x13E80;
	[dreg:$0x17] =	wrdreg s0  }
.LBB2_1:
0x28: {  	[dreg:$0x18] =	wrdreg s3  }
0x29: {  	s1 =	sshrl.u32 @!p1 s2, $0x3;
	s3 =	simm.s32 @!p1 $0x1C0A;
	s0 =	rddreg [dreg:$0x5]  }
0x2a: {  	[spmem:s1], [sflag:s3] =	dma.local @!p1 [hbm:s0], $0x27800  }
0x2b: {  	s1 =	simm.s32 @!p1 $0xA  }
0x2c: {  	_ =	swait.ge @!p1 [sflag:s1], $0x27800  }
0x2d: {  	[sflag:s1] =	ssyncset.done @!p1 $0x0  }
0x2e: {  	[sflag:s1] =	ssyncadd.s32 @!p1 $0xFFFD8800  }
0x2f: {  	[bflag:$0x0] =	sbarrier.arrive $0xFFFF  }
0x30: {  	s0 =	simm.s32 $0x0;
	s3 =	simm.s32 $0x13C00;
	s26 =	rddreg [dreg:$0xb]  }
0x31: {  	[tilespmem:s3], [sflag:$0x1] =	stream.linear.gather [hbm4b:s26+s0], $0x80, $0x38;
	[tilespmem:$0x1FF00] =	vst v63  }
0x32: {  	s7 =	rddreg [dreg:$0xe]  }
0x33: {  	[tilespmem:s8], [sflag:$0x4] =	stream.linear.gather [hbm4b:s7+s0], $0x80, $0x38;
	[tilespmem:$0x1FF00] =	vst v63  }
0x34: {  	s11 =	rddreg [dreg:$0xc];
	s7 =	simm.s32 $0x13C80  }
0x35: {  	[tilespmem:s7], [sflag:$0x2] =	stream.linear.gather [hbm4b:s11+s0], $0x80, $0x38;
	[tilespmem:$0x1FF00] =	vst v63  }
0x36: {  	s14 =	rddreg [dreg:$0xd]  }
0x37: {  	[tilespmem:s10], [sflag:$0x5] =	stream.linear.gather [hbm4b:s14+s0], $0x80, $0x38;
	[tilespmem:$0x1FF00] =	vst v63  }
0x38: {  	s24 =	rddreg [dreg:$0xf];
	s11 =	simm.s32 $0x13D00  }
0x39: {  	[tilespmem:s11], [sflag:$0x3] =	stream.linear.gather [hbm4b:s24+s0], $0x80, $0x38;
	[tilespmem:$0x1FF00] =	vst v63  }
0x3a: {  	s26 =	rddreg [dreg:$0x10];
	s11 =	simm.s32 $0x1  }
0x3b: {  	[tilespmem:s25], [sflag:$0x6] =	stream.linear.gather [hbm4b:s26+s0], $0x80, $0x38;
	[tilespmem:$0x1FF00] =	vst v63  }
0x3c: {  	_ =	swait.ge [sflag:s11], $0x80  }
0x3d: {  	[sflag:s11] =	ssyncset.done $0x0  }
0x3e: {  	s14 =	simm.s32 $0x2;
	[sflag:s11] =	ssyncadd.s32 $0xFFFFFF80  }
0x3f: {  	[tilespmem:s13], [sflag:$0x7] =	stream.indirect.gather [hbm4b:s5+s12], $0x80, s3, s12, $0xb8;
	[tilespmem:$0x1FF00] =	vst v63  }
0x40: {  	_ =	swait.ge [sflag:s14], $0x80  }
0x41: {  	[sflag:s14] =	ssyncset.done $0x0  }
0x42: {  	[sflag:s14] =	ssyncadd.s32 $0xFFFFFF80  }
0x43: {  	[tilespmem:s15], [sflag:$0x8] =	stream.indirect.gather [hbm4b:s5+s12], $0x80, s7, s12, $0xb8;
	[tilespmem:$0x1FF00] =	vst v63  }
0x44: {  	_ =	swait.ge [sflag:s16], $0x80  }
0x45: {  	[sflag:s16] =	ssyncset.done $0x0  }
0x46: {  	[sflag:s16] =	ssyncadd.s32 $0xFFFFFF80  }
0x47: {  	_ =	swait.ge [sflag:s17], $0x4000  }
0x48: {  	[sflag:s17] =	ssyncset.done $0x0  }
0x49: {  	[sflag:s17] =	ssyncadd.s32 $0xFFFFC000  }
0x4a: {  	[spmem:s2] =	stream.indirect.scatter.add.f32 [tilespmem:s13], [sflag:$0xA], $0x80, s8, s12, $0xb8;
	[tilespmem:$0x1FF00] =	vst v63  }
0x4b: {  	p3 =	sle.u32 s4, $0x3;
	_ =	swait.ge [sflag:s18], $0x4000  }
0x4c: {  	s1 =	simm.s32 @!p3 $0x0;
	s0 =	rddreg [dreg:$0x12]  }
0x4d: {  	s14 =	simm.s32 @!p3 $0x13C00;
	[sflag:s18] =	ssyncset.done $0x0;
	s3 =	sshrl.u32 @!p3 s0, $0x3  }
0x4e: {  	s24 =	rddreg [dreg:$0x3];
	[sflag:s18] =	ssyncadd.s32 $0xFFFFC000;
	s11 =	sadd.s32 @!p3 s6, s3  }
0x4f: {  	[tilespmem:s14], [sflag:$0x1] =	stream.linear.gather @!p3 [hbm4b:s11+s1], $0x80, $0x38;
	[tilespmem:$0x1FF00] =	vst v63  }
0x50: {  	p4 =	sle.u32 s24, $0x0;
	s3 =	sadd.s32 @!p3 s29, s3;
	s11 =	simm.s32 @!p3 $0x13D80  }
0x51: {  	[tilespmem:s11], [sflag:$0x4] =	stream.linear.gather @!p3 [hbm4b:s3+s1], $0x80, $0x38;
	[tilespmem:$0x1FF00] =	vst v63  }
0x52: {  	s1 =	simm.s32 @!p4 $0x3  }
0x53: {  	_ =	swait.ge @!p4 [sflag:s1], $0x80  }
0x54: {  	s7 =	simm.s32 @!p4 $0x80;
	[sflag:s1] =	ssyncset.done @!p4 $0x0  }
0x55: {  	s3 =	simm.s32 @!p4 $0x1BF00;
	s11 =	simm.s32 @!p4 $0x13D00;
	[sflag:s1] =	ssyncadd.s32 @!p4 $0xFFFFFF80  }
0x56: {  	[tilespmem:s3], [sflag:$0x9] =	stream.indirect.gather @!p4 [hbm4b:s5+s7], $0x80, s11, s7, $0xb8;
	[tilespmem:$0x1FF00] =	vst v63  }
0x57: {  	_ =	swait.ge [sflag:s19], $0x80  }
0x58: {  	[sflag:s19] =	ssyncset.done $0x0  }
0x59: {  	[sflag:s19] =	ssyncadd.s32 $0xFFFFFF80  }
0x5a: {  	_ =	swait.ge [sflag:s20], $0x4000  }
0x5b: {  	[sflag:s20] =	ssyncset.done $0x0  }
0x5c: {  	[sflag:s20] =	ssyncadd.s32 $0xFFFFC000  }
0x5d: {  	[spmem:s2] =	stream.indirect.scatter.add.f32 [tilespmem:s15], [sflag:$0xA], $0x80, s10, s12, $0xb8;
	[tilespmem:$0x1FF00] =	vst v63  }
0x5e: {  	p4 =	sle.u32 s4, $0x4;
	_ =	swait.ge [sflag:s18], $0x4000  }
0x5f: {  	s1 =	sadd.s32 @!p4 s6, s23;
	[sflag:s18] =	ssyncset.done $0x0  }
0x60: {  	s3 =	simm.s32 @!p4 $0x0;
	s30 =	simm.s32 @!p4 $0x13C80;
	[sflag:s18] =	ssyncadd.s32 $0xFFFFC000  }
0x61: {  	[tilespmem:s30], [sflag:$0x2] =	stream.linear.gather @!p4 [hbm4b:s1+s3], $0x80, $0x38;
	[tilespmem:$0x1FF00] =	vst v63  }
0x62: {  	s11 =	simm.s32 @!p3 $0x1;
	s7 =	sadd.s32 @!p4 s29, s23;
	s1 =	simm.s32 @!p4 $0x13E00  }
0x63: {  	[tilespmem:s1], [sflag:$0x5] =	stream.linear.gather @!p4 [hbm4b:s7+s3], $0x80, $0x38;
	[tilespmem:$0x1FF00] =	vst v63  }
0x64: {  	_ =	swait.ge @!p3 [sflag:s11], $0x80  }
0x65: {  	[sflag:s11] =	ssyncset.done @!p3 $0x0  }
0x66: {  	s1 =	simm.s32 @!p3 $0x80;
	s3 =	simm.s32 @!p3 $0x13F00;
	[sflag:s11] =	ssyncadd.s32 @!p3 $0xFFFFFF80  }
0x67: {  	[tilespmem:s3], [sflag:$0x7] =	stream.indirect.gather @!p3 [hbm4b:s5+s1], $0x80, s14, s1, $0xb8;
	[tilespmem:$0x1FF00] =	vst v63  }
0x68: {  	_ =	swait.ge [sflag:s21], $0x80  }
0x69: {  	[sflag:s21] =	ssyncset.done $0x0  }
0x6a: {  	[sflag:s21] =	ssyncadd.s32 $0xFFFFFF80  }
0x6b: {  	_ =	swait.ge [sflag:s31], $0x4000  }
0x6c: {  	[sflag:s31] =	ssyncset.done $0x0  }
0x6d: {  	s26 =	rddreg [dreg:$0x4];
	[sflag:s31] =	ssyncadd.s32 $0xFFFFC000  }
0x6e: {  	[spmem:s2] =	stream.indirect.scatter.add.f32 [tilespmem:s26], [sflag:$0xA], $0x80, s25, s12, $0xb8;
	[tilespmem:$0x1FF00] =	vst v63  }
0x6f: {  	p3 =	sle.u32 s4, $0x5;
	_ =	swait.ge [sflag:s18], $0x4000  }
0x70: {  	p5 =	sne.s32 s9, $0x3;
	s1 =	sadd.s32 @!p3 s6, s22;
	[sflag:s18] =	ssyncset.done $0x0  }
0x71: {  	s3 =	simm.s32 @!p3 $0x0;
	s7 =	simm.s32 @!p3 $0x13D00;
	[sflag:s18] =	ssyncadd.s32 $0xFFFFC000  }
0x72: {  	[tilespmem:s7], [sflag:$0x3] =	stream.linear.gather @!p3 [hbm4b:s1+s3], $0x80, $0x38;
	[tilespmem:$0x1FF00] =	vst v63  }
.Ltmp0:
0x73: {  	s28 =	sadd.s32 $0x180, s0;
	s24 =	simm.s32 @!p4 $0x17F00;
	(pc) =	sbr.rel @!p5 .LBB2_3-.Ltmp0, $4  }
0x74: {  	s10 =	simm.s32 $0x13E00;
	s1 =	simm.s32 @!p3 $0x13E80;
	s7 =	sadd.s32 @!p3 s29, s22  }
0x75: {  	[tilespmem:s1], [sflag:$0x6] =	stream.linear.gather @!p3 [hbm4b:s7+s3], $0x80, $0x38;
	[tilespmem:$0x1FF00] =	vst v63  }
0x76: {  	s14 =	simm.s32 @!p4 $0x80;
	s26 =	simm.s32 $0x3;
	s3 =	simm.s32 @!p4 $0x2  }
0x77: {  	s1 =	sadd.s32 $0x30, s6;
	s7 =	smov.u32 s29;
	_ =	swait.ge @!p4 [sflag:s3], $0x80  }
.LBB2_2:
0x78: {  	[sflag:s3] =	ssyncset.done @!p4 $0x0  }
0x79: {  	[sflag:s3] =	ssyncadd.s32 @!p4 $0xFFFFFF80  }
0x7a: {  	[tilespmem:s24], [sflag:$0x8] =	stream.indirect.gather @!p4 [hbm4b:s5+s14], $0x80, s30, s14, $0xb8;
	[tilespmem:$0x1FF00] =	vst v63  }
0x7b: {  	_ =	swait.ge [sflag:s16], $0x80  }
0x7c: {  	[sflag:s16] =	ssyncset.done $0x0  }
0x7d: {  	[sflag:s16] =	ssyncadd.s32 $0xFFFFFF80  }
0x7e: {  	_ =	swait.ge [sflag:s17], $0x4000  }
0x7f: {  	s11 =	smov.u32 s26;
	s26 =	sadd.s32 $0x3, s26;
	[sflag:s17] =	ssyncset.done $0x0  }
0x80: {  	p5 =	sge.u32 s26, s4;
	[sflag:s17] =	ssyncadd.s32 $0xFFFFC000  }
0x81: {  	[spmem:s2] =	stream.indirect.scatter.add.f32 [tilespmem:s13], [sflag:$0xA], $0x80, s8, s12, $0xb8;
	[tilespmem:$0x1FF00] =	vst v63  }
0x82: {  	s14 =	simm.s32 @!p5 $0x0;
	_ =	swait.ge [sflag:s18], $0x4000  }
0x83: {  	s24 =	sshrl.u32 @!p5 s28, $0x3;
	s3 =	simm.s32 @!p5 $0x13C00;
	[sflag:s18] =	ssyncset.done $0x0  }
0x84: {  	s25 =	sadd.s32 @!p5 s6, s24;
	s30 =	rddreg [dreg:$0x3];
	[sflag:s18] =	ssyncadd.s32 $0xFFFFC000  }
0x85: {  	[tilespmem:s3], [sflag:$0x1] =	stream.linear.gather @!p5 [hbm4b:s25+s14], $0x80, $0x38;
	[tilespmem:$0x1FF00] =	vst v63  }
0x86: {  	s24 =	sadd.s32 @!p5 s29, s24;
	p4 =	sge.u32 s11, s30;
	s25 =	simm.s32 @!p5 $0x13D80  }
0x87: {  	[tilespmem:s25], [sflag:$0x4] =	stream.linear.gather @!p5 [hbm4b:s24+s14], $0x80, $0x38;
	[tilespmem:$0x1FF00] =	vst v63  }
0x88: {  	s14 =	simm.s32 @!p4 $0x3  }
0x89: {  	_ =	swait.ge @!p4 [sflag:s14], $0x80  }
0x8a: {  	s30 =	simm.s32 @!p4 $0x13D00;
	[sflag:s14] =	ssyncset.done @!p4 $0x0  }
0x8b: {  	s24 =	simm.s32 @!p4 $0x1BF00;
	s25 =	simm.s32 @!p4 $0x80;
	[sflag:s14] =	ssyncadd.s32 @!p4 $0xFFFFFF80  }
0x8c: {  	[tilespmem:s24], [sflag:$0x9] =	stream.indirect.gather @!p4 [hbm4b:s5+s25], $0x80, s30, s25, $0xb8;
	[tilespmem:$0x1FF00] =	vst v63  }
0x8d: {  	_ =	swait.ge [sflag:s19], $0x80  }
0x8e: {  	[sflag:s19] =	ssyncset.done $0x0  }
0x8f: {  	[sflag:s19] =	ssyncadd.s32 $0xFFFFFF80  }
0x90: {  	_ =	swait.ge [sflag:s20], $0x4000  }
0x91: {  	[sflag:s20] =	ssyncset.done $0x0  }
0x92: {  	s0 =	sadd.s32 $0x4, s11;
	[sflag:s20] =	ssyncadd.s32 $0xFFFFC000  }
0x93: {  	[spmem:s2] =	stream.indirect.scatter.add.f32 [tilespmem:s15], [sflag:$0xA], $0x80, s10, s12, $0xb8;
	[tilespmem:$0x1FF00] =	vst v63  }
0x94: {  	p4 =	sge.u32 s0, s4;
	_ =	swait.ge [sflag:s18], $0x4000  }
0x95: {  	s7 =	sadd.s32 $0x30, s7;
	s14 =	sadd.s32 @!p4 s1, s23;
	[sflag:s18] =	ssyncset.done $0x0  }
0x96: {  	s25 =	simm.s32 @!p4 $0x0;
	s30 =	simm.s32 @!p4 $0x13C80;
	[sflag:s18] =	ssyncadd.s32 $0xFFFFC000  }
0x97: {  	[tilespmem:s30], [sflag:$0x2] =	stream.linear.gather @!p4 [hbm4b:s14+s25], $0x80, $0x38;
	[tilespmem:$0x1FF00] =	vst v63  }
0x98: {  	s8 =	simm.s32 @!p5 $0x1;
	s24 =	simm.s32 @!p4 $0x13E00;
	s0 =	sadd.s32 @!p4 s7, s23  }
0x99: {  	[tilespmem:s24], [sflag:$0x5] =	stream.linear.gather @!p4 [hbm4b:s0+s25], $0x80, $0x38;
	[tilespmem:$0x1FF00] =	vst v63  }
0x9a: {  	_ =	swait.ge @!p5 [sflag:s8], $0x80  }
0x9b: {  	[sflag:s8] =	ssyncset.done @!p5 $0x0  }
0x9c: {  	s0 =	simm.s32 @!p5 $0x80;
	s25 =	simm.s32 @!p5 $0x13F00;
	[sflag:s8] =	ssyncadd.s32 @!p5 $0xFFFFFF80  }
0x9d: {  	[tilespmem:s25], [sflag:$0x7] =	stream.indirect.gather @!p5 [hbm4b:s5+s0], $0x80, s3, s0, $0xb8;
	[tilespmem:$0x1FF00] =	vst v63  }
0x9e: {  	_ =	swait.ge [sflag:s21], $0x80  }
0x9f: {  	[sflag:s21] =	ssyncset.done $0x0  }
0xa0: {  	[sflag:s21] =	ssyncadd.s32 $0xFFFFFF80  }
0xa1: {  	p3 =	sne.s32 s9, s26;
	s28 =	sadd.s32 $0x180, s28;
	_ =	swait.ge [sflag:s31], $0x4000  }
0xa2: {  	s11 =	sadd.s32 $0x5, s11;
	s14 =	simm.s32 @!p4 $0x80;
	[sflag:s31] =	ssyncset.done $0x0  }
0xa3: {  	s25 =	simm.s32 $0x13E80;
	s8 =	rddreg [dreg:$0x4];
	[sflag:s31] =	ssyncadd.s32 $0xFFFFC000  }
0xa4: {  	[spmem:s2] =	stream.indirect.scatter.add.f32 [tilespmem:s8], [sflag:$0xA], $0x80, s25, s12, $0xb8;
	[tilespmem:$0x1FF00] =	vst v63  }
0xa5: {  	s24 =	simm.s32 @!p4 $0x17F00;
	p5 =	sge.u32 s11, s4;
	_ =	swait.ge [sflag:s18], $0x4000  }
0xa6: {  	s0 =	sadd.s32 @!p5 s1, s22;
	s11 =	simm.s32 @!p5 $0x0;
	[sflag:s18] =	ssyncset.done $0x0  }
.Ltmp1:
0xa7: {  	s3 =	simm.s32 @!p5 $0x13D00;
	[sflag:s18] =	ssyncadd.s32 $0xFFFFC000;
	(pc) =	sbr.rel @p3 .LBB2_2-.Ltmp1, $4  }
0xa8: {  	[tilespmem:s3], [sflag:$0x3] =	stream.linear.gather @!p5 [hbm4b:s0+s11], $0x80, $0x38;
	[tilespmem:$0x1FF00] =	vst v63  }
0xa9: {  	s8 =	simm.s32 @!p5 $0x13E80;
	s0 =	sadd.s32 @!p5 s7, s22;
	s3 =	simm.s32 @!p4 $0x2  }
0xaa: {  	[tilespmem:s8], [sflag:$0x6] =	stream.linear.gather @!p5 [hbm4b:s0+s11], $0x80, $0x38;
	[tilespmem:$0x1FF00] =	vst v63  }
0xab: {  	s1 =	sadd.s32 $0x30, s1;
	s8 =	simm.s32 $0x13D80;
	_ =	swait.ge @!p4 [sflag:s3], $0x80  }
.LBB2_3:
0xac: {  	[sflag:s3] =	ssyncset.done @!p4 $0x0  }
0xad: {  	s0 =	simm.s32 @!p0 $0x4;
	[sflag:s3] =	ssyncadd.s32 @!p4 $0xFFFFFF80  }
0xae: {  	[tilespmem:s24], [sflag:$0x8] =	stream.indirect.gather @!p4 [hbm4b:s5+s14], $0x80, s30, s14, $0xb8;
	[tilespmem:$0x1FF00] =	vst v63  }
0xaf: {  	_ =	swait.ge @!p0 [sflag:s0], $0x80  }
0xb0: {  	[sflag:s0] =	ssyncset.done @!p0 $0x0  }
0xb1: {  	[sflag:s0] =	ssyncadd.s32 @!p0 $0xFFFFFF80;
	s0 =	simm.s32 @!p0 $0x7  }
0xb2: {  	_ =	swait.ge @!p0 [sflag:s0], $0x4000  }
0xb3: {  	s1 =	simm.s32 @!p0 $0x13D80;
	[sflag:s0] =	ssyncset.done @!p0 $0x0  }
0xb4: {  	s3 =	simm.s32 @!p0 $0x13F00;
	[sflag:s0] =	ssyncadd.s32 @!p0 $0xFFFFC000;
	s0 =	simm.s32 @!p0 $0x80  }
0xb5: {  	[spmem:s2] =	stream.indirect.scatter.add.f32 @!p0 [tilespmem:s3], [sflag:$0xA], $0x80, s1, s0, $0xb8;
	[tilespmem:$0x1FF00] =	vst v63  }
0xb6: {  	s0 =	simm.s32 @!p0 $0xA  }
0xb7: {  	_ =	swait.ge @!p0 [sflag:s0], $0x4000  }
0xb8: {  	[sflag:s0] =	ssyncset.done @!p0 $0x0  }
0xb9: {  	[sflag:s0] =	ssyncadd.s32 @!p0 $0xFFFFC000  }
0xba: {  	s26 =	stileid.u32;
	[bflag:$0x0] =	sbarrier.arrive $0xFFFF  }
0xbb: {  	s0 =	sshll.u32 s26, $0x6;
	s28 =	rddreg [dreg:$0x6]  }
0xbc: {  	s0 =	sor.u32 $0x1C0A, s0;
	s30 =	rddreg [dreg:$0x13]  }
0xbd: {  	[hbm:s28], [sflag:s0] =	dma.local [spmem:s30], $0x800  }
0xbe: {  	_ =	swait.ge [sflag:s18], $0x800  }
0xbf: {  	[sflag:s18] =	ssyncset.done $0x0;
	s7 =	rddreg [dreg:$0x7]  }
0xc0: {  	s10 =	rddreg [dreg:$0x14];
	[sflag:s18] =	ssyncadd.s32 $0xFFFFF800  }
0xc1: {  	[hbm:s7], [sflag:s0] =	dma.local [spmem:s10], $0x800  }
0xc2: {  	_ =	swait.ge [sflag:s18], $0x800  }
0xc3: {  	[sflag:s18] =	ssyncset.done $0x0;
	s11 =	rddreg [dreg:$0x8]  }
0xc4: {  	s14 =	rddreg [dreg:$0x15];
	[sflag:s18] =	ssyncadd.s32 $0xFFFFF800  }
0xc5: {  	[hbm:s11], [sflag:s0] =	dma.local [spmem:s14], $0x800  }
0xc6: {  	_ =	swait.ge [sflag:s18], $0x800  }
0xc7: {  	[sflag:s18] =	ssyncset.done $0x0;
	s24 =	rddreg [dreg:$0x9]  }
0xc8: {  	s26 =	rddreg [dreg:$0x16];
	[sflag:s18] =	ssyncadd.s32 $0xFFFFF800  }
0xc9: {  	[hbm:s24], [sflag:s0] =	dma.local [spmem:s26], $0x800  }
0xca: {  	_ =	swait.ge [sflag:s18], $0x800  }
0xcb: {  	[sflag:s18] =	ssyncset.done $0x0;
	s1 =	rddreg [dreg:$0xa]  }
0xcc: {  	s3 =	rddreg [dreg:$0x17];
	[sflag:s18] =	ssyncadd.s32 $0xFFFFF800  }
0xcd: {  	[hbm:s1], [sflag:s0] =	dma.local @!p2 [spmem:s3], $0x800  }
0xce: {  	s0 =	simm.s32 @!p2 $0xA  }
0xcf: {  	_ =	swait.ge @!p2 [sflag:s0], $0x800  }
0xd0: {  	s28 =	rddreg [dreg:$0x18]  }
0xd1: {  	s30 =	rddreg [dreg:$0x11];
	s3 =	sadd.s32 $0x1, s28  }
0xd2: {  	p3 =	sne.s32 s3, s30  }
.Ltmp2:
0xd3: {  	_ = 	snop;
	(pc) =	sbr.rel @p3 .LBB2_1-.Ltmp2, $3  }
0xd4: {  	_ =	sdelay $0x1  }
0xd5: {  	[sflag:s0] =	ssyncset.done @!p2 $0x0  }
0xd6: {  	s10 =	simm.s32 $0x13E00;
	[sflag:s0] =	ssyncadd.s32 @!p2 $0xFFFFF800  }
0xd7: {  	_ =	sfence.sel $0x180000  }
0xd8: {  	[bflag:$0x0] =	sbarrier.arrive $0xFFFF  }
0xd9: {  	_ =	strace $0x9000004A  }
0xda: {  	[bflag:$0x2] =	sbarrier.arrive $0xFFFF  }
0xdb: {  	s0 =	rddreg [dreg:$0x2]  }
0xdc: {  	s0 =	sadd.s32 @!p1 $0x100000, s0  }
0xdd: {  	[sflag:s0] =	ssyncadd.tile.s32 @!p1 $0x1;
	_ =	shalt  }
.Lfunc_end2:
_tile_overlayer_lowered:
.L_overlay_start_2:
0xde: {  	(tag) =	ssettag $0x2  }
0xdf: {  	s0 =	rddreg [dreg:$0x0];
	s2 =	stileid.u32  }
0xe0: {  	s1 =	rddreg [dreg:$0x1];
	p0 =	sne.s32 s2, $0x0  }
0xe1: {  	s3 =	rddreg [dreg:$0x2];
	[bflag:$0x3] =	sbarrier.arrive $0xFFFF;
	s2 =	simm.s32 @!p0 $0x1C0A  }
0xe2: {  	[timem:s3], [sflag:s2] =	dma.local @!p0 [hbm:s0], s1  }
0xe3: {  	s0 =	simm.s32 @!p0 $0xA  }
0xe4: {  	_ =	swait.ge @!p0 [sflag:s0], s1  }
0xe5: {  	s1 =	ssub.s32 @!p0 $0x0, s1;
	[sflag:s0] =	ssyncset.done @!p0 $0x0  }
0xe6: {  	[sflag:s0] =	ssyncadd.s32 @!p0 s1  }
0xe7: {  	[bflag:$0x3] =	sbarrier.arrive $0xFFFF  }
0xe8: {  	_ =	shalt  }

// kernel: kernel.14.cloned.1.call-start
scs
__scs_entry_jumppad:
0x0: {  	(pc) =	sbr.rel $0x88, $3  }
0x1: {  	(tag) =	ssettag $0x0;
	lr =	simm.s32 $0x1  }
0x2: {  	[smem:$0x3F96] =	sst lr;
	_ =	strace $0xD0000000  }
0x3: {  	_ = 	snop  }
0x4: {  	_ = 	snop  }
0x5: {  	_ = 	snop  }
0x6: {  	_ = 	snop  }
0x7: {  	_ = 	snop  }
__scs_overlays_trampoline_lowered:
0x8: {  	[smem:$0x3FA5] =	sst s0  }
0x9: {  	[smem:$0x3FA6] =	sst s1  }
0xa: {  	[smem:$0x3FA7] =	sst s2  }
0xb: {  	[smem:$0x3FA8] =	sst s3  }
0xc: {  	[smem:$0x3FA9] =	sst s4  }
0xd: {  	[smem:$0x3FAA] =	sst s5  }
0xe: {  	[smem:$0x3FAB] =	sst s6  }
0xf: {  	[smem:$0x3FAC] =	sst s7  }
0x10: {  	[smem:$0x3FAD] =	sst s8  }
0x11: {  	[smem:$0x3FAE] =	sst s9;
	s0 =	simm.s32 @!p0 $0x0  }
0x12: {  	s1 =	sld [smem:$0x3F94];
	s0 =	simm.s32 @p0 $0x1  }
0x13: {  	[smem:$0x3FAF] =	sst s0;
	s0 =	simm.s32 @!p1 $0x0  }
0x14: {  	s2 =	sld [smem:$0x3F93];
	s0 =	simm.s32 @p1 $0x1  }
0x15: {  	[smem:$0x3FB0] =	sst s0;
	s0 =	simm.s32 @!p2 $0x0  }
0x16: {  	s3 =	sld [smem:$0x3FDB];
	s0 =	simm.s32 @p2 $0x1  }
0x17: {  	s4 =	simm.s32 $0x1BF5;
	[smem:$0x3FB2] =	sst s0  }
0x18: {  	s0 =	sld [smem:$0x3F95];
	_ =	swait.ge [sflag:s4], $0x0  }
0x19: {  	s7 =	sld [smem:$0x3F96]  }
0x1a: {  	s8 =	sadd.s32 $0xFFFFE003, lr  }
0x1b: {  	s9 =	sadd.s32 $0xFFFFFEF7, lr;
	s5 =	simm.s32 $0xFFFFFFFF;
	p2 =	slt.u32 s8, $0xFFFFF086  }
0x1c: {  	p1 =	slt.u32 s9, $0xF7A;
	s5 =	simm.s32 @!p2 $0x0  }
0x1d: {  	s5 =	simm.s32 @p1 $0x1;
	p0 =	seq.s32 s7, s2  }
0x1e: {  	s7 =	smul.u32 @!p0 $0xF7A, s2;
	p2 =	seq.s32 @!p0 s5, $0x0  }
0x1f: {  	s9 =	smul.u32 $0xF7A, s1;
	s8 =	simm.s32 @!p0 $0x1BF5;
	p2 =	por !p2, p0  }
0x20: {  	[sflag:s8] =	ssyncset.s32 @!p0 $0xFFFFF086;
	s6 =	sadd.s32 @!p0 s3, s7;
	s7 =	simm.s32 @!p0 $0x108  }
0x21: {  	s3 =	sadd.s32 s3, s9;
	s6 =	sadd.s32 @!p0 $0x88, s6;
	s7 =	simm.s32 @p2 $0x1082  }
0x22: {  	[simem:s7], [sflag:s8] =	dma.local @!p0 [hbm:s6], $0xF7A  }
0x23: {  	s9 =	sor.u32 $0xD0000000, s2;
	s6 =	simm.s32 $0x108;
	_ =	swait.ge @!p0 [sflag:s8], $0x0  }
0x24: {  	s3 =	sadd.s32 $0x88, s3;
	s6 =	simm.s32 @!p1 $0x1082;
	[sflag:s4] =	ssyncset.s32 $0xFFFFF086  }
0x25: {  	[simem:s6], [sflag:s4] =	dma.local [hbm:s3], $0xF7A  }
0x26: {  	[smem:$0x3F96] =	sst s1;
	(tag) =	ssettag s2;
	_ =	strace s9  }
0x27: {  	s1 =	sld [smem:$0x3FA6]  }
0x28: {  	s2 =	sld [smem:$0x3FA7]  }
0x29: {  	s4 =	sld [smem:$0x3FA9]  }
0x2a: {  	p0 =	seq.s32 s5, $0x0;
	s5 =	sld [smem:$0x3FAA]  }
0x2b: {  	s6 =	sld [smem:$0x3FAB]  }
0x2c: {  	s7 =	sld [smem:$0x3FAC]  }
0x2d: {  	s3 =	simm.s32 $0x108;
	s8 =	sld [smem:$0x3FAD]  }
0x2e: {  	s3 =	simm.s32 @!p0 $0x1082;
	s9 =	sld [smem:$0x3FAE]  }
0x2f: {  	lr =	sadd.s32 s0, s3;
	s0 =	sld [smem:$0x3FA5]  }
0x30: {  	s3 =	sld [smem:$0x3FA8]  }
0x31: {  	[smem:$0x3FB1] =	sst s10  }
0x32: {  	s10 =	sld [smem:$0x3FAF];
	_ =	sdelay $0x3  }
0x33: {  	p0 =	seq.s32 s10, $0x1;
	s10 =	sld [smem:$0x3FB1];
	_ =	sdelay $0x3  }
0x34: {  	[smem:$0x3FB1] =	sst s10  }
0x35: {  	s10 =	sld [smem:$0x3FB0];
	_ =	sdelay $0x3  }
0x36: {  	p1 =	seq.s32 s10, $0x1;
	s10 =	sld [smem:$0x3FB1];
	_ =	sdelay $0x3  }
0x37: {  	[smem:$0x3FB1] =	sst s10  }
0x38: {  	s10 =	sld [smem:$0x3FB2]  }
0x39: {  	_ = 	snop;
	(pc) =	sbr.ind lr, $3  }
0x3a: {  	_ = 	snop  }
0x3b: {  	_ = 	snop  }
0x3c: {  	p2 =	seq.s32 s10, $0x1;
	s10 =	sld [smem:$0x3FB1]  }
0x3d: {  	_ =	shalt  }
0x3e: {  	_ =	shalt  }
0x3f: {  	_ =	shalt  }
0x40: {  	_ =	shalt  }
0x41: {  	_ =	shalt  }
0x42: {  	_ =	shalt  }
0x43: {  	_ =	shalt  }
0x44: {  	_ =	shalt  }
0x45: {  	_ =	shalt  }
0x46: {  	_ =	shalt  }
0x47: {  	_ =	shalt  }
0x48: {  	_ =	shalt  }
0x49: {  	_ =	shalt  }
0x4a: {  	_ =	shalt  }
0x4b: {  	_ =	shalt  }
0x4c: {  	_ =	shalt  }
0x4d: {  	_ =	shalt  }
0x4e: {  	_ =	shalt  }
0x4f: {  	_ =	shalt  }
0x50: {  	_ =	shalt  }
0x51: {  	_ =	shalt  }
0x52: {  	_ =	shalt  }
0x53: {  	_ =	shalt  }
0x54: {  	_ =	shalt  }
0x55: {  	_ =	shalt  }
0x56: {  	_ =	shalt  }
0x57: {  	_ =	shalt  }
0x58: {  	_ =	shalt  }
0x59: {  	_ =	shalt  }
0x5a: {  	_ =	shalt  }
0x5b: {  	_ =	shalt  }
0x5c: {  	_ =	shalt  }
0x5d: {  	_ =	shalt  }
0x5e: {  	_ =	shalt  }
0x5f: {  	_ =	shalt  }
0x60: {  	_ =	shalt  }
0x61: {  	_ =	shalt  }
0x62: {  	_ =	shalt  }
0x63: {  	_ =	shalt  }
0x64: {  	_ =	shalt  }
0x65: {  	_ =	shalt  }
0x66: {  	_ =	shalt  }
0x67: {  	_ =	shalt  }
0x68: {  	_ =	shalt  }
0x69: {  	_ =	shalt  }
0x6a: {  	_ =	shalt  }
0x6b: {  	_ =	shalt  }
0x6c: {  	_ =	shalt  }
0x6d: {  	_ =	shalt  }
0x6e: {  	_ =	shalt  }
0x6f: {  	_ =	shalt  }
0x70: {  	_ =	shalt  }
0x71: {  	_ =	shalt  }
0x72: {  	_ =	shalt  }
0x73: {  	_ =	shalt  }
0x74: {  	_ =	shalt  }
0x75: {  	_ =	shalt  }
0x76: {  	_ =	shalt  }
0x77: {  	_ =	shalt  }
0x78: {  	_ =	shalt  }
0x79: {  	_ =	shalt  }
0x7a: {  	_ =	shalt  }
0x7b: {  	_ =	shalt  }
0x7c: {  	_ =	shalt  }
0x7d: {  	_ =	shalt  }
0x7e: {  	_ =	shalt  }
0x7f: {  	_ =	shalt  }
0x80: {  	_ =	shalt  }
0x81: {  	_ =	shalt  }
0x82: {  	_ =	shalt  }
0x83: {  	_ =	shalt  }
0x84: {  	_ =	shalt  }
0x85: {  	_ =	shalt  }
0x86: {  	_ =	shalt  }
0x87: {  	_ =	shalt  }
.Lfunc_end0:
.L_simem_size_0:
called_computation.2_lowered:
.L_overlay_start_0:
0x88: {  	s2 =	sld [smem:$0x3FD9]  }
0x89: {  	s3 =	sld [smem:$0x3FFE];
	_ =	sdelay $0x1  }
0x8a: {  	s1 =	srdreg.scid  }
0x8b: {  	s0 =	sand.u32 $0x1, s1  }
0x8c: {  	s16 =	sshll.u32 s0, $0xA;
	s2 =	sadd.s32 s3, s2  }
0x8d: {  	s2 =	sadd.s32 s2, s16  }
0x8e: {  	[smem:$0x3FBD] =	sst s2  }
0x8f: {  	_ = 	snop  }
0x90: {  	(tm) =	ssettm $0x1  }
0x91: {  	s17 =	sld [smem:$0x3FFB];
	_ =	sdelay $0x3  }
0x92: {  	_ =	strace s17  }
0x93: {  	s2 =	sld [smem:$0x3FFC];
	_ =	sdelay $0x3  }
0x94: {  	_ =	strace s2  }
0x95: {  	s2 =	sld [smem:$0x3FFD];
	_ =	sdelay $0x3  }
0x96: {  	_ =	strace s2  }
0x97: {  	_ =	strace $0x8FFFFFFF  }
0x98: {  	s18 =	sld [smem:$0x3FDB];
	_ =	sdelay $0x1  }
0x99: {  	s19 =	simm.s32 $_scs_section_size  }
0x9a: {  	s4 =	simm.s32 $_size__tile_overlayer_lowered;
	s5 =	simm.s32 $_tile_overlayer_lowered  }
0x9b: {  	s22 =	simm.s32 $0x1BFF;
	s21 =	sshll.u32 s5, $0x1;
	s2 =	sadd.s32 s19, s18  }
0x9c: {  	s6 =	simm.s32 $0x0;
	s20 =	sshll.u32 s4, $0x1;
	s4 =	sadd.s32 s21, s2  }
0x9d: {  	[timem:s6], [sflag:s22] =	dma.local [hbm:s4], s20  }
0x9e: {  	_ =	swait.ge [sflag:s22], s20  }
0x9f: {  	s3 =	ssub.s32 $0x0, s20;
	[sflag:s22] =	ssyncset.done $0x0  }
0xa0: {  	[sflag:s22] =	ssyncadd.s32 s3;
	_ =	sdelay $0x1  }
0xa1: {  	s23 =	simm.s32 $0x1B8B  }
0xa2: {  	_ =	swait.ge [sflag:s23], $0x1  }
0xa3: {  	[sflag:s23] =	ssyncset.done $0x0  }
0xa4: {  	s25 =	simm.s32 $0x1B8E;
	s24 =	sld [smem:$0x3FFE];
	[sflag:s23] =	ssyncadd.s32 $0xFFFFFFFF  }
0xa5: {  	s26 =	simm.s32 $execute0_lowered;
	[smem:$0x3FD2] =	sst s25  }
0xa6: {  	s4 =	sshll.u32 s26, $0x1;
	_ =	strace $0x8000004C;
	[dreg:$0x1] =	wrdreg $0xFFFFFFFF  }
0xa7: {  	s28 =	simm.s32 $_size_execute0_lowered;
	s2 =	sadd.s32 s2, s4;
	[dreg:$0x0] =	wrdreg $0x0  }
0xa8: {  	s4 =	sshll.u32 s28, $0x1;
	[dreg:$0x2] =	wrdreg s2  }
0xa9: {  	[dreg:$0x3] =	wrdreg s4  }
0xaa: {  	[dreg:$0x4] =	wrdreg $0xC0  }
0xab: {  	_ =	task [dreg:s6], $0x5FFFF  }
0xac: {  	[dreg:$0x1] =	wrdreg $0xFFFFFFFF  }
0xad: {  	[dreg:$0x0] =	wrdreg $0x60  }
0xae: {  	[dreg:$0x2] =	wrdreg s24  }
0xaf: {  	[dreg:$0x3] =	wrdreg $0x0  }
0xb0: {  	[dreg:$0x4] =	wrdreg $0x9  }
0xb1: {  	_ =	task.clear_ibuf [dreg:s6], $0x5FFFF;
	_ =	strace $0x9000004C  }
0xb2: {  	s29 =	simm.s32 $0x9;
	_ =	strace $0x8000004E  }
0xb3: {  	_ =	swait.ge [sflag:s29], $0x1  }
0xb4: {  	[sflag:s29] =	ssyncadd.s32 $0xFFFFFFFF  }
0xb5: {  	_ =	strace $0x9000004E  }
0xb6: {  	_ =	sfence  }
0xb7: {  	s30 =	sld [smem:$0x0];
	_ =	sdelay $0x2  }
0xb8: {  	s31 =	sshll.u32 s1, $0xD;
	s1 =	sshrl.u32 s1, $0x2  }
0xb9: {  	s3 =	sand.u32 $0x4000, s31;
	s1 =	sadd.s32 s1, s30  }
0xba: {  	s0 =	sor.u32 s3, s0;
	s1 =	sshll.u32 s1, $0x11  }
0xbb: {  	s0 =	sor.u32 s1, s0  }
0xbc: {  	s0 =	sadd.s32 $0x8F2B, s0  }
0xbd: {  	[sflag:s0] =	ssyncadd.remote.s32 $0x1  }
0xbe: {  	_ =	sfence.sel $0xFFFF  }
0xbf: {  	[dreg:$0x0] =	wrdreg $0xFFFFFFFF;
	(pc) =	sbr.abs _section_cstart, $3  }
0xc0: {  	[dreg:$0x1] =	wrdreg $0xFFFFFFFF  }
0xc1: {  	_ =	task.clear_ibuf [dreg:s6], $0x2FFFF;
	_ =	strace $0x9FFFFFFF  }
0xc2: {  	(tm) =	ssettm $0x7FFFFFFF  }
0xc3: {  	_ =	shalt  }
tec
execute0_lowered:
.L_overlay_start_1:
0x0: {  	(tag) =	ssettag $0x1  }
0x1: {  	s0 =	rddreg [dreg:$0x0];
	s1 =	srdreg.scid  }
0x2: {  	s18 =	stileid.u32;
	s2 =	rddreg [dreg:$0x1];
	s5 =	simm.s32 $0x0  }
0x3: {  	s4 =	simm.s32 $0x33;
	s24 =	simm.s32 $0x1BF00;
	s31 =	simm.s32 $0x9  }
0x4: {  	s1 =	sand.u32 $0x1, s1;
	s3 =	sshll.u32 s18, $0x1;
	[smem:$0x7FF] =	sst s5  }
0x5: {  	s5 =	sadd.s32 $0x16200, s0;
	s6 =	sadd.s32 $0x2600, s0;
	s29 =	sadd.s32 $0xC400, s0  }
0x6: {  	s8 =	sadd.s32 $0x3DA00, s0;
	s0 =	sadd.s32 $0x65200, s0;
	p1 =	sne.s32 s18, $0x0  }
0x7: {  	p2 =	seq.s32 s18, $0xF;
	s3 =	sor.u32 s1, s3;
	s17 =	smul.u32 $0x13C000, s1  }
0x8: {  	_ =	strace $0x8000004D;
	s16 =	ssub.s32 $0x2, s1;
	s1 =	smul.u32 $0x2780, s1  }
0x9: {  	[dreg:$0x5] =	wrdreg s8;
	p0 =	seq.s32 s3, $0x1F;
	s3 =	smul.u32 $0x2780, s3  }
0xa: {  	[dreg:$0x4] =	wrdreg s24;
	s10 =	sshrl.u32 s16, $0x1;
	s4 =	simm.s32 @!p0 $0x4F  }
0xb: {  	s7 =	smul.u32 $0x56, s4;
	s3 =	sshrl.u32 s3, $0x3;
	s23 =	sadd.s32 $0xFFFFFFFE, s4  }
0xc: {  	[dreg:$0x3] =	wrdreg s23;
	s25 =	sadd.s32 $0x10, s3;
	s28 =	sadd.s32 s6, s3  }
0xd: {  	s7 =	sshrl.u32 s7, $0x8;
	[dreg:$0xb] =	wrdreg s28;
	s30 =	sadd.s32 s6, s25  }
0xe: {  	s9 =	smul.u32 $0x3, s7;
	s7 =	ssub.s32 s16, s10;
	s10 =	sshll.u32 s18, $0xE  }
0xf: {  	[dreg:$0xc] =	wrdreg s30;
	s12 =	sor.u32 $0x40000, s10;
	s13 =	sadd.s32 s10, s17  }
0x10: {  	s15 =	sor.u32 $0x80000, s10;
	s21 =	sor.u32 $0xC0000, s10;
	s7 =	smax.u32 s7, $0x1  }
0x11: {  	s11 =	ssub.s32 s4, s9;
	s14 =	sadd.s32 s17, s12;
	s13 =	sshrl.u32 s13, $0x3  }
0x12: {  	s16 =	sadd.s32 s17, s15;
	s22 =	sadd.s32 s17, s21;
	s21 =	sadd.s32 s21, s2  }
0x13: {  	[dreg:$0x11] =	wrdreg s7;
	s14 =	sshrl.u32 s14, $0x3;
	s13 =	sadd.s32 s0, s13  }
0x14: {  	s20 =	sshrl.u32 s16, $0x3;
	s16 =	sshrl.u32 s22, $0x3;
	s26 =	sand.u32 $0xFF, s11  }
0x15: {  	s11 =	sadd.s32 s29, s3;
	s30 =	sshrl.u32 s21, $0x3;
	[dreg:$0x6] =	wrdreg s13  }
0x16: {  	s21 =	simm.s32 $0x6;
	s19 =	sadd.s32 s0, s14;
	[dreg:$0xe] =	wrdreg s11  }
0x17: {  	s13 =	sadd.s32 s0, s20;
	s14 =	sor.u32 $0x100000, s10;
	[dreg:$0x16] =	wrdreg s30  }
0x18: {  	s16 =	sadd.s32 s0, s16;
	p0 =	sne.s32 s26, $0x1;
	[dreg:$0x7] =	wrdreg s19  }
0x19: {  	s20 =	sadd.s32 s15, s2;
	s15 =	simm.s32 $0x17F00;
	[dreg:$0x8] =	wrdreg s13  }
0x1a: {  	s8 =	sadd.s32 s17, s14;
	s17 =	smul.u32 $0x4F00, s18;
	[dreg:$0x9] =	wrdreg s16  }
0x1b: {  	s16 =	sadd.s32 $0x20, s3;
	s19 =	sadd.s32 s12, s2;
	s11 =	sadd.s32 s14, s2  }
0x1c: {  	s28 =	sshrl.u32 s20, $0x3;
	s12 =	simm.s32 $0x80;
	s13 =	simm.s32 $0x13F00  }
0x1d: {  	s18 =	simm.s32 $0xA;
	s3 =	sadd.s32 s6, s16;
	[dreg:$0x15] =	wrdreg s28  }
0x1e: {  	s8 =	sshrl.u32 s8, $0x3;
	s26 =	sshrl.u32 s19, $0x3;
	[dreg:$0xf] =	wrdreg s3  }
0x1f: {  	s20 =	simm.s32 $0x8;
	s0 =	sadd.s32 s0, s8;
	[dreg:$0x14] =	wrdreg s26  }
0x20: {  	s19 =	simm.s32 $0x5;
	s8 =	sadd.s32 s29, s25;
	[dreg:$0xa] =	wrdreg s0  }
0x21: {  	s3 =	simm.s32 $0x0;
	s0 =	sadd.s32 s1, s17;
	[dreg:$0xd] =	wrdreg s8  }
0x22: {  	s1 =	sadd.s32 s29, s16;
	s17 =	sadd.s32 s10, s2;
	s8 =	simm.s32 $0x13D80  }
0x23: {  	s10 =	simm.s32 $0x13E00;
	s16 =	simm.s32 $0x4;
	[dreg:$0x10] =	wrdreg s1  }
0x24: {  	s23 =	sadd.s32 $0x280, s0;
	s24 =	sadd.s32 $0x200, s0;
	s0 =	sadd.s32 $0x180, s0  }
0x25: {  	s25 =	sshrl.u32 s17, $0x3;
	s17 =	simm.s32 $0x7;
	[dreg:$0x12] =	wrdreg s0  }
0x26: {  	s22 =	sshrl.u32 s23, $0x3;
	[dreg:$0x13] =	wrdreg s25;
	s0 =	sshrl.u32 @!p2 s11, $0x3  }
0x27: {  	s23 =	sshrl.u32 s24, $0x3;
	s25 =	simm.s32 $0x13E80;
	[dreg:$0x17] =	wrdreg s0  }
.LBB2_1:
0x28: {  	[dreg:$0x18] =	wrdreg s3  }
0x29: {  	s1 =	sshrl.u32 @!p1 s2, $0x3;
	s3 =	simm.s32 @!p1 $0x1C0A;
	s0 =	rddreg [dreg:$0x5]  }
0x2a: {  	[spmem:s1], [sflag:s3] =	dma.local @!p1 [hbm:s0], $0x27800  }
0x2b: {  	s1 =	simm.s32 @!p1 $0xA  }
0x2c: {  	_ =	swait.ge @!p1 [sflag:s1], $0x27800  }
0x2d: {  	[sflag:s1] =	ssyncset.done @!p1 $0x0  }
0x2e: {  	[sflag:s1] =	ssyncadd.s32 @!p1 $0xFFFD8800  }
0x2f: {  	[bflag:$0x0] =	sbarrier.arrive $0xFFFF  }
0x30: {  	s0 =	simm.s32 $0x0;
	s3 =	simm.s32 $0x13C00;
	s26 =	rddreg [dreg:$0xb]  }
0x31: {  	[tilespmem:s3], [sflag:$0x1] =	stream.linear.gather [hbm4b:s26+s0], $0x80, $0x38;
	[tilespmem:$0x1FF00] =	vst v63  }
0x32: {  	s7 =	rddreg [dreg:$0xe]  }
0x33: {  	[tilespmem:s8], [sflag:$0x4] =	stream.linear.gather [hbm4b:s7+s0], $0x80, $0x38;
	[tilespmem:$0x1FF00] =	vst v63  }
0x34: {  	s11 =	rddreg [dreg:$0xc];
	s7 =	simm.s32 $0x13C80  }
0x35: {  	[tilespmem:s7], [sflag:$0x2] =	stream.linear.gather [hbm4b:s11+s0], $0x80, $0x38;
	[tilespmem:$0x1FF00] =	vst v63  }
0x36: {  	s14 =	rddreg [dreg:$0xd]  }
0x37: {  	[tilespmem:s10], [sflag:$0x5] =	stream.linear.gather [hbm4b:s14+s0], $0x80, $0x38;
	[tilespmem:$0x1FF00] =	vst v63  }
0x38: {  	s24 =	rddreg [dreg:$0xf];
	s11 =	simm.s32 $0x13D00  }
0x39: {  	[tilespmem:s11], [sflag:$0x3] =	stream.linear.gather [hbm4b:s24+s0], $0x80, $0x38;
	[tilespmem:$0x1FF00] =	vst v63  }
0x3a: {  	s26 =	rddreg [dreg:$0x10];
	s11 =	simm.s32 $0x1  }
0x3b: {  	[tilespmem:s25], [sflag:$0x6] =	stream.linear.gather [hbm4b:s26+s0], $0x80, $0x38;
	[tilespmem:$0x1FF00] =	vst v63  }
0x3c: {  	_ =	swait.ge [sflag:s11], $0x80  }
0x3d: {  	[sflag:s11] =	ssyncset.done $0x0  }
0x3e: {  	s14 =	simm.s32 $0x2;
	[sflag:s11] =	ssyncadd.s32 $0xFFFFFF80  }
0x3f: {  	[tilespmem:s13], [sflag:$0x7] =	stream.indirect.gather [hbm4b:s5+s12], $0x80, s3, s12, $0xb8;
	[tilespmem:$0x1FF00] =	vst v63  }
0x40: {  	_ =	swait.ge [sflag:s14], $0x80  }
0x41: {  	[sflag:s14] =	ssyncset.done $0x0  }
0x42: {  	[sflag:s14] =	ssyncadd.s32 $0xFFFFFF80  }
0x43: {  	[tilespmem:s15], [sflag:$0x8] =	stream.indirect.gather [hbm4b:s5+s12], $0x80, s7, s12, $0xb8;
	[tilespmem:$0x1FF00] =	vst v63  }
0x44: {  	_ =	swait.ge [sflag:s16], $0x80  }
0x45: {  	[sflag:s16] =	ssyncset.done $0x0  }
0x46: {  	[sflag:s16] =	ssyncadd.s32 $0xFFFFFF80  }
0x47: {  	_ =	swait.ge [sflag:s17], $0x4000  }
0x48: {  	[sflag:s17] =	ssyncset.done $0x0  }
0x49: {  	[sflag:s17] =	ssyncadd.s32 $0xFFFFC000  }
0x4a: {  	[spmem:s2] =	stream.indirect.scatter.add.f32 [tilespmem:s13], [sflag:$0xA], $0x80, s8, s12, $0xb8;
	[tilespmem:$0x1FF00] =	vst v63  }
0x4b: {  	p3 =	sle.u32 s4, $0x3;
	_ =	swait.ge [sflag:s18], $0x4000  }
0x4c: {  	s1 =	simm.s32 @!p3 $0x0;
	s0 =	rddreg [dreg:$0x12]  }
0x4d: {  	s14 =	simm.s32 @!p3 $0x13C00;
	[sflag:s18] =	ssyncset.done $0x0;
	s3 =	sshrl.u32 @!p3 s0, $0x3  }
0x4e: {  	s24 =	rddreg [dreg:$0x3];
	[sflag:s18] =	ssyncadd.s32 $0xFFFFC000;
	s11 =	sadd.s32 @!p3 s6, s3  }
0x4f: {  	[tilespmem:s14], [sflag:$0x1] =	stream.linear.gather @!p3 [hbm4b:s11+s1], $0x80, $0x38;
	[tilespmem:$0x1FF00] =	vst v63  }
0x50: {  	p4 =	sle.u32 s24, $0x0;
	s3 =	sadd.s32 @!p3 s29, s3;
	s11 =	simm.s32 @!p3 $0x13D80  }
0x51: {  	[tilespmem:s11], [sflag:$0x4] =	stream.linear.gather @!p3 [hbm4b:s3+s1], $0x80, $0x38;
	[tilespmem:$0x1FF00] =	vst v63  }
0x52: {  	s1 =	simm.s32 @!p4 $0x3  }
0x53: {  	_ =	swait.ge @!p4 [sflag:s1], $0x80  }
0x54: {  	s7 =	simm.s32 @!p4 $0x80;
	[sflag:s1] =	ssyncset.done @!p4 $0x0  }
0x55: {  	s3 =	simm.s32 @!p4 $0x1BF00;
	s11 =	simm.s32 @!p4 $0x13D00;
	[sflag:s1] =	ssyncadd.s32 @!p4 $0xFFFFFF80  }
0x56: {  	[tilespmem:s3], [sflag:$0x9] =	stream.indirect.gather @!p4 [hbm4b:s5+s7], $0x80, s11, s7, $0xb8;
	[tilespmem:$0x1FF00] =	vst v63  }
0x57: {  	_ =	swait.ge [sflag:s19], $0x80  }
0x58: {  	[sflag:s19] =	ssyncset.done $0x0  }
0x59: {  	[sflag:s19] =	ssyncadd.s32 $0xFFFFFF80  }
0x5a: {  	_ =	swait.ge [sflag:s20], $0x4000  }
0x5b: {  	[sflag:s20] =	ssyncset.done $0x0  }
0x5c: {  	[sflag:s20] =	ssyncadd.s32 $0xFFFFC000  }
0x5d: {  	[spmem:s2] =	stream.indirect.scatter.add.f32 [tilespmem:s15], [sflag:$0xA], $0x80, s10, s12, $0xb8;
	[tilespmem:$0x1FF00] =	vst v63  }
0x5e: {  	p4 =	sle.u32 s4, $0x4;
	_ =	swait.ge [sflag:s18], $0x4000  }
0x5f: {  	s1 =	sadd.s32 @!p4 s6, s23;
	[sflag:s18] =	ssyncset.done $0x0  }
0x60: {  	s3 =	simm.s32 @!p4 $0x0;
	s30 =	simm.s32 @!p4 $0x13C80;
	[sflag:s18] =	ssyncadd.s32 $0xFFFFC000  }
0x61: {  	[tilespmem:s30], [sflag:$0x2] =	stream.linear.gather @!p4 [hbm4b:s1+s3], $0x80, $0x38;
	[tilespmem:$0x1FF00] =	vst v63  }
0x62: {  	s11 =	simm.s32 @!p3 $0x1;
	s7 =	sadd.s32 @!p4 s29, s23;
	s1 =	simm.s32 @!p4 $0x13E00  }
0x63: {  	[tilespmem:s1], [sflag:$0x5] =	stream.linear.gather @!p4 [hbm4b:s7+s3], $0x80, $0x38;
	[tilespmem:$0x1FF00] =	vst v63  }
0x64: {  	_ =	swait.ge @!p3 [sflag:s11], $0x80  }
0x65: {  	[sflag:s11] =	ssyncset.done @!p3 $0x0  }
0x66: {  	s1 =	simm.s32 @!p3 $0x80;
	s3 =	simm.s32 @!p3 $0x13F00;
	[sflag:s11] =	ssyncadd.s32 @!p3 $0xFFFFFF80  }
0x67: {  	[tilespmem:s3], [sflag:$0x7] =	stream.indirect.gather @!p3 [hbm4b:s5+s1], $0x80, s14, s1, $0xb8;
	[tilespmem:$0x1FF00] =	vst v63  }
0x68: {  	_ =	swait.ge [sflag:s21], $0x80  }
0x69: {  	[sflag:s21] =	ssyncset.done $0x0  }
0x6a: {  	[sflag:s21] =	ssyncadd.s32 $0xFFFFFF80  }
0x6b: {  	_ =	swait.ge [sflag:s31], $0x4000  }
0x6c: {  	[sflag:s31] =	ssyncset.done $0x0  }
0x6d: {  	s26 =	rddreg [dreg:$0x4];
	[sflag:s31] =	ssyncadd.s32 $0xFFFFC000  }
0x6e: {  	[spmem:s2] =	stream.indirect.scatter.add.f32 [tilespmem:s26], [sflag:$0xA], $0x80, s25, s12, $0xb8;
	[tilespmem:$0x1FF00] =	vst v63  }
0x6f: {  	p3 =	sle.u32 s4, $0x5;
	_ =	swait.ge [sflag:s18], $0x4000  }
0x70: {  	p5 =	sne.s32 s9, $0x3;
	s1 =	sadd.s32 @!p3 s6, s22;
	[sflag:s18] =	ssyncset.done $0x0  }
0x71: {  	s3 =	simm.s32 @!p3 $0x0;
	s7 =	simm.s32 @!p3 $0x13D00;
	[sflag:s18] =	ssyncadd.s32 $0xFFFFC000  }
0x72: {  	[tilespmem:s7], [sflag:$0x3] =	stream.linear.gather @!p3 [hbm4b:s1+s3], $0x80, $0x38;
	[tilespmem:$0x1FF00] =	vst v63  }
.Ltmp0:
0x73: {  	s28 =	sadd.s32 $0x180, s0;
	s24 =	simm.s32 @!p4 $0x17F00;
	(pc) =	sbr.rel @!p5 .LBB2_3-.Ltmp0, $4  }
0x74: {  	s10 =	simm.s32 $0x13E00;
	s1 =	simm.s32 @!p3 $0x13E80;
	s7 =	sadd.s32 @!p3 s29, s22  }
0x75: {  	[tilespmem:s1], [sflag:$0x6] =	stream.linear.gather @!p3 [hbm4b:s7+s3], $0x80, $0x38;
	[tilespmem:$0x1FF00] =	vst v63  }
0x76: {  	s14 =	simm.s32 @!p4 $0x80;
	s26 =	simm.s32 $0x3;
	s3 =	simm.s32 @!p4 $0x2  }
0x77: {  	s1 =	sadd.s32 $0x30, s6;
	s7 =	smov.u32 s29;
	_ =	swait.ge @!p4 [sflag:s3], $0x80  }
.LBB2_2:
0x78: {  	[sflag:s3] =	ssyncset.done @!p4 $0x0  }
0x79: {  	[sflag:s3] =	ssyncadd.s32 @!p4 $0xFFFFFF80  }
0x7a: {  	[tilespmem:s24], [sflag:$0x8] =	stream.indirect.gather @!p4 [hbm4b:s5+s14], $0x80, s30, s14, $0xb8;
	[tilespmem:$0x1FF00] =	vst v63  }
0x7b: {  	_ =	swait.ge [sflag:s16], $0x80  }
0x7c: {  	[sflag:s16] =	ssyncset.done $0x0  }
0x7d: {  	[sflag:s16] =	ssyncadd.s32 $0xFFFFFF80  }
0x7e: {  	_ =	swait.ge [sflag:s17], $0x4000  }
0x7f: {  	s11 =	smov.u32 s26;
	s26 =	sadd.s32 $0x3, s26;
	[sflag:s17] =	ssyncset.done $0x0  }
0x80: {  	p5 =	sge.u32 s26, s4;
	[sflag:s17] =	ssyncadd.s32 $0xFFFFC000  }
0x81: {  	[spmem:s2] =	stream.indirect.scatter.add.f32 [tilespmem:s13], [sflag:$0xA], $0x80, s8, s12, $0xb8;
	[tilespmem:$0x1FF00] =	vst v63  }
0x82: {  	s14 =	simm.s32 @!p5 $0x0;
	_ =	swait.ge [sflag:s18], $0x4000  }
0x83: {  	s24 =	sshrl.u32 @!p5 s28, $0x3;
	s3 =	simm.s32 @!p5 $0x13C00;
	[sflag:s18] =	ssyncset.done $0x0  }
0x84: {  	s25 =	sadd.s32 @!p5 s6, s24;
	s30 =	rddreg [dreg:$0x3];
	[sflag:s18] =	ssyncadd.s32 $0xFFFFC000  }
0x85: {  	[tilespmem:s3], [sflag:$0x1] =	stream.linear.gather @!p5 [hbm4b:s25+s14], $0x80, $0x38;
	[tilespmem:$0x1FF00] =	vst v63  }
0x86: {  	s24 =	sadd.s32 @!p5 s29, s24;
	p4 =	sge.u32 s11, s30;
	s25 =	simm.s32 @!p5 $0x13D80  }
0x87: {  	[tilespmem:s25], [sflag:$0x4] =	stream.linear.gather @!p5 [hbm4b:s24+s14], $0x80, $0x38;
	[tilespmem:$0x1FF00] =	vst v63  }
0x88: {  	s14 =	simm.s32 @!p4 $0x3  }
0x89: {  	_ =	swait.ge @!p4 [sflag:s14], $0x80  }
0x8a: {  	s30 =	simm.s32 @!p4 $0x13D00;
	[sflag:s14] =	ssyncset.done @!p4 $0x0  }
0x8b: {  	s24 =	simm.s32 @!p4 $0x1BF00;
	s25 =	simm.s32 @!p4 $0x80;
	[sflag:s14] =	ssyncadd.s32 @!p4 $0xFFFFFF80  }
0x8c: {  	[tilespmem:s24], [sflag:$0x9] =	stream.indirect.gather @!p4 [hbm4b:s5+s25], $0x80, s30, s25, $0xb8;
	[tilespmem:$0x1FF00] =	vst v63  }
0x8d: {  	_ =	swait.ge [sflag:s19], $0x80  }
0x8e: {  	[sflag:s19] =	ssyncset.done $0x0  }
0x8f: {  	[sflag:s19] =	ssyncadd.s32 $0xFFFFFF80  }
0x90: {  	_ =	swait.ge [sflag:s20], $0x4000  }
0x91: {  	[sflag:s20] =	ssyncset.done $0x0  }
0x92: {  	s0 =	sadd.s32 $0x4, s11;
	[sflag:s20] =	ssyncadd.s32 $0xFFFFC000  }
0x93: {  	[spmem:s2] =	stream.indirect.scatter.add.f32 [tilespmem:s15], [sflag:$0xA], $0x80, s10, s12, $0xb8;
	[tilespmem:$0x1FF00] =	vst v63  }
0x94: {  	p4 =	sge.u32 s0, s4;
	_ =	swait.ge [sflag:s18], $0x4000  }
0x95: {  	s7 =	sadd.s32 $0x30, s7;
	s14 =	sadd.s32 @!p4 s1, s23;
	[sflag:s18] =	ssyncset.done $0x0  }
0x96: {  	s25 =	simm.s32 @!p4 $0x0;
	s30 =	simm.s32 @!p4 $0x13C80;
	[sflag:s18] =	ssyncadd.s32 $0xFFFFC000  }
0x97: {  	[tilespmem:s30], [sflag:$0x2] =	stream.linear.gather @!p4 [hbm4b:s14+s25], $0x80, $0x38;
	[tilespmem:$0x1FF00] =	vst v63  }
0x98: {  	s8 =	simm.s32 @!p5 $0x1;
	s24 =	simm.s32 @!p4 $0x13E00;
	s0 =	sadd.s32 @!p4 s7, s23  }
0x99: {  	[tilespmem:s24], [sflag:$0x5] =	stream.linear.gather @!p4 [hbm4b:s0+s25], $0x80, $0x38;
	[tilespmem:$0x1FF00] =	vst v63  }
0x9a: {  	_ =	swait.ge @!p5 [sflag:s8], $0x80  }
0x9b: {  	[sflag:s8] =	ssyncset.done @!p5 $0x0  }
0x9c: {  	s0 =	simm.s32 @!p5 $0x80;
	s25 =	simm.s32 @!p5 $0x13F00;
	[sflag:s8] =	ssyncadd.s32 @!p5 $0xFFFFFF80  }
0x9d: {  	[tilespmem:s25], [sflag:$0x7] =	stream.indirect.gather @!p5 [hbm4b:s5+s0], $0x80, s3, s0, $0xb8;
	[tilespmem:$0x1FF00] =	vst v63  }
0x9e: {  	_ =	swait.ge [sflag:s21], $0x80  }
0x9f: {  	[sflag:s21] =	ssyncset.done $0x0  }
0xa0: {  	[sflag:s21] =	ssyncadd.s32 $0xFFFFFF80  }
0xa1: {  	p3 =	sne.s32 s9, s26;
	s28 =	sadd.s32 $0x180, s28;
	_ =	swait.ge [sflag:s31], $0x4000  }
0xa2: {  	s11 =	sadd.s32 $0x5, s11;
	s14 =	simm.s32 @!p4 $0x80;
	[sflag:s31] =	ssyncset.done $0x0  }
0xa3: {  	s25 =	simm.s32 $0x13E80;
	s8 =	rddreg [dreg:$0x4];
	[sflag:s31] =	ssyncadd.s32 $0xFFFFC000  }
0xa4: {  	[spmem:s2] =	stream.indirect.scatter.add.f32 [tilespmem:s8], [sflag:$0xA], $0x80, s25, s12, $0xb8;
	[tilespmem:$0x1FF00] =	vst v63  }
0xa5: {  	s24 =	simm.s32 @!p4 $0x17F00;
	p5 =	sge.u32 s11, s4;
	_ =	swait.ge [sflag:s18], $0x4000  }
0xa6: {  	s0 =	sadd.s32 @!p5 s1, s22;
	s11 =	simm.s32 @!p5 $0x0;
	[sflag:s18] =	ssyncset.done $0x0  }
.Ltmp1:
0xa7: {  	s3 =	simm.s32 @!p5 $0x13D00;
	[sflag:s18] =	ssyncadd.s32 $0xFFFFC000;
	(pc) =	sbr.rel @p3 .LBB2_2-.Ltmp1, $4  }
0xa8: {  	[tilespmem:s3], [sflag:$0x3] =	stream.linear.gather @!p5 [hbm4b:s0+s11], $0x80, $0x38;
	[tilespmem:$0x1FF00] =	vst v63  }
0xa9: {  	s8 =	simm.s32 @!p5 $0x13E80;
	s0 =	sadd.s32 @!p5 s7, s22;
	s3 =	simm.s32 @!p4 $0x2  }
0xaa: {  	[tilespmem:s8], [sflag:$0x6] =	stream.linear.gather @!p5 [hbm4b:s0+s11], $0x80, $0x38;
	[tilespmem:$0x1FF00] =	vst v63  }
0xab: {  	s1 =	sadd.s32 $0x30, s1;
	s8 =	simm.s32 $0x13D80;
	_ =	swait.ge @!p4 [sflag:s3], $0x80  }
.LBB2_3:
0xac: {  	[sflag:s3] =	ssyncset.done @!p4 $0x0  }
0xad: {  	s0 =	simm.s32 @!p0 $0x4;
	[sflag:s3] =	ssyncadd.s32 @!p4 $0xFFFFFF80  }
0xae: {  	[tilespmem:s24], [sflag:$0x8] =	stream.indirect.gather @!p4 [hbm4b:s5+s14], $0x80, s30, s14, $0xb8;
	[tilespmem:$0x1FF00] =	vst v63  }
0xaf: {  	_ =	swait.ge @!p0 [sflag:s0], $0x80  }
0xb0: {  	[sflag:s0] =	ssyncset.done @!p0 $0x0  }
0xb1: {  	[sflag:s0] =	ssyncadd.s32 @!p0 $0xFFFFFF80;
	s0 =	simm.s32 @!p0 $0x7  }
0xb2: {  	_ =	swait.ge @!p0 [sflag:s0], $0x4000  }
0xb3: {  	s1 =	simm.s32 @!p0 $0x13D80;
	[sflag:s0] =	ssyncset.done @!p0 $0x0  }
0xb4: {  	s3 =	simm.s32 @!p0 $0x13F00;
	[sflag:s0] =	ssyncadd.s32 @!p0 $0xFFFFC000;
	s0 =	simm.s32 @!p0 $0x80  }
0xb5: {  	[spmem:s2] =	stream.indirect.scatter.add.f32 @!p0 [tilespmem:s3], [sflag:$0xA], $0x80, s1, s0, $0xb8;
	[tilespmem:$0x1FF00] =	vst v63  }
0xb6: {  	s0 =	simm.s32 @!p0 $0xA  }
0xb7: {  	_ =	swait.ge @!p0 [sflag:s0], $0x4000  }
0xb8: {  	[sflag:s0] =	ssyncset.done @!p0 $0x0  }
0xb9: {  	[sflag:s0] =	ssyncadd.s32 @!p0 $0xFFFFC000  }
0xba: {  	s26 =	stileid.u32;
	[bflag:$0x0] =	sbarrier.arrive $0xFFFF  }
0xbb: {  	s0 =	sshll.u32 s26, $0x6;
	s28 =	rddreg [dreg:$0x6]  }
0xbc: {  	s0 =	sor.u32 $0x1C0A, s0;
	s30 =	rddreg [dreg:$0x13]  }
0xbd: {  	[hbm:s28], [sflag:s0] =	dma.local [spmem:s30], $0x800  }
0xbe: {  	_ =	swait.ge [sflag:s18], $0x800  }
0xbf: {  	[sflag:s18] =	ssyncset.done $0x0;
	s7 =	rddreg [dreg:$0x7]  }
0xc0: {  	s10 =	rddreg [dreg:$0x14];
	[sflag:s18] =	ssyncadd.s32 $0xFFFFF800  }
0xc1: {  	[hbm:s7], [sflag:s0] =	dma.local [spmem:s10], $0x800  }
0xc2: {  	_ =	swait.ge [sflag:s18], $0x800  }
0xc3: {  	[sflag:s18] =	ssyncset.done $0x0;
	s11 =	rddreg [dreg:$0x8]  }
0xc4: {  	s14 =	rddreg [dreg:$0x15];
	[sflag:s18] =	ssyncadd.s32 $0xFFFFF800  }
0xc5: {  	[hbm:s11], [sflag:s0] =	dma.local [spmem:s14], $0x800  }
0xc6: {  	_ =	swait.ge [sflag:s18], $0x800  }
0xc7: {  	[sflag:s18] =	ssyncset.done $0x0;
	s24 =	rddreg [dreg:$0x9]  }
0xc8: {  	s26 =	rddreg [dreg:$0x16];
	[sflag:s18] =	ssyncadd.s32 $0xFFFFF800  }
0xc9: {  	[hbm:s24], [sflag:s0] =	dma.local [spmem:s26], $0x800  }
0xca: {  	_ =	swait.ge [sflag:s18], $0x800  }
0xcb: {  	[sflag:s18] =	ssyncset.done $0x0;
	s1 =	rddreg [dreg:$0xa]  }
0xcc: {  	s3 =	rddreg [dreg:$0x17];
	[sflag:s18] =	ssyncadd.s32 $0xFFFFF800  }
0xcd: {  	[hbm:s1], [sflag:s0] =	dma.local @!p2 [spmem:s3], $0x800  }
0xce: {  	s0 =	simm.s32 @!p2 $0xA  }
0xcf: {  	_ =	swait.ge @!p2 [sflag:s0], $0x800  }
0xd0: {  	s28 =	rddreg [dreg:$0x18]  }
0xd1: {  	s30 =	rddreg [dreg:$0x11];
	s3 =	sadd.s32 $0x1, s28  }
0xd2: {  	p3 =	sne.s32 s3, s30  }
.Ltmp2:
0xd3: {  	_ = 	snop;
	(pc) =	sbr.rel @p3 .LBB2_1-.Ltmp2, $3  }
0xd4: {  	_ =	sdelay $0x1  }
0xd5: {  	[sflag:s0] =	ssyncset.done @!p2 $0x0  }
0xd6: {  	s10 =	simm.s32 $0x13E00;
	[sflag:s0] =	ssyncadd.s32 @!p2 $0xFFFFF800  }
0xd7: {  	_ =	sfence.sel $0x180000  }
0xd8: {  	[bflag:$0x0] =	sbarrier.arrive $0xFFFF  }
0xd9: {  	_ =	strace $0x9000004D  }
0xda: {  	[bflag:$0x2] =	sbarrier.arrive $0xFFFF  }
0xdb: {  	s0 =	rddreg [dreg:$0x2]  }
0xdc: {  	s0 =	sadd.s32 @!p1 $0x100000, s0  }
0xdd: {  	[sflag:s0] =	ssyncadd.tile.s32 @!p1 $0x1;
	_ =	shalt  }
.Lfunc_end2:
_tile_overlayer_lowered:
.L_overlay_start_2:
0xde: {  	(tag) =	ssettag $0x2  }
0xdf: {  	s0 =	rddreg [dreg:$0x0];
	s2 =	stileid.u32  }
0xe0: {  	s1 =	rddreg [dreg:$0x1];
	p0 =	sne.s32 s2, $0x0  }
0xe1: {  	s3 =	rddreg [dreg:$0x2];
	[bflag:$0x3] =	sbarrier.arrive $0xFFFF;
	s2 =	simm.s32 @!p0 $0x1C0A  }
0xe2: {  	[timem:s3], [sflag:s2] =	dma.local @!p0 [hbm:s0], s1  }
0xe3: {  	s0 =	simm.s32 @!p0 $0xA  }
0xe4: {  	_ =	swait.ge @!p0 [sflag:s0], s1  }
0xe5: {  	s1 =	ssub.s32 @!p0 $0x0, s1;
	[sflag:s0] =	ssyncset.done @!p0 $0x0  }
0xe6: {  	[sflag:s0] =	ssyncadd.s32 @!p0 s1  }
0xe7: {  	[bflag:$0x3] =	sbarrier.arrive $0xFFFF  }
0xe8: {  	_ =	shalt  }

// kernel: kernel.8.cloned.1.call-start
scs
__scs_entry_jumppad:
0x0: {  	(pc) =	sbr.rel $0x88, $3  }
0x1: {  	(tag) =	ssettag $0x0;
	lr =	simm.s32 $0x1  }
0x2: {  	[smem:$0x3F96] =	sst lr;
	_ =	strace $0xD0000000  }
0x3: {  	_ = 	snop  }
0x4: {  	_ = 	snop  }
0x5: {  	_ = 	snop  }
0x6: {  	_ = 	snop  }
0x7: {  	_ = 	snop  }
__scs_overlays_trampoline_lowered:
0x8: {  	[smem:$0x3FA5] =	sst s0  }
0x9: {  	[smem:$0x3FA6] =	sst s1  }
0xa: {  	[smem:$0x3FA7] =	sst s2  }
0xb: {  	[smem:$0x3FA8] =	sst s3  }
0xc: {  	[smem:$0x3FA9] =	sst s4  }
0xd: {  	[smem:$0x3FAA] =	sst s5  }
0xe: {  	[smem:$0x3FAB] =	sst s6  }
0xf: {  	[smem:$0x3FAC] =	sst s7  }
0x10: {  	[smem:$0x3FAD] =	sst s8  }
0x11: {  	[smem:$0x3FAE] =	sst s9;
	s0 =	simm.s32 @!p0 $0x0  }
0x12: {  	s1 =	sld [smem:$0x3F94];
	s0 =	simm.s32 @p0 $0x1  }
0x13: {  	[smem:$0x3FAF] =	sst s0;
	s0 =	simm.s32 @!p1 $0x0  }
0x14: {  	s2 =	sld [smem:$0x3F93];
	s0 =	simm.s32 @p1 $0x1  }
0x15: {  	[smem:$0x3FB0] =	sst s0;
	s0 =	simm.s32 @!p2 $0x0  }
0x16: {  	s3 =	sld [smem:$0x3FDB];
	s0 =	simm.s32 @p2 $0x1  }
0x17: {  	s4 =	simm.s32 $0x1BF5;
	[smem:$0x3FB2] =	sst s0  }
0x18: {  	s0 =	sld [smem:$0x3F95];
	_ =	swait.ge [sflag:s4], $0x0  }
0x19: {  	s7 =	sld [smem:$0x3F96]  }
0x1a: {  	s8 =	sadd.s32 $0xFFFFE003, lr  }
0x1b: {  	s9 =	sadd.s32 $0xFFFFFEF7, lr;
	s5 =	simm.s32 $0xFFFFFFFF;
	p2 =	slt.u32 s8, $0xFFFFF086  }
0x1c: {  	p1 =	slt.u32 s9, $0xF7A;
	s5 =	simm.s32 @!p2 $0x0  }
0x1d: {  	s5 =	simm.s32 @p1 $0x1;
	p0 =	seq.s32 s7, s2  }
0x1e: {  	s7 =	smul.u32 @!p0 $0xF7A, s2;
	p2 =	seq.s32 @!p0 s5, $0x0  }
0x1f: {  	s9 =	smul.u32 $0xF7A, s1;
	s8 =	simm.s32 @!p0 $0x1BF5;
	p2 =	por !p2, p0  }
0x20: {  	[sflag:s8] =	ssyncset.s32 @!p0 $0xFFFFF086;
	s6 =	sadd.s32 @!p0 s3, s7;
	s7 =	simm.s32 @!p0 $0x108  }
0x21: {  	s3 =	sadd.s32 s3, s9;
	s6 =	sadd.s32 @!p0 $0x88, s6;
	s7 =	simm.s32 @p2 $0x1082  }
0x22: {  	[simem:s7], [sflag:s8] =	dma.local @!p0 [hbm:s6], $0xF7A  }
0x23: {  	s9 =	sor.u32 $0xD0000000, s2;
	s6 =	simm.s32 $0x108;
	_ =	swait.ge @!p0 [sflag:s8], $0x0  }
0x24: {  	s3 =	sadd.s32 $0x88, s3;
	s6 =	simm.s32 @!p1 $0x1082;
	[sflag:s4] =	ssyncset.s32 $0xFFFFF086  }
0x25: {  	[simem:s6], [sflag:s4] =	dma.local [hbm:s3], $0xF7A  }
0x26: {  	[smem:$0x3F96] =	sst s1;
	(tag) =	ssettag s2;
	_ =	strace s9  }
0x27: {  	s1 =	sld [smem:$0x3FA6]  }
0x28: {  	s2 =	sld [smem:$0x3FA7]  }
0x29: {  	s4 =	sld [smem:$0x3FA9]  }
0x2a: {  	p0 =	seq.s32 s5, $0x0;
	s5 =	sld [smem:$0x3FAA]  }
0x2b: {  	s6 =	sld [smem:$0x3FAB]  }
0x2c: {  	s7 =	sld [smem:$0x3FAC]  }
0x2d: {  	s3 =	simm.s32 $0x108;
	s8 =	sld [smem:$0x3FAD]  }
0x2e: {  	s3 =	simm.s32 @!p0 $0x1082;
	s9 =	sld [smem:$0x3FAE]  }
0x2f: {  	lr =	sadd.s32 s0, s3;
	s0 =	sld [smem:$0x3FA5]  }
0x30: {  	s3 =	sld [smem:$0x3FA8]  }
0x31: {  	[smem:$0x3FB1] =	sst s10  }
0x32: {  	s10 =	sld [smem:$0x3FAF];
	_ =	sdelay $0x3  }
0x33: {  	p0 =	seq.s32 s10, $0x1;
	s10 =	sld [smem:$0x3FB1];
	_ =	sdelay $0x3  }
0x34: {  	[smem:$0x3FB1] =	sst s10  }
0x35: {  	s10 =	sld [smem:$0x3FB0];
	_ =	sdelay $0x3  }
0x36: {  	p1 =	seq.s32 s10, $0x1;
	s10 =	sld [smem:$0x3FB1];
	_ =	sdelay $0x3  }
0x37: {  	[smem:$0x3FB1] =	sst s10  }
0x38: {  	s10 =	sld [smem:$0x3FB2]  }
0x39: {  	_ = 	snop;
	(pc) =	sbr.ind lr, $3  }
0x3a: {  	_ = 	snop  }
0x3b: {  	_ = 	snop  }
0x3c: {  	p2 =	seq.s32 s10, $0x1;
	s10 =	sld [smem:$0x3FB1]  }
0x3d: {  	_ =	shalt  }
0x3e: {  	_ =	shalt  }
0x3f: {  	_ =	shalt  }
0x40: {  	_ =	shalt  }
0x41: {  	_ =	shalt  }
0x42: {  	_ =	shalt  }
0x43: {  	_ =	shalt  }
0x44: {  	_ =	shalt  }
0x45: {  	_ =	shalt  }
0x46: {  	_ =	shalt  }
0x47: {  	_ =	shalt  }
0x48: {  	_ =	shalt  }
0x49: {  	_ =	shalt  }
0x4a: {  	_ =	shalt  }
0x4b: {  	_ =	shalt  }
0x4c: {  	_ =	shalt  }
0x4d: {  	_ =	shalt  }
0x4e: {  	_ =	shalt  }
0x4f: {  	_ =	shalt  }
0x50: {  	_ =	shalt  }
0x51: {  	_ =	shalt  }
0x52: {  	_ =	shalt  }
0x53: {  	_ =	shalt  }
0x54: {  	_ =	shalt  }
0x55: {  	_ =	shalt  }
0x56: {  	_ =	shalt  }
0x57: {  	_ =	shalt  }
0x58: {  	_ =	shalt  }
0x59: {  	_ =	shalt  }
0x5a: {  	_ =	shalt  }
0x5b: {  	_ =	shalt  }
0x5c: {  	_ =	shalt  }
0x5d: {  	_ =	shalt  }
0x5e: {  	_ =	shalt  }
0x5f: {  	_ =	shalt  }
0x60: {  	_ =	shalt  }
0x61: {  	_ =	shalt  }
0x62: {  	_ =	shalt  }
0x63: {  	_ =	shalt  }
0x64: {  	_ =	shalt  }
0x65: {  	_ =	shalt  }
0x66: {  	_ =	shalt  }
0x67: {  	_ =	shalt  }
0x68: {  	_ =	shalt  }
0x69: {  	_ =	shalt  }
0x6a: {  	_ =	shalt  }
0x6b: {  	_ =	shalt  }
0x6c: {  	_ =	shalt  }
0x6d: {  	_ =	shalt  }
0x6e: {  	_ =	shalt  }
0x6f: {  	_ =	shalt  }
0x70: {  	_ =	shalt  }
0x71: {  	_ =	shalt  }
0x72: {  	_ =	shalt  }
0x73: {  	_ =	shalt  }
0x74: {  	_ =	shalt  }
0x75: {  	_ =	shalt  }
0x76: {  	_ =	shalt  }
0x77: {  	_ =	shalt  }
0x78: {  	_ =	shalt  }
0x79: {  	_ =	shalt  }
0x7a: {  	_ =	shalt  }
0x7b: {  	_ =	shalt  }
0x7c: {  	_ =	shalt  }
0x7d: {  	_ =	shalt  }
0x7e: {  	_ =	shalt  }
0x7f: {  	_ =	shalt  }
0x80: {  	_ =	shalt  }
0x81: {  	_ =	shalt  }
0x82: {  	_ =	shalt  }
0x83: {  	_ =	shalt  }
0x84: {  	_ =	shalt  }
0x85: {  	_ =	shalt  }
0x86: {  	_ =	shalt  }
0x87: {  	_ =	shalt  }
.Lfunc_end0:
.L_simem_size_0:
called_computation_lowered:
.L_overlay_start_0:
0x88: {  	s2 =	sld [smem:$0x3FD9]  }
0x89: {  	s3 =	sld [smem:$0x3FFE];
	_ =	sdelay $0x1  }
0x8a: {  	s1 =	srdreg.scid  }
0x8b: {  	s0 =	sand.u32 $0x1, s1  }
0x8c: {  	s17 =	sshll.u32 s0, $0xA;
	s2 =	sadd.s32 s3, s2  }
0x8d: {  	s2 =	sadd.s32 s2, s17  }
0x8e: {  	[smem:$0x3FBD] =	sst s2  }
0x8f: {  	_ = 	snop  }
0x90: {  	s2 =	sld [smem:$0x3FC6]  }
0x91: {  	s18 =	sld [smem:$0x3FD0];
	(tm) =	ssettm $0x1  }
0x92: {  	s4 =	sld [smem:$0x3FFB];
	_ =	sdelay $0x3  }
0x93: {  	_ =	strace s4  }
0x94: {  	s4 =	sld [smem:$0x3FFC];
	_ =	sdelay $0x3  }
0x95: {  	_ =	strace s4  }
0x96: {  	s4 =	sld [smem:$0x3FFD];
	_ =	sdelay $0x3  }
0x97: {  	_ =	strace s4  }
0x98: {  	_ =	strace $0x8FFFFFFF  }
0x99: {  	s19 =	sld [smem:$0x3FDB];
	_ =	sdelay $0x1  }
0x9a: {  	s5 =	simm.s32 $_scs_section_size  }
0x9b: {  	s6 =	simm.s32 $_size__tile_overlayer_lowered;
	s7 =	simm.s32 $_tile_overlayer_lowered  }
0x9c: {  	s22 =	simm.s32 $0x1BFF;
	s21 =	sshll.u32 s7, $0x1;
	s4 =	sadd.s32 s5, s19  }
0x9d: {  	s8 =	simm.s32 $0x0;
	s20 =	sshll.u32 s6, $0x1;
	s6 =	sadd.s32 s21, s4  }
0x9e: {  	[timem:s8], [sflag:s22] =	dma.local [hbm:s6], s20  }
0x9f: {  	_ =	swait.ge [sflag:s22], s20  }
0xa0: {  	s5 =	ssub.s32 $0x0, s20;
	[sflag:s22] =	ssyncset.done $0x0  }
0xa1: {  	[sflag:s22] =	ssyncadd.s32 s5;
	_ =	sdelay $0x1  }
0xa2: {  	s23 =	simm.s32 $0x1B8B  }
0xa3: {  	_ =	swait.ge [sflag:s23], $0x1  }
0xa4: {  	[sflag:s23] =	ssyncset.done $0x0  }
0xa5: {  	s25 =	simm.s32 $0x1B8E;
	s24 =	sld [smem:$0x3FFE];
	[sflag:s23] =	ssyncadd.s32 $0xFFFFFFFF  }
0xa6: {  	s26 =	simm.s32 $execute0_lowered;
	[smem:$0x3FD2] =	sst s25  }
0xa7: {  	s6 =	sshll.u32 s26, $0x1;
	_ =	strace $0x80000046;
	[dreg:$0x1] =	wrdreg $0xFFFFFFFF  }
0xa8: {  	s28 =	simm.s32 $_size_execute0_lowered;
	s4 =	sadd.s32 s4, s6;
	[dreg:$0x0] =	wrdreg $0x0  }
0xa9: {  	s6 =	sshll.u32 s28, $0x1;
	[dreg:$0x2] =	wrdreg s4  }
0xaa: {  	[dreg:$0x3] =	wrdreg s6  }
0xab: {  	[dreg:$0x4] =	wrdreg $0xC0  }
0xac: {  	_ =	task [dreg:s8], $0x5FFFF  }
0xad: {  	[dreg:$0x1] =	wrdreg $0xFFFFFFFF  }
0xae: {  	[dreg:$0x0] =	wrdreg $0x60  }
0xaf: {  	[dreg:$0x2] =	wrdreg s2  }
0xb0: {  	[dreg:$0x3] =	wrdreg s18  }
0xb1: {  	[dreg:$0x4] =	wrdreg s24  }
0xb2: {  	[dreg:$0x5] =	wrdreg $0x9  }
0xb3: {  	_ =	task.clear_ibuf [dreg:s8], $0x6FFFF;
	_ =	strace $0x90000046  }
0xb4: {  	s29 =	simm.s32 $0x9;
	_ =	strace $0x80000048  }
0xb5: {  	_ =	swait.ge [sflag:s29], $0x1  }
0xb6: {  	[sflag:s29] =	ssyncadd.s32 $0xFFFFFFFF  }
0xb7: {  	_ =	strace $0x90000048  }
0xb8: {  	_ =	sfence  }
0xb9: {  	s30 =	sld [smem:$0x0];
	_ =	sdelay $0x2  }
0xba: {  	s31 =	sshll.u32 s1, $0xD;
	s1 =	sshrl.u32 s1, $0x2  }
0xbb: {  	s3 =	sand.u32 $0x4000, s31;
	s1 =	sadd.s32 s1, s30  }
0xbc: {  	s0 =	sor.u32 s3, s0;
	s1 =	sshll.u32 s1, $0x11  }
0xbd: {  	s0 =	sor.u32 s1, s0  }
0xbe: {  	s0 =	sadd.s32 $0x8F2B, s0  }
0xbf: {  	[sflag:s0] =	ssyncadd.remote.s32 $0x1  }
0xc0: {  	_ =	sfence.sel $0xFFFF  }
0xc1: {  	[dreg:$0x0] =	wrdreg $0xFFFFFFFF;
	(pc) =	sbr.abs _section_cstart, $3  }
0xc2: {  	[dreg:$0x1] =	wrdreg $0xFFFFFFFF  }
0xc3: {  	_ =	task.clear_ibuf [dreg:s8], $0x2FFFF;
	_ =	strace $0x9FFFFFFF  }
0xc4: {  	(tm) =	ssettm $0x7FFFFFFF  }
0xc5: {  	_ =	shalt  }
tec
execute0_lowered:
.L_overlay_start_1:
0x0: {  	(tag) =	ssettag $0x1  }
0x1: {  	s1 =	rddreg [dreg:$0x0]  }
0x2: {  	s9 =	rddreg [dreg:$0x1];
	s2 =	srdreg.scid  }
0x3: {  	s0 =	stileid.u32;
	s6 =	rddreg [dreg:$0x2]  }
0x4: {  	s3 =	simm.s32 $0x0;
	s18 =	simm.s32 $0x4200;
	s19 =	simm.s32 $0xA980  }
0x5: {  	s20 =	simm.s32 $0x1;
	s21 =	simm.s32 $0x2;
	s22 =	simm.s32 $0x3  }
0x6: {  	s23 =	simm.s32 $0x100;
	s24 =	simm.s32 $0x4;
	s25 =	simm.s32 $0x0  }
0x7: {  	s5 =	sand.u32 $0x1, s2;
	s4 =	sshll.u32 s0, $0x1;
	s2 =	rddreg [dreg:$0x3]  }
0x8: {  	[smem:$0x7FF] =	sst s3;
	s12 =	sadd.s32 $0x16800, s6;
	s15 =	sor.u32 s5, s4  }
0x9: {  	_ =	strace $0x80000047;
	s5 =	ssub.s32 $0x2, s5;
	s4 =	smul.u32 $0x4F0, s15  }
0xa: {  	s7 =	smul.u32 $0x500, s15;
	s26 =	sshrl.u32 s5, $0x1;
	s28 =	sshll.u32 s15, $0x7  }
0xb: {  	s10 =	sor.u32 $0x40, s15;
	s29 =	sshll.u32 s15, $0x4;
	s31 =	sshll.u32 s15, $0xB  }
0xc: {  	p0 =	seq.s32 s15, $0x1F;
	p1 =	sgt.u32 s15, $0xE;
	s15 =	simm.s32 $0x5  }
0xd: {  	s14 =	ssub.s32 s5, s26;
	s11 =	sor.u32 $0x1000, s28;
	s16 =	sshll.u32 s10, $0x4  }
0xe: {  	s17 =	sshll.u32 s10, $0xB;
	s10 =	sadd.s32 s12, s31;
	s8 =	sadd.s32 s4, s6  }
0xf: {  	s4 =	sadd.s32 $0x16200, s6;
	s13 =	sadd.s32 s7, s6;
	s6 =	sadd.s32 $0x15D10, s6  }
0x10: {  	s30 =	sshrl.u32 s11, $0x3;
	s7 =	sadd.s32 s9, s29;
	s11 =	sshll.u32 s11, $0x4  }
0x11: {  	s14 =	smax.u32 s14, $0x1;
	s5 =	sadd.s32 $0xC400, s8;
	s8 =	sadd.s32 s9, s30  }
0x12: {  	s9 =	sadd.s32 s9, s16;
	s11 =	sadd.s32 s12, s11;
	s12 =	sadd.s32 s12, s17  }
0x13: {  	v0 =	vimm.f32 $1.000000000e+00;
	s13 =	sadd.s32 $0x3E000, s13;
	s16 =	simm.s32 $0x80;
	s17 =	simm.s32 $0x200  }
.LBB2_1:
0x14: {  	s26 =	simm.s32 @p0 $0x0;
	s28 =	simm.s32 @p0 $0x8200  }
0x15: {  	[tilespmem:s28], [sflag:$0x4] =	stream.linear.gather @p0 [hbm4b:s6+s26], $0x1980, $0x38;
	[tilespmem:$0xD180] =	vst v63  }
0x16: {  	s26 =	simm.s32 @!p0 $0x0;
	s28 =	simm.s32 @!p0 $0x8200  }
0x17: {  	[tilespmem:s28], [sflag:$0x4] =	stream.linear.gather @!p0 [hbm4b:s5+s26], $0x2780, $0x38;
	[tilespmem:$0xD180] =	vst v63  }
0x18: {  	_ = 	snop  }
0x19: {  	[tilespmem:s3], [sflag:$0x5] =	stream.linear.gather [hbm4b:s7+s3], $0x80, $0x38;
	[tilespmem:$0xD180] =	vst v63  }
0x1a: {  	_ =	swait.ge [sflag:s15], $0x80  }
0x1b: {  	[sflag:s15] =	ssyncset.done $0x0  }
0x1c: {  	[sflag:s15] =	ssyncadd.s32 $0xFFFFFF80  }
0x1d: {  	[tilespmem:s16], [sflag:$0x5] =	stream.linear.gather [hbm4b:s8+s3], $0x80, $0x38;
	[tilespmem:$0xD180] =	vst v63  }
0x1e: {  	_ =	swait.ge [sflag:s15], $0x80  }
0x1f: {  	[sflag:s15] =	ssyncset.done $0x0  }
0x20: {  	s26 =	simm.s32 @!p1 $0x0;
	s28 =	simm.s32 @!p1 $0x100;
	[sflag:s15] =	ssyncadd.s32 $0xFFFFFF80  }
0x21: {  	[tilespmem:s28], [sflag:$0x5] =	stream.linear.gather @!p1 [hbm4b:s9+s26], $0x80, $0x38;
	[tilespmem:$0xD180] =	vst v63  }
0x22: {  	s26 =	simm.s32 @!p1 $0x5  }
0x23: {  	_ =	swait.ge @!p1 [sflag:s26], $0x80  }
0x24: {  	[sflag:s26] =	ssyncset.done @!p1 $0x0  }
0x25: {  	[sflag:s26] =	ssyncadd.s32 @!p1 $0xFFFFFF80  }
0x26: {  	[tilespmem:s17], [sflag:$0x1] =	stream.indirect.gather [hbm4b:s1+s16], $0x80, s3, s16, $0xb8;
	[tilespmem:$0xD180] =	vst v63  }
0x27: {  	_ = 	snop  }
0x28: {  	[tilespmem:s18], [sflag:$0x2] =	stream.indirect.gather [hbm4b:s1+s16], $0x80, s16, s16, $0xb8;
	[tilespmem:$0xD180] =	vst v63  }
0x29: {  	_ = 	snop  }
0x2a: {  	[tilespmem:s19], [sflag:$0x5] =	stream.linear.gather [hbm4b:s4+s3], $0x2780, $0x38;
	[tilespmem:$0xD180] =	vst v63  }
0x2b: {  	_ =	swait.ge [sflag:s15], $0x2780  }
0x2c: {  	[sflag:s15] =	ssyncset.done $0x0  }
0x2d: {  	[sflag:s15] =	ssyncadd.s32 $0xFFFFD880  }
0x2e: {  	_ =	swait.ge [sflag:s20], $0x4000  }
0x2f: {  	[sflag:s20] =	ssyncset.done $0x0  }
0x30: {  	[sflag:s20] =	ssyncadd.s32 $0xFFFFC000  }
0x31: {  	[hbm4b:s10+s3] =	stream.linear.scatter [tilespmem:s17], [sflag:$0x3], $0x4000, $0x38;
	[tilespmem:$0xD180] =	vst v63  }
0x32: {  	_ =	swait.ge [sflag:s21], $0x4000  }
0x33: {  	[sflag:s21] =	ssyncset.done $0x0  }
0x34: {  	[sflag:s21] =	ssyncadd.s32 $0xFFFFC000  }
0x35: {  	[hbm4b:s11+s3] =	stream.linear.scatter [tilespmem:s18], [sflag:$0x5], $0x4000, $0x38;
	[tilespmem:$0xD180] =	vst v63  }
0x36: {  	_ =	swait.ge [sflag:s15], $0x4000  }
.Ltmp0:
0x37: {  	[sflag:s15] =	ssyncset.done $0x0;
	(pc) =	sbr.rel @p1 .LBB2_3-.Ltmp0, $4  }
0x38: {  	[sflag:s15] =	ssyncadd.s32 $0xFFFFC000  }
0x39: {  	_ =	swait.ge [sflag:s22], $0x4000  }
0x3a: {  	[sflag:s22] =	ssyncset.done $0x0  }
0x3b: {  	[sflag:s22] =	ssyncadd.s32 $0xFFFFC000  }
0x3c: {  	[tilespmem:s17], [sflag:$0x1] =	stream.indirect.gather [hbm4b:s1+s16], $0x80, s23, s16, $0xb8;
	[tilespmem:$0xD180] =	vst v63  }
0x3d: {  	_ =	swait.ge [sflag:s20], $0x4000  }
0x3e: {  	[sflag:s20] =	ssyncset.done $0x0  }
.Ltmp1:
0x3f: {  	[sflag:s20] =	ssyncadd.s32 $0xFFFFC000;
	(pc) =	sbr.rel .LBB2_4-.Ltmp1, $4  }
0x40: {  	[hbm4b:s12+s3] =	stream.linear.scatter [tilespmem:s17], [sflag:$0x5], $0x4000, $0x38;
	[tilespmem:$0xD180] =	vst v63  }
0x41: {  	_ =	swait.ge [sflag:s15], $0x4000  }
0x42: {  	[sflag:s15] =	ssyncset.done $0x0  }
0x43: {  	[sflag:s15] =	ssyncadd.s32 $0xFFFFC000  }
.LBB2_3:
.Ltmp2:
0x44: {  	(pc) =	sbr.rel @!p0 .LBB2_4-.Ltmp2, $1  }
0x45: {  	_ =	sdelay $0x3  }
.Ltmp3:
0x46: {  	(pc) =	sbr.rel .LBB2_6-.Ltmp3, $4  }
0x47: {  	_ = 	snop  }
0x48: {  	_ =	swait.ge [sflag:s24], $0x1980  }
0x49: {  	[sflag:s24] =	ssyncset.done $0x0  }
0x4a: {  	s28 =	simm.s32 $0x198;
	[sflag:s24] =	ssyncadd.s32 $0xFFFFE680  }
.LBB2_4:
0x4b: {  	_ =	swait.ge [sflag:s24], $0x2780  }
0x4c: {  	[sflag:s24] =	ssyncset.done $0x0  }
0x4d: {  	s28 =	simm.s32 $0x278;
	[sflag:s24] =	ssyncadd.s32 $0xFFFFD880  }
.LBB2_6:
0x4e: {  	p2 =	sne.s32 s28, $0x1  }
.Ltmp4:
0x4f: {  	_ = 	snop;
	(pc) =	sbr.rel @!p2 .LBB2_8-.Ltmp4, $3  }
0x50: {  	_ =	sdelay $0x1  }
0x51: {  	s26 =	simm.s32 $0x8200  }
0x52: {  	s28 =	sadd.s32 $0xFFFFFFFF, s28;
	v1 =	vld [tilespmem:s26+$0x0]  }
.LBB2_7:
0x53: {  	p2 =	sne.s32 s28, $0x1;
	_ =	sdelay $0x3  }
.Ltmp5:
0x54: {  	(pc) =	sbr.rel @p2 .LBB2_7-.Ltmp5, $3  }
0x55: {  	_ =	sdelay $0x1  }
0x56: {  	s26 =	sadd.s32 $0x10, s26;
	[tilespmem:v1+s19+$0x0] =	vst.idx.add.f32.msk $0xffff, v0  }
0x57: {  	s28 =	sadd.s32 $0xFFFFFFFF, s28;
	v1 =	vld [tilespmem:s26+$0x0]  }
.LBB2_8:
0x58: {  	_ =	sdelay $0x5  }
0x59: {  	s25 =	sadd.s32 $0x1, s25  }
0x5a: {  	p2 =	sne.s32 s25, s14  }
.Ltmp6:
0x5b: {  	[tilespmem:v1+s19+$0x0] =	vst.idx.add.f32.msk $0xffff, v0;
	(pc) =	sbr.rel @p2 .LBB2_1-.Ltmp6, $4  }
0x5c: {  	[hbm4b:s13+s3] =	stream.linear.scatter [tilespmem:s19], [sflag:$0x5], $0x2780, $0x38;
	[tilespmem:$0xD180] =	vst v63  }
0x5d: {  	_ =	swait.ge [sflag:s15], $0x2780  }
0x5e: {  	[sflag:s15] =	ssyncset.done $0x0  }
0x5f: {  	[sflag:s15] =	ssyncadd.s32 $0xFFFFD880  }
0x60: {  	_ =	sfence.sel $0x180000  }
0x61: {  	[bflag:$0x0] =	sbarrier.arrive $0xFFFF  }
0x62: {  	p0 =	sne.s32 s0, $0x0;
	_ =	strace $0x90000047  }
0x63: {  	s0 =	sadd.s32 @!p0 $0x100000, s2;
	[bflag:$0x2] =	sbarrier.arrive $0xFFFF  }
0x64: {  	[sflag:s0] =	ssyncadd.tile.s32 @!p0 $0x1;
	_ =	shalt  }
.Lfunc_end2:
_tile_overlayer_lowered:
.L_overlay_start_2:
0x65: {  	(tag) =	ssettag $0x2  }
0x66: {  	s0 =	rddreg [dreg:$0x0];
	s2 =	stileid.u32  }
0x67: {  	s1 =	rddreg [dreg:$0x1];
	p0 =	sne.s32 s2, $0x0  }
0x68: {  	s3 =	rddreg [dreg:$0x2];
	[bflag:$0x3] =	sbarrier.arrive $0xFFFF;
	s2 =	simm.s32 @!p0 $0x1C05  }
0x69: {  	[timem:s3], [sflag:s2] =	dma.local @!p0 [hbm:s0], s1  }
0x6a: {  	s0 =	simm.s32 @!p0 $0x5  }
0x6b: {  	_ =	swait.ge @!p0 [sflag:s0], s1  }
0x6c: {  	s1 =	ssub.s32 @!p0 $0x0, s1;
	[sflag:s0] =	ssyncset.done @!p0 $0x0  }
0x6d: {  	[sflag:s0] =	ssyncadd.s32 @!p0 s1  }
0x6e: {  	[bflag:$0x3] =	sbarrier.arrive $0xFFFF  }
0x6f: {  	_ =	shalt  }

</sc_bundles>
